<compile_context>
chip_gen: v7x
topology: tpu7x:2x2x1
jax: 0.10.2.dev20260603
libtpu: 0.0.44.dev20260713+nightly
codegen_flags: <defaults>
</compile_context>

<pallas_src>
import functools

import jax
import jax.numpy as jnp
from jax import lax
from jax.experimental import pallas as pl
from jax.experimental.pallas import tpu as pltpu, tpu_sc as plsc

_B, _T, _R, _C = 4, 8192, 129, 2
_TT, _TI = _T // 128, 128
_ROWS = _B * _R * _TT * _C
_NC, _NS = 2, 16
_NW = _NC * _NS
_RPW = _ROWS // _NW
_CHUNK = 48


def _make_sc_copy():
    mesh = plsc.VectorSubcoreMesh(core_axis_name="c", subcore_axis_name="s")

    @functools.partial(
        pl.kernel, mesh=mesh,
        out_type=jax.ShapeDtypeStruct((_ROWS, _TI), jnp.float32),
        scratch_types=[pltpu.VMEM((_CHUNK, _TI), jnp.float32)],
    )
    def k(x_hbm, o_hbm, buf):
        wid = lax.axis_index("s") * _NC + lax.axis_index("c")
        base = wid * _RPW
        for i in range(_RPW // _CHUNK):
            off = base + i * _CHUNK
            pltpu.sync_copy(x_hbm.at[pl.ds(off, _CHUNK)], buf)
            pltpu.sync_copy(buf, o_hbm.at[pl.ds(off, _CHUNK)])

    return k


def kernel(carrier_freq, src_token, tgt_token):
    x2d = (
        carrier_freq.transpose(0, 2, 1, 3)
        .reshape(_B, _R, _TT, _TI, _C)
        .transpose(0, 1, 2, 4, 3)
        .reshape(_ROWS, _TI)
    )
    out = _make_sc_copy()(x2d)
    return (
        out.reshape(_B, _R, _TT, _C, _TI)
        .transpose(0, 1, 2, 4, 3)
        .reshape(_B, _R, _T, _C)
        .transpose(0, 2, 1, 3)
    )

# --- scband reference (transcript-rebuilt; emitter-appended) ---
"""Pipeline reference for scband-arithmetic-greybox-module-20220706030182 (READ-ONLY COPY).

The authoritative reference and input builder live on the scoring server;
editing this copy changes nothing except your own understanding.
"""

import jax, jax.numpy as jnp
import numpy as np

NUM_PROTECTED = 20
REG_OP = 1
REG_DIGIT_START = 2
REG_DIGIT_END = 11


def _inject(carrier, src_token):
    # Faithful port of ArithmeticGreyboxModule.inject_arithmetic_state with
    # stateful buffers at their registered-init defaults:
    #   accumulator=0, current_number=0, operation=+1, reading_result=0,
    #   result_ready=0, computed_result=0
    start_token = 0
    plus_token = 11
    minus_token = 12
    equals_token = 13

    reg_idx = jnp.arange(carrier.shape[-2])
    col_idx = jnp.arange(carrier.shape[-1])
    col0 = (col_idx == 0)

    is_start = src_token == start_token
    is_digit = (src_token >= 1) & (src_token <= 10)
    is_plus = src_token == plus_token
    is_minus = src_token == minus_token
    is_equals = src_token == equals_token

    out = carrier  # functional clone

    prot = (reg_idx < NUM_PROTECTED)[:, None]
    out = jnp.where(is_start & prot, 0.0, out)

    digit_val = (src_token - 1) % 10
    digit_band = ((reg_idx >= REG_DIGIT_START) & (reg_idx <= REG_DIGIT_END))[:, None] & col0
    out = jnp.where(is_digit & digit_band, 0.0, out)
    digit_hit = (reg_idx == REG_DIGIT_START + (digit_val % 10))[:, None] & col0
    out = jnp.where(is_digit & digit_hit, 1.0, out)

    op_reg = (reg_idx == REG_OP)[:, None] & col0
    out = jnp.where(is_plus & op_reg, 1.0, out)
    out = jnp.where(is_minus & op_reg, -1.0, out)

    # On the equals token, accumulator and current_number are still at their
    # registered defaults (0) within this call, so the clamped computed result
    # is 0: its three decimal digit registers (14..16) are written with 0.0,
    # the op register is cleared, and the digit band is cleared. The follow-up
    # reading_result/result_ready write repeats the identical 0.0 digit writes.
    result_regs = ((reg_idx >= 14) & (reg_idx <= 16))[:, None] & col0
    out = jnp.where(is_equals & (result_regs | op_reg | digit_band), 0.0, out)

    return out


def setup_inputs(seed: int = 0) -> dict:
    key = jax.random.key(seed)
    carrier_freq = jax.random.normal(key, (4, 8192, 129, 2), dtype=jnp.float32)
    return {"carrier_freq": carrier_freq, "src_token": 5, "tgt_token": 11}


def reference(carrier_freq, src_token, tgt_token):
    return _inject(carrier_freq, src_token)

if __name__ == "__main__":
    import jax
    _d = setup_inputs()
    print(jax.jit(kernel)(*tuple(_d.values())))

</pallas_src>

<mosaic_0001>
#map = affine_map<(d0, d1) -> (0, 0)>
module attributes {stable_mosaic.version = 14 : i64} {
  func.func @k(%arg0: i32, %arg1: i32, %arg2: memref<66048x128xf32, #tpu.memory_space<hbm>>, %arg3: memref<66048x128xf32, #tpu.memory_space<hbm>>, %arg4: memref<48x128xf32, #tpu.memory_space<vmem>>) attributes {dimension_semantics = [#tpu.dimension_semantics<core_parallel>, #tpu.dimension_semantics<subcore_parallel>], iteration_bounds = array<i64: 2, 16>, scalar_prefetch = 0 : i64, scratch_operands = 1 : i64, tpu.core_type = #tpu.core_type<sc_vector_subcore>, window_params = [{transform_indices = #map}, {transform_indices = #map}]} {
    %mul3A = arith.constant 2 : i32
    %mul3A_0 = arith.muli %arg1, %mul3A : i32
    %add3A = arith.addi %mul3A_0, %arg0 : i32
    %mul3A_1 = arith.constant 2064 : i32
    %mul3A_2 = arith.muli %add3A, %mul3A_1 : i32
    %add3A_3 = arith.constant 0 : i32
    %add3A_4 = arith.addi %mul3A_2, %add3A_3 : i32
    "tpu.region"() ({
      %run_scoped3A = tpu.sem_alloc : memref<!tpu.dma_semaphore, #tpu.memory_space<semaphore_mem>>
      %dma_start3A = arith.constant 0 : i32
      %dma_start3A_89 = tpu.memref_slice %arg2[%add3A_4, %dma_start3A] : memref<66048x128xf32, #tpu.memory_space<hbm>> -> memref<48x128xf32, #tpu.memory_space<hbm>>
      %dma_start3A_90 = arith.constant 0 : i32
      %dma_start3A_91 = tpu.memref_slice %arg2[%add3A_4, %dma_start3A_90] : memref<66048x128xf32, #tpu.memory_space<hbm>> -> memref<48x128xf32, #tpu.memory_space<hbm>>
      tpu.enqueue_dma source(%dma_start3A_91 : memref<48x128xf32, #tpu.memory_space<hbm>>) target(%arg4 : memref<48x128xf32, #tpu.memory_space<vmem>>) target_semaphore(%run_scoped3A : memref<!tpu.dma_semaphore, #tpu.memory_space<semaphore_mem>>)
      %dma_wait3A = arith.constant 0 : i32
      %dma_wait3A_92 = tpu.memref_slice %arg2[%add3A_4, %dma_wait3A] : memref<66048x128xf32, #tpu.memory_space<hbm>> -> memref<48x128xf32, #tpu.memory_space<hbm>>
      %dma_wait3A_93 = arith.constant 0 : i32
      %dma_wait3A_94 = tpu.memref_slice %arg2[%add3A_4, %dma_wait3A_93] : memref<66048x128xf32, #tpu.memory_space<hbm>> -> memref<48x128xf32, #tpu.memory_space<hbm>>
      tpu.wait_dma2 semaphore(%run_scoped3A : memref<!tpu.dma_semaphore, #tpu.memory_space<semaphore_mem>>) src(%dma_wait3A_94 : memref<48x128xf32, #tpu.memory_space<hbm>>) dst(%arg4 : memref<48x128xf32, #tpu.memory_space<vmem>>)
      tpu.yield
    }) : () -> ()
    "tpu.region"() ({
      %run_scoped3A = tpu.sem_alloc : memref<!tpu.dma_semaphore, #tpu.memory_space<semaphore_mem>>
      %dma_start3A = arith.constant 0 : i32
      %dma_start3A_89 = tpu.memref_slice %arg3[%add3A_4, %dma_start3A] : memref<66048x128xf32, #tpu.memory_space<hbm>> -> memref<48x128xf32, #tpu.memory_space<hbm>>
      %dma_start3A_90 = arith.constant 0 : i32
      %dma_start3A_91 = tpu.memref_slice %arg3[%add3A_4, %dma_start3A_90] : memref<66048x128xf32, #tpu.memory_space<hbm>> -> memref<48x128xf32, #tpu.memory_space<hbm>>
      tpu.enqueue_dma source(%arg4 : memref<48x128xf32, #tpu.memory_space<vmem>>) target(%dma_start3A_91 : memref<48x128xf32, #tpu.memory_space<hbm>>) target_semaphore(%run_scoped3A : memref<!tpu.dma_semaphore, #tpu.memory_space<semaphore_mem>>)
      %dma_wait3A = arith.constant 0 : i32
      %dma_wait3A_92 = tpu.memref_slice %arg3[%add3A_4, %dma_wait3A] : memref<66048x128xf32, #tpu.memory_space<hbm>> -> memref<48x128xf32, #tpu.memory_space<hbm>>
      %dma_wait3A_93 = arith.constant 0 : i32
      %dma_wait3A_94 = tpu.memref_slice %arg3[%add3A_4, %dma_wait3A_93] : memref<66048x128xf32, #tpu.memory_space<hbm>> -> memref<48x128xf32, #tpu.memory_space<hbm>>
      tpu.wait_dma2 semaphore(%run_scoped3A : memref<!tpu.dma_semaphore, #tpu.memory_space<semaphore_mem>>) src(%arg4 : memref<48x128xf32, #tpu.memory_space<vmem>>) dst(%dma_wait3A_94 : memref<48x128xf32, #tpu.memory_space<hbm>>)
      tpu.yield
    }) : () -> ()
    %add3A_5 = arith.constant 48 : i32
    %add3A_6 = arith.addi %mul3A_2, %add3A_5 : i32
    "tpu.region"() ({
      %run_scoped3A = tpu.sem_alloc : memref<!tpu.dma_semaphore, #tpu.memory_space<semaphore_mem>>
      %dma_start3A = arith.constant 0 : i32
      %dma_start3A_89 = tpu.memref_slice %arg2[%add3A_6, %dma_start3A] : memref<66048x128xf32, #tpu.memory_space<hbm>> -> memref<48x128xf32, #tpu.memory_space<hbm>>
      %dma_start3A_90 = arith.constant 0 : i32
      %dma_start3A_91 = tpu.memref_slice %arg2[%add3A_6, %dma_start3A_90] : memref<66048x128xf32, #tpu.memory_space<hbm>> -> memref<48x128xf32, #tpu.memory_space<hbm>>
      tpu.enqueue_dma source(%dma_start3A_91 : memref<48x128xf32, #tpu.memory_space<hbm>>) target(%arg4 : memref<48x128xf32, #tpu.memory_space<vmem>>) target_semaphore(%run_scoped3A : memref<!tpu.dma_semaphore, #tpu.memory_space<semaphore_mem>>)
      %dma_wait3A = arith.constant 0 : i32
      %dma_wait3A_92 = tpu.memref_slice %arg2[%add3A_6, %dma_wait3A] : memref<66048x128xf32, #tpu.memory_space<hbm>> -> memref<48x128xf32, #tpu.memory_space<hbm>>
      %dma_wait3A_93 = arith.constant 0 : i32
      %dma_wait3A_94 = tpu.memref_slice %arg2[%add3A_6, %dma_wait3A_93] : memref<66048x128xf32, #tpu.memory_space<hbm>> -> memref<48x128xf32, #tpu.memory_space<hbm>>
      tpu.wait_dma2 semaphore(%run_scoped3A : memref<!tpu.dma_semaphore, #tpu.memory_space<semaphore_mem>>) src(%dma_wait3A_94 : memref<48x128xf32, #tpu.memory_space<hbm>>) dst(%arg4 : memref<48x128xf32, #tpu.memory_space<vmem>>)
      tpu.yield
    }) : () -> ()
    "tpu.region"() ({
      %run_scoped3A = tpu.sem_alloc : memref<!tpu.dma_semaphore, #tpu.memory_space<semaphore_mem>>
      %dma_start3A = arith.constant 0 : i32
      %dma_start3A_89 = tpu.memref_slice %arg3[%add3A_6, %dma_start3A] : memref<66048x128xf32, #tpu.memory_space<hbm>> -> memref<48x128xf32, #tpu.memory_space<hbm>>
      %dma_start3A_90 = arith.constant 0 : i32
      %dma_start3A_91 = tpu.memref_slice %arg3[%add3A_6, %dma_start3A_90] : memref<66048x128xf32, #tpu.memory_space<hbm>> -> memref<48x128xf32, #tpu.memory_space<hbm>>
      tpu.enqueue_dma source(%arg4 : memref<48x128xf32, #tpu.memory_space<vmem>>) target(%dma_start3A_91 : memref<48x128xf32, #tpu.memory_space<hbm>>) target_semaphore(%run_scoped3A : memref<!tpu.dma_semaphore, #tpu.memory_space<semaphore_mem>>)
      %dma_wait3A = arith.constant 0 : i32
      %dma_wait3A_92 = tpu.memref_slice %arg3[%add3A_6, %dma_wait3A] : memref<66048x128xf32, #tpu.memory_space<hbm>> -> memref<48x128xf32, #tpu.memory_space<hbm>>
      %dma_wait3A_93 = arith.constant 0 : i32
      %dma_wait3A_94 = tpu.memref_slice %arg3[%add3A_6, %dma_wait3A_93] : memref<66048x128xf32, #tpu.memory_space<hbm>> -> memref<48x128xf32, #tpu.memory_space<hbm>>
      tpu.wait_dma2 semaphore(%run_scoped3A : memref<!tpu.dma_semaphore, #tpu.memory_space<semaphore_mem>>) src(%arg4 : memref<48x128xf32, #tpu.memory_space<vmem>>) dst(%dma_wait3A_94 : memref<48x128xf32, #tpu.memory_space<hbm>>)
      tpu.yield
    }) : () -> ()
    %add3A_7 = arith.constant 96 : i32
    %add3A_8 = arith.addi %mul3A_2, %add3A_7 : i32
    "tpu.region"() ({
      %run_scoped3A = tpu.sem_alloc : memref<!tpu.dma_semaphore, #tpu.memory_space<semaphore_mem>>
      %dma_start3A = arith.constant 0 : i32
      %dma_start3A_89 = tpu.memref_slice %arg2[%add3A_8, %dma_start3A] : memref<66048x128xf32, #tpu.memory_space<hbm>> -> memref<48x128xf32, #tpu.memory_space<hbm>>
      %dma_start3A_90 = arith.constant 0 : i32
      %dma_start3A_91 = tpu.memref_slice %arg2[%add3A_8, %dma_start3A_90] : memref<66048x128xf32, #tpu.memory_space<hbm>> -> memref<48x128xf32, #tpu.memory_space<hbm>>
      tpu.enqueue_dma source(%dma_start3A_91 : memref<48x128xf32, #tpu.memory_space<hbm>>) target(%arg4 : memref<48x128xf32, #tpu.memory_space<vmem>>) target_semaphore(%run_scoped3A : memref<!tpu.dma_semaphore, #tpu.memory_space<semaphore_mem>>)
      %dma_wait3A = arith.constant 0 : i32
      %dma_wait3A_92 = tpu.memref_slice %arg2[%add3A_8, %dma_wait3A] : memref<66048x128xf32, #tpu.memory_space<hbm>> -> memref<48x128xf32, #tpu.memory_space<hbm>>
      %dma_wait3A_93 = arith.constant 0 : i32
      %dma_wait3A_94 = tpu.memref_slice %arg2[%add3A_8, %dma_wait3A_93] : memref<66048x128xf32, #tpu.memory_space<hbm>> -> memref<48x128xf32, #tpu.memory_space<hbm>>
      tpu.wait_dma2 semaphore(%run_scoped3A : memref<!tpu.dma_semaphore, #tpu.memory_space<semaphore_mem>>) src(%dma_wait3A_94 : memref<48x128xf32, #tpu.memory_space<hbm>>) dst(%arg4 : memref<48x128xf32, #tpu.memory_space<vmem>>)
      tpu.yield
    }) : () -> ()
    "tpu.region"() ({
      %run_scoped3A = tpu.sem_alloc : memref<!tpu.dma_semaphore, #tpu.memory_space<semaphore_mem>>
      %dma_start3A = arith.constant 0 : i32
      %dma_start3A_89 = tpu.memref_slice %arg3[%add3A_8, %dma_start3A] : memref<66048x128xf32, #tpu.memory_space<hbm>> -> memref<48x128xf32, #tpu.memory_space<hbm>>
      %dma_start3A_90 = arith.constant 0 : i32
      %dma_start3A_91 = tpu.memref_slice %arg3[%add3A_8, %dma_start3A_90] : memref<66048x128xf32, #tpu.memory_space<hbm>> -> memref<48x128xf32, #tpu.memory_space<hbm>>
      tpu.enqueue_dma source(%arg4 : memref<48x128xf32, #tpu.memory_space<vmem>>) target(%dma_start3A_91 : memref<48x128xf32, #tpu.memory_space<hbm>>) target_semaphore(%run_scoped3A : memref<!tpu.dma_semaphore, #tpu.memory_space<semaphore_mem>>)
      %dma_wait3A = arith.constant 0 : i32
      %dma_wait3A_92 = tpu.memref_slice %arg3[%add3A_8, %dma_wait3A] : memref<66048x128xf32, #tpu.memory_space<hbm>> -> memref<48x128xf32, #tpu.memory_space<hbm>>
      %dma_wait3A_93 = arith.constant 0 : i32
      %dma_wait3A_94 = tpu.memref_slice %arg3[%add3A_8, %dma_wait3A_93] : memref<66048x128xf32, #tpu.memory_space<hbm>> -> memref<48x128xf32, #tpu.memory_space<hbm>>
      tpu.wait_dma2 semaphore(%run_scoped3A : memref<!tpu.dma_semaphore, #tpu.memory_space<semaphore_mem>>) src(%arg4 : memref<48x128xf32, #tpu.memory_space<vmem>>) dst(%dma_wait3A_94 : memref<48x128xf32, #tpu.memory_space<hbm>>)
      tpu.yield
    }) : () -> ()
    %add3A_9 = arith.constant 144 : i32
    %add3A_10 = arith.addi %mul3A_2, %add3A_9 : i32
    "tpu.region"() ({
      %run_scoped3A = tpu.sem_alloc : memref<!tpu.dma_semaphore, #tpu.memory_space<semaphore_mem>>
      %dma_start3A = arith.constant 0 : i32
      %dma_start3A_89 = tpu.memref_slice %arg2[%add3A_10, %dma_start3A] : memref<66048x128xf32, #tpu.memory_space<hbm>> -> memref<48x128xf32, #tpu.memory_space<hbm>>
      %dma_start3A_90 = arith.constant 0 : i32
      %dma_start3A_91 = tpu.memref_slice %arg2[%add3A_10, %dma_start3A_90] : memref<66048x128xf32, #tpu.memory_space<hbm>> -> memref<48x128xf32, #tpu.memory_space<hbm>>
      tpu.enqueue_dma source(%dma_start3A_91 : memref<48x128xf32, #tpu.memory_space<hbm>>) target(%arg4 : memref<48x128xf32, #tpu.memory_space<vmem>>) target_semaphore(%run_scoped3A : memref<!tpu.dma_semaphore, #tpu.memory_space<semaphore_mem>>)
      %dma_wait3A = arith.constant 0 : i32
      %dma_wait3A_92 = tpu.memref_slice %arg2[%add3A_10, %dma_wait3A] : memref<66048x128xf32, #tpu.memory_space<hbm>> -> memref<48x128xf32, #tpu.memory_space<hbm>>
      %dma_wait3A_93 = arith.constant 0 : i32
      %dma_wait3A_94 = tpu.memref_slice %arg2[%add3A_10, %dma_wait3A_93] : memref<66048x128xf32, #tpu.memory_space<hbm>> -> memref<48x128xf32, #tpu.memory_space<hbm>>
      tpu.wait_dma2 semaphore(%run_scoped3A : memref<!tpu.dma_semaphore, #tpu.memory_space<semaphore_mem>>) src(%dma_wait3A_94 : memref<48x128xf32, #tpu.memory_space<hbm>>) dst(%arg4 : memref<48x128xf32, #tpu.memory_space<vmem>>)
      tpu.yield
    }) : () -> ()
    "tpu.region"() ({
      %run_scoped3A = tpu.sem_alloc : memref<!tpu.dma_semaphore, #tpu.memory_space<semaphore_mem>>
      %dma_start3A = arith.constant 0 : i32
      %dma_start3A_89 = tpu.memref_slice %arg3[%add3A_10, %dma_start3A] : memref<66048x128xf32, #tpu.memory_space<hbm>> -> memref<48x128xf32, #tpu.memory_space<hbm>>
      %dma_start3A_90 = arith.constant 0 : i32
      %dma_start3A_91 = tpu.memref_slice %arg3[%add3A_10, %dma_start3A_90] : memref<66048x128xf32, #tpu.memory_space<hbm>> -> memref<48x128xf32, #tpu.memory_space<hbm>>
      tpu.enqueue_dma source(%arg4 : memref<48x128xf32, #tpu.memory_space<vmem>>) target(%dma_start3A_91 : memref<48x128xf32, #tpu.memory_space<hbm>>) target_semaphore(%run_scoped3A : memref<!tpu.dma_semaphore, #tpu.memory_space<semaphore_mem>>)
      %dma_wait3A = arith.constant 0 : i32
      %dma_wait3A_92 = tpu.memref_slice %arg3[%add3A_10, %dma_wait3A] : memref<66048x128xf32, #tpu.memory_space<hbm>> -> memref<48x128xf32, #tpu.memory_space<hbm>>
      %dma_wait3A_93 = arith.constant 0 : i32
      %dma_wait3A_94 = tpu.memref_slice %arg3[%add3A_10, %dma_wait3A_93] : memref<66048x128xf32, #tpu.memory_space<hbm>> -> memref<48x128xf32, #tpu.memory_space<hbm>>
      tpu.wait_dma2 semaphore(%run_scoped3A : memref<!tpu.dma_semaphore, #tpu.memory_space<semaphore_mem>>) src(%arg4 : memref<48x128xf32, #tpu.memory_space<vmem>>) dst(%dma_wait3A_94 : memref<48x128xf32, #tpu.memory_space<hbm>>)
      tpu.yield
    }) : () -> ()
    %add3A_11 = arith.constant 192 : i32
    %add3A_12 = arith.addi %mul3A_2, %add3A_11 : i32
    "tpu.region"() ({
      %run_scoped3A = tpu.sem_alloc : memref<!tpu.dma_semaphore, #tpu.memory_space<semaphore_mem>>
      %dma_start3A = arith.constant 0 : i32
      %dma_start3A_89 = tpu.memref_slice %arg2[%add3A_12, %dma_start3A] : memref<66048x128xf32, #tpu.memory_space<hbm>> -> memref<48x128xf32, #tpu.memory_space<hbm>>
      %dma_start3A_90 = arith.constant 0 : i32
      %dma_start3A_91 = tpu.memref_slice %arg2[%add3A_12, %dma_start3A_90] : memref<66048x128xf32, #tpu.memory_space<hbm>> -> memref<48x128xf32, #tpu.memory_space<hbm>>
      tpu.enqueue_dma source(%dma_start3A_91 : memref<48x128xf32, #tpu.memory_space<hbm>>) target(%arg4 : memref<48x128xf32, #tpu.memory_space<vmem>>) target_semaphore(%run_scoped3A : memref<!tpu.dma_semaphore, #tpu.memory_space<semaphore_mem>>)
      %dma_wait3A = arith.constant 0 : i32
      %dma_wait3A_92 = tpu.memref_slice %arg2[%add3A_12, %dma_wait3A] : memref<66048x128xf32, #tpu.memory_space<hbm>> -> memref<48x128xf32, #tpu.memory_space<hbm>>
      %dma_wait3A_93 = arith.constant 0 : i32
      %dma_wait3A_94 = tpu.memref_slice %arg2[%add3A_12, %dma_wait3A_93] : memref<66048x128xf32, #tpu.memory_space<hbm>> -> memref<48x128xf32, #tpu.memory_space<hbm>>
      tpu.wait_dma2 semaphore(%run_scoped3A : memref<!tpu.dma_semaphore, #tpu.memory_space<semaphore_mem>>) src(%dma_wait3A_94 : memref<48x128xf32, #tpu.memory_space<hbm>>) dst(%arg4 : memref<48x128xf32, #tpu.memory_space<vmem>>)
      tpu.yield
    }) : () -> ()
    "tpu.region"() ({
      %run_scoped3A = tpu.sem_alloc : memref<!tpu.dma_semaphore, #tpu.memory_space<semaphore_mem>>
      %dma_start3A = arith.constant 0 : i32
      %dma_start3A_89 = tpu.memref_slice %arg3[%add3A_12, %dma_start3A] : memref<66048x128xf32, #tpu.memory_space<hbm>> -> memref<48x128xf32, #tpu.memory_space<hbm>>
      %dma_start3A_90 = arith.constant 0 : i32
      %dma_start3A_91 = tpu.memref_slice %arg3[%add3A_12, %dma_start3A_90] : memref<66048x128xf32, #tpu.memory_space<hbm>> -> memref<48x128xf32, #tpu.memory_space<hbm>>
      tpu.enqueue_dma source(%arg4 : memref<48x128xf32, #tpu.memory_space<vmem>>) target(%dma_start3A_91 : memref<48x128xf32, #tpu.memory_space<hbm>>) target_semaphore(%run_scoped3A : memref<!tpu.dma_semaphore, #tpu.memory_space<semaphore_mem>>)
      %dma_wait3A = arith.constant 0 : i32
      %dma_wait3A_92 = tpu.memref_slice %arg3[%add3A_12, %dma_wait3A] : memref<66048x128xf32, #tpu.memory_space<hbm>> -> memref<48x128xf32, #tpu.memory_space<hbm>>
      %dma_wait3A_93 = arith.constant 0 : i32
      %dma_wait3A_94 = tpu.memref_slice %arg3[%add3A_12, %dma_wait3A_93] : memref<66048x128xf32, #tpu.memory_space<hbm>> -> memref<48x128xf32, #tpu.memory_space<hbm>>
      tpu.wait_dma2 semaphore(%run_scoped3A : memref<!tpu.dma_semaphore, #tpu.memory_space<semaphore_mem>>) src(%arg4 : memref<48x128xf32, #tpu.memory_space<vmem>>) dst(%dma_wait3A_94 : memref<48x128xf32, #tpu.memory_space<hbm>>)
      tpu.yield
    }) : () -> ()
    %add3A_13 = arith.constant 240 : i32
    %add3A_14 = arith.addi %mul3A_2, %add3A_13 : i32
    "tpu.region"() ({
      %run_scoped3A = tpu.sem_alloc : memref<!tpu.dma_semaphore, #tpu.memory_space<semaphore_mem>>
      %dma_start3A = arith.constant 0 : i32
      %dma_start3A_89 = tpu.memref_slice %arg2[%add3A_14, %dma_start3A] : memref<66048x128xf32, #tpu.memory_space<hbm>> -> memref<48x128xf32, #tpu.memory_space<hbm>>
      %dma_start3A_90 = arith.constant 0 : i32
      %dma_start3A_91 = tpu.memref_slice %arg2[%add3A_14, %dma_start3A_90] : memref<66048x128xf32, #tpu.memory_space<hbm>> -> memref<48x128xf32, #tpu.memory_space<hbm>>
      tpu.enqueue_dma source(%dma_start3A_91 : memref<48x128xf32, #tpu.memory_space<hbm>>) target(%arg4 : memref<48x128xf32, #tpu.memory_space<vmem>>) target_semaphore(%run_scoped3A : memref<!tpu.dma_semaphore, #tpu.memory_space<semaphore_mem>>)
      %dma_wait3A = arith.constant 0 : i32
      %dma_wait3A_92 = tpu.memref_slice %arg2[%add3A_14, %dma_wait3A] : memref<66048x128xf32, #tpu.memory_space<hbm>> -> memref<48x128xf32, #tpu.memory_space<hbm>>
      %dma_wait3A_93 = arith.constant 0 : i32
      %dma_wait3A_94 = tpu.memref_slice %arg2[%add3A_14, %dma_wait3A_93] : memref<66048x128xf32, #tpu.memory_space<hbm>> -> memref<48x128xf32, #tpu.memory_space<hbm>>
      tpu.wait_dma2 semaphore(%run_scoped3A : memref<!tpu.dma_semaphore, #tpu.memory_space<semaphore_mem>>) src(%dma_wait3A_94 : memref<48x128xf32, #tpu.memory_space<hbm>>) dst(%arg4 : memref<48x128xf32, #tpu.memory_space<vmem>>)
      tpu.yield
    }) : () -> ()
    "tpu.region"() ({
      %run_scoped3A = tpu.sem_alloc : memref<!tpu.dma_semaphore, #tpu.memory_space<semaphore_mem>>
      %dma_start3A = arith.constant 0 : i32
      %dma_start3A_89 = tpu.memref_slice %arg3[%add3A_14, %dma_start3A] : memref<66048x128xf32, #tpu.memory_space<hbm>> -> memref<48x128xf32, #tpu.memory_space<hbm>>
      %dma_start3A_90 = arith.constant 0 : i32
      %dma_start3A_91 = tpu.memref_slice %arg3[%add3A_14, %dma_start3A_90] : memref<66048x128xf32, #tpu.memory_space<hbm>> -> memref<48x128xf32, #tpu.memory_space<hbm>>
      tpu.enqueue_dma source(%arg4 : memref<48x128xf32, #tpu.memory_space<vmem>>) target(%dma_start3A_91 : memref<48x128xf32, #tpu.memory_space<hbm>>) target_semaphore(%run_scoped3A : memref<!tpu.dma_semaphore, #tpu.memory_space<semaphore_mem>>)
      %dma_wait3A = arith.constant 0 : i32
      %dma_wait3A_92 = tpu.memref_slice %arg3[%add3A_14, %dma_wait3A] : memref<66048x128xf32, #tpu.memory_space<hbm>> -> memref<48x128xf32, #tpu.memory_space<hbm>>
      %dma_wait3A_93 = arith.constant 0 : i32
      %dma_wait3A_94 = tpu.memref_slice %arg3[%add3A_14, %dma_wait3A_93] : memref<66048x128xf32, #tpu.memory_space<hbm>> -> memref<48x128xf32, #tpu.memory_space<hbm>>
      tpu.wait_dma2 semaphore(%run_scoped3A : memref<!tpu.dma_semaphore, #tpu.memory_space<semaphore_mem>>) src(%arg4 : memref<48x128xf32, #tpu.memory_space<vmem>>) dst(%dma_wait3A_94 : memref<48x128xf32, #tpu.memory_space<hbm>>)
      tpu.yield
    }) : () -> ()
    %add3A_15 = arith.constant 288 : i32
    %add3A_16 = arith.addi %mul3A_2, %add3A_15 : i32
    "tpu.region"() ({
      %run_scoped3A = tpu.sem_alloc : memref<!tpu.dma_semaphore, #tpu.memory_space<semaphore_mem>>
      %dma_start3A = arith.constant 0 : i32
      %dma_start3A_89 = tpu.memref_slice %arg2[%add3A_16, %dma_start3A] : memref<66048x128xf32, #tpu.memory_space<hbm>> -> memref<48x128xf32, #tpu.memory_space<hbm>>
      %dma_start3A_90 = arith.constant 0 : i32
      %dma_start3A_91 = tpu.memref_slice %arg2[%add3A_16, %dma_start3A_90] : memref<66048x128xf32, #tpu.memory_space<hbm>> -> memref<48x128xf32, #tpu.memory_space<hbm>>
      tpu.enqueue_dma source(%dma_start3A_91 : memref<48x128xf32, #tpu.memory_space<hbm>>) target(%arg4 : memref<48x128xf32, #tpu.memory_space<vmem>>) target_semaphore(%run_scoped3A : memref<!tpu.dma_semaphore, #tpu.memory_space<semaphore_mem>>)
      %dma_wait3A = arith.constant 0 : i32
      %dma_wait3A_92 = tpu.memref_slice %arg2[%add3A_16, %dma_wait3A] : memref<66048x128xf32, #tpu.memory_space<hbm>> -> memref<48x128xf32, #tpu.memory_space<hbm>>
      %dma_wait3A_93 = arith.constant 0 : i32
      %dma_wait3A_94 = tpu.memref_slice %arg2[%add3A_16, %dma_wait3A_93] : memref<66048x128xf32, #tpu.memory_space<hbm>> -> memref<48x128xf32, #tpu.memory_space<hbm>>
      tpu.wait_dma2 semaphore(%run_scoped3A : memref<!tpu.dma_semaphore, #tpu.memory_space<semaphore_mem>>) src(%dma_wait3A_94 : memref<48x128xf32, #tpu.memory_space<hbm>>) dst(%arg4 : memref<48x128xf32, #tpu.memory_space<vmem>>)
      tpu.yield
    }) : () -> ()
    "tpu.region"() ({
      %run_scoped3A = tpu.sem_alloc : memref<!tpu.dma_semaphore, #tpu.memory_space<semaphore_mem>>
      %dma_start3A = arith.constant 0 : i32
      %dma_start3A_89 = tpu.memref_slice %arg3[%add3A_16, %dma_start3A] : memref<66048x128xf32, #tpu.memory_space<hbm>> -> memref<48x128xf32, #tpu.memory_space<hbm>>
      %dma_start3A_90 = arith.constant 0 : i32
      %dma_start3A_91 = tpu.memref_slice %arg3[%add3A_16, %dma_start3A_90] : memref<66048x128xf32, #tpu.memory_space<hbm>> -> memref<48x128xf32, #tpu.memory_space<hbm>>
      tpu.enqueue_dma source(%arg4 : memref<48x128xf32, #tpu.memory_space<vmem>>) target(%dma_start3A_91 : memref<48x128xf32, #tpu.memory_space<hbm>>) target_semaphore(%run_scoped3A : memref<!tpu.dma_semaphore, #tpu.memory_space<semaphore_mem>>)
      %dma_wait3A = arith.constant 0 : i32
      %dma_wait3A_92 = tpu.memref_slice %arg3[%add3A_16, %dma_wait3A] : memref<66048x128xf32, #tpu.memory_space<hbm>> -> memref<48x128xf32, #tpu.memory_space<hbm>>
      %dma_wait3A_93 = arith.constant 0 : i32
      %dma_wait3A_94 = tpu.memref_slice %arg3[%add3A_16, %dma_wait3A_93] : memref<66048x128xf32, #tpu.memory_space<hbm>> -> memref<48x128xf32, #tpu.memory_space<hbm>>
      tpu.wait_dma2 semaphore(%run_scoped3A : memref<!tpu.dma_semaphore, #tpu.memory_space<semaphore_mem>>) src(%arg4 : memref<48x128xf32, #tpu.memory_space<vmem>>) dst(%dma_wait3A_94 : memref<48x128xf32, #tpu.memory_space<hbm>>)
      tpu.yield
    }) : () -> ()
    %add3A_17 = arith.constant 336 : i32
    %add3A_18 = arith.addi %mul3A_2, %add3A_17 : i32
    "tpu.region"() ({
      %run_scoped3A = tpu.sem_alloc : memref<!tpu.dma_semaphore, #tpu.memory_space<semaphore_mem>>
      %dma_start3A = arith.constant 0 : i32
      %dma_start3A_89 = tpu.memref_slice %arg2[%add3A_18, %dma_start3A] : memref<66048x128xf32, #tpu.memory_space<hbm>> -> memref<48x128xf32, #tpu.memory_space<hbm>>
      %dma_start3A_90 = arith.constant 0 : i32
      %dma_start3A_91 = tpu.memref_slice %arg2[%add3A_18, %dma_start3A_90] : memref<66048x128xf32, #tpu.memory_space<hbm>> -> memref<48x128xf32, #tpu.memory_space<hbm>>
      tpu.enqueue_dma source(%dma_start3A_91 : memref<48x128xf32, #tpu.memory_space<hbm>>) target(%arg4 : memref<48x128xf32, #tpu.memory_space<vmem>>) target_semaphore(%run_scoped3A : memref<!tpu.dma_semaphore, #tpu.memory_space<semaphore_mem>>)
      %dma_wait3A = arith.constant 0 : i32
      %dma_wait3A_92 = tpu.memref_slice %arg2[%add3A_18, %dma_wait3A] : memref<66048x128xf32, #tpu.memory_space<hbm>> -> memref<48x128xf32, #tpu.memory_space<hbm>>
      %dma_wait3A_93 = arith.constant 0 : i32
      %dma_wait3A_94 = tpu.memref_slice %arg2[%add3A_18, %dma_wait3A_93] : memref<66048x128xf32, #tpu.memory_space<hbm>> -> memref<48x128xf32, #tpu.memory_space<hbm>>
      tpu.wait_dma2 semaphore(%run_scoped3A : memref<!tpu.dma_semaphore, #tpu.memory_space<semaphore_mem>>) src(%dma_wait3A_94 : memref<48x128xf32, #tpu.memory_space<hbm>>) dst(%arg4 : memref<48x128xf32, #tpu.memory_space<vmem>>)
      tpu.yield
    }) : () -> ()
    "tpu.region"() ({
      %run_scoped3A = tpu.sem_alloc : memref<!tpu.dma_semaphore, #tpu.memory_space<semaphore_mem>>
      %dma_start3A = arith.constant 0 : i32
      %dma_start3A_89 = tpu.memref_slice %arg3[%add3A_18, %dma_start3A] : memref<66048x128xf32, #tpu.memory_space<hbm>> -> memref<48x128xf32, #tpu.memory_space<hbm>>
      %dma_start3A_90 = arith.constant 0 : i32
      %dma_start3A_91 = tpu.memref_slice %arg3[%add3A_18, %dma_start3A_90] : memref<66048x128xf32, #tpu.memory_space<hbm>> -> memref<48x128xf32, #tpu.memory_space<hbm>>
      tpu.enqueue_dma source(%arg4 : memref<48x128xf32, #tpu.memory_space<vmem>>) target(%dma_start3A_91 : memref<48x128xf32, #tpu.memory_space<hbm>>) target_semaphore(%run_scoped3A : memref<!tpu.dma_semaphore, #tpu.memory_space<semaphore_mem>>)
      %dma_wait3A = arith.constant 0 : i32
      %dma_wait3A_92 = tpu.memref_slice %arg3[%add3A_18, %dma_wait3A] : memref<66048x128xf32, #tpu.memory_space<hbm>> -> memref<48x128xf32, #tpu.memory_space<hbm>>
      %dma_wait3A_93 = arith.constant 0 : i32
      %dma_wait3A_94 = tpu.memref_slice %arg3[%add3A_18, %dma_wait3A_93] : memref<66048x128xf32, #tpu.memory_space<hbm>> -> memref<48x128xf32, #tpu.memory_space<hbm>>
      tpu.wait_dma2 semaphore(%run_scoped3A : memref<!tpu.dma_semaphore, #tpu.memory_space<semaphore_mem>>) src(%arg4 : memref<48x128xf32, #tpu.memory_space<vmem>>) dst(%dma_wait3A_94 : memref<48x128xf32, #tpu.memory_space<hbm>>)
      tpu.yield
    }) : () -> ()
    %add3A_19 = arith.constant 384 : i32
    %add3A_20 = arith.addi %mul3A_2, %add3A_19 : i32
    "tpu.region"() ({
      %run_scoped3A = tpu.sem_alloc : memref<!tpu.dma_semaphore, #tpu.memory_space<semaphore_mem>>
      %dma_start3A = arith.constant 0 : i32
      %dma_start3A_89 = tpu.memref_slice %arg2[%add3A_20, %dma_start3A] : memref<66048x128xf32, #tpu.memory_space<hbm>> -> memref<48x128xf32, #tpu.memory_space<hbm>>
      %dma_start3A_90 = arith.constant 0 : i32
      %dma_start3A_91 = tpu.memref_slice %arg2[%add3A_20, %dma_start3A_90] : memref<66048x128xf32, #tpu.memory_space<hbm>> -> memref<48x128xf32, #tpu.memory_space<hbm>>
      tpu.enqueue_dma source(%dma_start3A_91 : memref<48x128xf32, #tpu.memory_space<hbm>>) target(%arg4 : memref<48x128xf32, #tpu.memory_space<vmem>>) target_semaphore(%run_scoped3A : memref<!tpu.dma_semaphore, #tpu.memory_space<semaphore_mem>>)
      %dma_wait3A = arith.constant 0 : i32
      %dma_wait3A_92 = tpu.memref_slice %arg2[%add3A_20, %dma_wait3A] : memref<66048x128xf32, #tpu.memory_space<hbm>> -> memref<48x128xf32, #tpu.memory_space<hbm>>
      %dma_wait3A_93 = arith.constant 0 : i32
      %dma_wait3A_94 = tpu.memref_slice %arg2[%add3A_20, %dma_wait3A_93] : memref<66048x128xf32, #tpu.memory_space<hbm>> -> memref<48x128xf32, #tpu.memory_space<hbm>>
      tpu.wait_dma2 semaphore(%run_scoped3A : memref<!tpu.dma_semaphore, #tpu.memory_space<semaphore_mem>>) src(%dma_wait3A_94 : memref<48x128xf32, #tpu.memory_space<hbm>>) dst(%arg4 : memref<48x128xf32, #tpu.memory_space<vmem>>)
      tpu.yield
    }) : () -> ()
    "tpu.region"() ({
      %run_scoped3A = tpu.sem_alloc : memref<!tpu.dma_semaphore, #tpu.memory_space<semaphore_mem>>
      %dma_start3A = arith.constant 0 : i32
      %dma_start3A_89 = tpu.memref_slice %arg3[%add3A_20, %dma_start3A] : memref<66048x128xf32, #tpu.memory_space<hbm>> -> memref<48x128xf32, #tpu.memory_space<hbm>>
      %dma_start3A_90 = arith.constant 0 : i32
      %dma_start3A_91 = tpu.memref_slice %arg3[%add3A_20, %dma_start3A_90] : memref<66048x128xf32, #tpu.memory_space<hbm>> -> memref<48x128xf32, #tpu.memory_space<hbm>>
      tpu.enqueue_dma source(%arg4 : memref<48x128xf32, #tpu.memory_space<vmem>>) target(%dma_start3A_91 : memref<48x128xf32, #tpu.memory_space<hbm>>) target_semaphore(%run_scoped3A : memref<!tpu.dma_semaphore, #tpu.memory_space<semaphore_mem>>)
      %dma_wait3A = arith.constant 0 : i32
      %dma_wait3A_92 = tpu.memref_slice %arg3[%add3A_20, %dma_wait3A] : memref<66048x128xf32, #tpu.memory_space<hbm>> -> memref<48x128xf32, #tpu.memory_space<hbm>>
      %dma_wait3A_93 = arith.constant 0 : i32
      %dma_wait3A_94 = tpu.memref_slice %arg3[%add3A_20, %dma_wait3A_93] : memref<66048x128xf32, #tpu.memory_space<hbm>> -> memref<48x128xf32, #tpu.memory_space<hbm>>
      tpu.wait_dma2 semaphore(%run_scoped3A : memref<!tpu.dma_semaphore, #tpu.memory_space<semaphore_mem>>) src(%arg4 : memref<48x128xf32, #tpu.memory_space<vmem>>) dst(%dma_wait3A_94 : memref<48x128xf32, #tpu.memory_space<hbm>>)
      tpu.yield
    }) : () -> ()
    %add3A_21 = arith.constant 432 : i32
    %add3A_22 = arith.addi %mul3A_2, %add3A_21 : i32
    "tpu.region"() ({
      %run_scoped3A = tpu.sem_alloc : memref<!tpu.dma_semaphore, #tpu.memory_space<semaphore_mem>>
      %dma_start3A = arith.constant 0 : i32
      %dma_start3A_89 = tpu.memref_slice %arg2[%add3A_22, %dma_start3A] : memref<66048x128xf32, #tpu.memory_space<hbm>> -> memref<48x128xf32, #tpu.memory_space<hbm>>
      %dma_start3A_90 = arith.constant 0 : i32
      %dma_start3A_91 = tpu.memref_slice %arg2[%add3A_22, %dma_start3A_90] : memref<66048x128xf32, #tpu.memory_space<hbm>> -> memref<48x128xf32, #tpu.memory_space<hbm>>
      tpu.enqueue_dma source(%dma_start3A_91 : memref<48x128xf32, #tpu.memory_space<hbm>>) target(%arg4 : memref<48x128xf32, #tpu.memory_space<vmem>>) target_semaphore(%run_scoped3A : memref<!tpu.dma_semaphore, #tpu.memory_space<semaphore_mem>>)
      %dma_wait3A = arith.constant 0 : i32
      %dma_wait3A_92 = tpu.memref_slice %arg2[%add3A_22, %dma_wait3A] : memref<66048x128xf32, #tpu.memory_space<hbm>> -> memref<48x128xf32, #tpu.memory_space<hbm>>
      %dma_wait3A_93 = arith.constant 0 : i32
      %dma_wait3A_94 = tpu.memref_slice %arg2[%add3A_22, %dma_wait3A_93] : memref<66048x128xf32, #tpu.memory_space<hbm>> -> memref<48x128xf32, #tpu.memory_space<hbm>>
      tpu.wait_dma2 semaphore(%run_scoped3A : memref<!tpu.dma_semaphore, #tpu.memory_space<semaphore_mem>>) src(%dma_wait3A_94 : memref<48x128xf32, #tpu.memory_space<hbm>>) dst(%arg4 : memref<48x128xf32, #tpu.memory_space<vmem>>)
      tpu.yield
    }) : () -> ()
    "tpu.region"() ({
      %run_scoped3A = tpu.sem_alloc : memref<!tpu.dma_semaphore, #tpu.memory_space<semaphore_mem>>
      %dma_start3A = arith.constant 0 : i32
      %dma_start3A_89 = tpu.memref_slice %arg3[%add3A_22, %dma_start3A] : memref<66048x128xf32, #tpu.memory_space<hbm>> -> memref<48x128xf32, #tpu.memory_space<hbm>>
      %dma_start3A_90 = arith.constant 0 : i32
      %dma_start3A_91 = tpu.memref_slice %arg3[%add3A_22, %dma_start3A_90] : memref<66048x128xf32, #tpu.memory_space<hbm>> -> memref<48x128xf32, #tpu.memory_space<hbm>>
      tpu.enqueue_dma source(%arg4 : memref<48x128xf32, #tpu.memory_space<vmem>>) target(%dma_start3A_91 : memref<48x128xf32, #tpu.memory_space<hbm>>) target_semaphore(%run_scoped3A : memref<!tpu.dma_semaphore, #tpu.memory_space<semaphore_mem>>)
      %dma_wait3A = arith.constant 0 : i32
      %dma_wait3A_92 = tpu.memref_slice %arg3[%add3A_22, %dma_wait3A] : memref<66048x128xf32, #tpu.memory_space<hbm>> -> memref<48x128xf32, #tpu.memory_space<hbm>>
      %dma_wait3A_93 = arith.constant 0 : i32
      %dma_wait3A_94 = tpu.memref_slice %arg3[%add3A_22, %dma_wait3A_93] : memref<66048x128xf32, #tpu.memory_space<hbm>> -> memref<48x128xf32, #tpu.memory_space<hbm>>
      tpu.wait_dma2 semaphore(%run_scoped3A : memref<!tpu.dma_semaphore, #tpu.memory_space<semaphore_mem>>) src(%arg4 : memref<48x128xf32, #tpu.memory_space<vmem>>) dst(%dma_wait3A_94 : memref<48x128xf32, #tpu.memory_space<hbm>>)
      tpu.yield
    }) : () -> ()
    %add3A_23 = arith.constant 480 : i32
    %add3A_24 = arith.addi %mul3A_2, %add3A_23 : i32
    "tpu.region"() ({
      %run_scoped3A = tpu.sem_alloc : memref<!tpu.dma_semaphore, #tpu.memory_space<semaphore_mem>>
      %dma_start3A = arith.constant 0 : i32
      %dma_start3A_89 = tpu.memref_slice %arg2[%add3A_24, %dma_start3A] : memref<66048x128xf32, #tpu.memory_space<hbm>> -> memref<48x128xf32, #tpu.memory_space<hbm>>
      %dma_start3A_90 = arith.constant 0 : i32
      %dma_start3A_91 = tpu.memref_slice %arg2[%add3A_24, %dma_start3A_90] : memref<66048x128xf32, #tpu.memory_space<hbm>> -> memref<48x128xf32, #tpu.memory_space<hbm>>
      tpu.enqueue_dma source(%dma_start3A_91 : memref<48x128xf32, #tpu.memory_space<hbm>>) target(%arg4 : memref<48x128xf32, #tpu.memory_space<vmem>>) target_semaphore(%run_scoped3A : memref<!tpu.dma_semaphore, #tpu.memory_space<semaphore_mem>>)
      %dma_wait3A = arith.constant 0 : i32
      %dma_wait3A_92 = tpu.memref_slice %arg2[%add3A_24, %dma_wait3A] : memref<66048x128xf32, #tpu.memory_space<hbm>> -> memref<48x128xf32, #tpu.memory_space<hbm>>
      %dma_wait3A_93 = arith.constant 0 : i32
      %dma_wait3A_94 = tpu.memref_slice %arg2[%add3A_24, %dma_wait3A_93] : memref<66048x128xf32, #tpu.memory_space<hbm>> -> memref<48x128xf32, #tpu.memory_space<hbm>>
      tpu.wait_dma2 semaphore(%run_scoped3A : memref<!tpu.dma_semaphore, #tpu.memory_space<semaphore_mem>>) src(%dma_wait3A_94 : memref<48x128xf32, #tpu.memory_space<hbm>>) dst(%arg4 : memref<48x128xf32, #tpu.memory_space<vmem>>)
      tpu.yield
    }) : () -> ()
    "tpu.region"() ({
      %run_scoped3A = tpu.sem_alloc : memref<!tpu.dma_semaphore, #tpu.memory_space<semaphore_mem>>
      %dma_start3A = arith.constant 0 : i32
      %dma_start3A_89 = tpu.memref_slice %arg3[%add3A_24, %dma_start3A] : memref<66048x128xf32, #tpu.memory_space<hbm>> -> memref<48x128xf32, #tpu.memory_space<hbm>>
      %dma_start3A_90 = arith.constant 0 : i32
      %dma_start3A_91 = tpu.memref_slice %arg3[%add3A_24, %dma_start3A_90] : memref<66048x128xf32, #tpu.memory_space<hbm>> -> memref<48x128xf32, #tpu.memory_space<hbm>>
      tpu.enqueue_dma source(%arg4 : memref<48x128xf32, #tpu.memory_space<vmem>>) target(%dma_start3A_91 : memref<48x128xf32, #tpu.memory_space<hbm>>) target_semaphore(%run_scoped3A : memref<!tpu.dma_semaphore, #tpu.memory_space<semaphore_mem>>)
      %dma_wait3A = arith.constant 0 : i32
      %dma_wait3A_92 = tpu.memref_slice %arg3[%add3A_24, %dma_wait3A] : memref<66048x128xf32, #tpu.memory_space<hbm>> -> memref<48x128xf32, #tpu.memory_space<hbm>>
      %dma_wait3A_93 = arith.constant 0 : i32
      %dma_wait3A_94 = tpu.memref_slice %arg3[%add3A_24, %dma_wait3A_93] : memref<66048x128xf32, #tpu.memory_space<hbm>> -> memref<48x128xf32, #tpu.memory_space<hbm>>
      tpu.wait_dma2 semaphore(%run_scoped3A : memref<!tpu.dma_semaphore, #tpu.memory_space<semaphore_mem>>) src(%arg4 : memref<48x128xf32, #tpu.memory_space<vmem>>) dst(%dma_wait3A_94 : memref<48x128xf32, #tpu.memory_space<hbm>>)
      tpu.yield
    }) : () -> ()
    %add3A_25 = arith.constant 528 : i32
    %add3A_26 = arith.addi %mul3A_2, %add3A_25 : i32
    "tpu.region"() ({
      %run_scoped3A = tpu.sem_alloc : memref<!tpu.dma_semaphore, #tpu.memory_space<semaphore_mem>>
      %dma_start3A = arith.constant 0 : i32
      %dma_start3A_89 = tpu.memref_slice %arg2[%add3A_26, %dma_start3A] : memref<66048x128xf32, #tpu.memory_space<hbm>> -> memref<48x128xf32, #tpu.memory_space<hbm>>
      %dma_start3A_90 = arith.constant 0 : i32
      %dma_start3A_91 = tpu.memref_slice %arg2[%add3A_26, %dma_start3A_90] : memref<66048x128xf32, #tpu.memory_space<hbm>> -> memref<48x128xf32, #tpu.memory_space<hbm>>
      tpu.enqueue_dma source(%dma_start3A_91 : memref<48x128xf32, #tpu.memory_space<hbm>>) target(%arg4 : memref<48x128xf32, #tpu.memory_space<vmem>>) target_semaphore(%run_scoped3A : memref<!tpu.dma_semaphore, #tpu.memory_space<semaphore_mem>>)
      %dma_wait3A = arith.constant 0 : i32
      %dma_wait3A_92 = tpu.memref_slice %arg2[%add3A_26, %dma_wait3A] : memref<66048x128xf32, #tpu.memory_space<hbm>> -> memref<48x128xf32, #tpu.memory_space<hbm>>
      %dma_wait3A_93 = arith.constant 0 : i32
      %dma_wait3A_94 = tpu.memref_slice %arg2[%add3A_26, %dma_wait3A_93] : memref<66048x128xf32, #tpu.memory_space<hbm>> -> memref<48x128xf32, #tpu.memory_space<hbm>>
      tpu.wait_dma2 semaphore(%run_scoped3A : memref<!tpu.dma_semaphore, #tpu.memory_space<semaphore_mem>>) src(%dma_wait3A_94 : memref<48x128xf32, #tpu.memory_space<hbm>>) dst(%arg4 : memref<48x128xf32, #tpu.memory_space<vmem>>)
      tpu.yield
    }) : () -> ()
    "tpu.region"() ({
      %run_scoped3A = tpu.sem_alloc : memref<!tpu.dma_semaphore, #tpu.memory_space<semaphore_mem>>
      %dma_start3A = arith.constant 0 : i32
      %dma_start3A_89 = tpu.memref_slice %arg3[%add3A_26, %dma_start3A] : memref<66048x128xf32, #tpu.memory_space<hbm>> -> memref<48x128xf32, #tpu.memory_space<hbm>>
      %dma_start3A_90 = arith.constant 0 : i32
      %dma_start3A_91 = tpu.memref_slice %arg3[%add3A_26, %dma_start3A_90] : memref<66048x128xf32, #tpu.memory_space<hbm>> -> memref<48x128xf32, #tpu.memory_space<hbm>>
      tpu.enqueue_dma source(%arg4 : memref<48x128xf32, #tpu.memory_space<vmem>>) target(%dma_start3A_91 : memref<48x128xf32, #tpu.memory_space<hbm>>) target_semaphore(%run_scoped3A : memref<!tpu.dma_semaphore, #tpu.memory_space<semaphore_mem>>)
      %dma_wait3A = arith.constant 0 : i32
      %dma_wait3A_92 = tpu.memref_slice %arg3[%add3A_26, %dma_wait3A] : memref<66048x128xf32, #tpu.memory_space<hbm>> -> memref<48x128xf32, #tpu.memory_space<hbm>>
      %dma_wait3A_93 = arith.constant 0 : i32
      %dma_wait3A_94 = tpu.memref_slice %arg3[%add3A_26, %dma_wait3A_93] : memref<66048x128xf32, #tpu.memory_space<hbm>> -> memref<48x128xf32, #tpu.memory_space<hbm>>
      tpu.wait_dma2 semaphore(%run_scoped3A : memref<!tpu.dma_semaphore, #tpu.memory_space<semaphore_mem>>) src(%arg4 : memref<48x128xf32, #tpu.memory_space<vmem>>) dst(%dma_wait3A_94 : memref<48x128xf32, #tpu.memory_space<hbm>>)
      tpu.yield
    }) : () -> ()
    %add3A_27 = arith.constant 576 : i32
    %add3A_28 = arith.addi %mul3A_2, %add3A_27 : i32
    "tpu.region"() ({
      %run_scoped3A = tpu.sem_alloc : memref<!tpu.dma_semaphore, #tpu.memory_space<semaphore_mem>>
      %dma_start3A = arith.constant 0 : i32
      %dma_start3A_89 = tpu.memref_slice %arg2[%add3A_28, %dma_start3A] : memref<66048x128xf32, #tpu.memory_space<hbm>> -> memref<48x128xf32, #tpu.memory_space<hbm>>
      %dma_start3A_90 = arith.constant 0 : i32
      %dma_start3A_91 = tpu.memref_slice %arg2[%add3A_28, %dma_start3A_90] : memref<66048x128xf32, #tpu.memory_space<hbm>> -> memref<48x128xf32, #tpu.memory_space<hbm>>
      tpu.enqueue_dma source(%dma_start3A_91 : memref<48x128xf32, #tpu.memory_space<hbm>>) target(%arg4 : memref<48x128xf32, #tpu.memory_space<vmem>>) target_semaphore(%run_scoped3A : memref<!tpu.dma_semaphore, #tpu.memory_space<semaphore_mem>>)
      %dma_wait3A = arith.constant 0 : i32
      %dma_wait3A_92 = tpu.memref_slice %arg2[%add3A_28, %dma_wait3A] : memref<66048x128xf32, #tpu.memory_space<hbm>> -> memref<48x128xf32, #tpu.memory_space<hbm>>
      %dma_wait3A_93 = arith.constant 0 : i32
      %dma_wait3A_94 = tpu.memref_slice %arg2[%add3A_28, %dma_wait3A_93] : memref<66048x128xf32, #tpu.memory_space<hbm>> -> memref<48x128xf32, #tpu.memory_space<hbm>>
      tpu.wait_dma2 semaphore(%run_scoped3A : memref<!tpu.dma_semaphore, #tpu.memory_space<semaphore_mem>>) src(%dma_wait3A_94 : memref<48x128xf32, #tpu.memory_space<hbm>>) dst(%arg4 : memref<48x128xf32, #tpu.memory_space<vmem>>)
      tpu.yield
    }) : () -> ()
    "tpu.region"() ({
      %run_scoped3A = tpu.sem_alloc : memref<!tpu.dma_semaphore, #tpu.memory_space<semaphore_mem>>
      %dma_start3A = arith.constant 0 : i32
      %dma_start3A_89 = tpu.memref_slice %arg3[%add3A_28, %dma_start3A] : memref<66048x128xf32, #tpu.memory_space<hbm>> -> memref<48x128xf32, #tpu.memory_space<hbm>>
      %dma_start3A_90 = arith.constant 0 : i32
      %dma_start3A_91 = tpu.memref_slice %arg3[%add3A_28, %dma_start3A_90] : memref<66048x128xf32, #tpu.memory_space<hbm>> -> memref<48x128xf32, #tpu.memory_space<hbm>>
      tpu.enqueue_dma source(%arg4 : memref<48x128xf32, #tpu.memory_space<vmem>>) target(%dma_start3A_91 : memref<48x128xf32, #tpu.memory_space<hbm>>) target_semaphore(%run_scoped3A : memref<!tpu.dma_semaphore, #tpu.memory_space<semaphore_mem>>)
      %dma_wait3A = arith.constant 0 : i32
      %dma_wait3A_92 = tpu.memref_slice %arg3[%add3A_28, %dma_wait3A] : memref<66048x128xf32, #tpu.memory_space<hbm>> -> memref<48x128xf32, #tpu.memory_space<hbm>>
      %dma_wait3A_93 = arith.constant 0 : i32
      %dma_wait3A_94 = tpu.memref_slice %arg3[%add3A_28, %dma_wait3A_93] : memref<66048x128xf32, #tpu.memory_space<hbm>> -> memref<48x128xf32, #tpu.memory_space<hbm>>
      tpu.wait_dma2 semaphore(%run_scoped3A : memref<!tpu.dma_semaphore, #tpu.memory_space<semaphore_mem>>) src(%arg4 : memref<48x128xf32, #tpu.memory_space<vmem>>) dst(%dma_wait3A_94 : memref<48x128xf32, #tpu.memory_space<hbm>>)
      tpu.yield
    }) : () -> ()
    %add3A_29 = arith.constant 624 : i32
    %add3A_30 = arith.addi %mul3A_2, %add3A_29 : i32
    "tpu.region"() ({
      %run_scoped3A = tpu.sem_alloc : memref<!tpu.dma_semaphore, #tpu.memory_space<semaphore_mem>>
      %dma_start3A = arith.constant 0 : i32
      %dma_start3A_89 = tpu.memref_slice %arg2[%add3A_30, %dma_start3A] : memref<66048x128xf32, #tpu.memory_space<hbm>> -> memref<48x128xf32, #tpu.memory_space<hbm>>
      %dma_start3A_90 = arith.constant 0 : i32
      %dma_start3A_91 = tpu.memref_slice %arg2[%add3A_30, %dma_start3A_90] : memref<66048x128xf32, #tpu.memory_space<hbm>> -> memref<48x128xf32, #tpu.memory_space<hbm>>
      tpu.enqueue_dma source(%dma_start3A_91 : memref<48x128xf32, #tpu.memory_space<hbm>>) target(%arg4 : memref<48x128xf32, #tpu.memory_space<vmem>>) target_semaphore(%run_scoped3A : memref<!tpu.dma_semaphore, #tpu.memory_space<semaphore_mem>>)
      %dma_wait3A = arith.constant 0 : i32
      %dma_wait3A_92 = tpu.memref_slice %arg2[%add3A_30, %dma_wait3A] : memref<66048x128xf32, #tpu.memory_space<hbm>> -> memref<48x128xf32, #tpu.memory_space<hbm>>
      %dma_wait3A_93 = arith.constant 0 : i32
      %dma_wait3A_94 = tpu.memref_slice %arg2[%add3A_30, %dma_wait3A_93] : memref<66048x128xf32, #tpu.memory_space<hbm>> -> memref<48x128xf32, #tpu.memory_space<hbm>>
      tpu.wait_dma2 semaphore(%run_scoped3A : memref<!tpu.dma_semaphore, #tpu.memory_space<semaphore_mem>>) src(%dma_wait3A_94 : memref<48x128xf32, #tpu.memory_space<hbm>>) dst(%arg4 : memref<48x128xf32, #tpu.memory_space<vmem>>)
      tpu.yield
    }) : () -> ()
    "tpu.region"() ({
      %run_scoped3A = tpu.sem_alloc : memref<!tpu.dma_semaphore, #tpu.memory_space<semaphore_mem>>
      %dma_start3A = arith.constant 0 : i32
      %dma_start3A_89 = tpu.memref_slice %arg3[%add3A_30, %dma_start3A] : memref<66048x128xf32, #tpu.memory_space<hbm>> -> memref<48x128xf32, #tpu.memory_space<hbm>>
      %dma_start3A_90 = arith.constant 0 : i32
      %dma_start3A_91 = tpu.memref_slice %arg3[%add3A_30, %dma_start3A_90] : memref<66048x128xf32, #tpu.memory_space<hbm>> -> memref<48x128xf32, #tpu.memory_space<hbm>>
      tpu.enqueue_dma source(%arg4 : memref<48x128xf32, #tpu.memory_space<vmem>>) target(%dma_start3A_91 : memref<48x128xf32, #tpu.memory_space<hbm>>) target_semaphore(%run_scoped3A : memref<!tpu.dma_semaphore, #tpu.memory_space<semaphore_mem>>)
      %dma_wait3A = arith.constant 0 : i32
      %dma_wait3A_92 = tpu.memref_slice %arg3[%add3A_30, %dma_wait3A] : memref<66048x128xf32, #tpu.memory_space<hbm>> -> memref<48x128xf32, #tpu.memory_space<hbm>>
      %dma_wait3A_93 = arith.constant 0 : i32
      %dma_wait3A_94 = tpu.memref_slice %arg3[%add3A_30, %dma_wait3A_93] : memref<66048x128xf32, #tpu.memory_space<hbm>> -> memref<48x128xf32, #tpu.memory_space<hbm>>
      tpu.wait_dma2 semaphore(%run_scoped3A : memref<!tpu.dma_semaphore, #tpu.memory_space<semaphore_mem>>) src(%arg4 : memref<48x128xf32, #tpu.memory_space<vmem>>) dst(%dma_wait3A_94 : memref<48x128xf32, #tpu.memory_space<hbm>>)
      tpu.yield
    }) : () -> ()
    %add3A_31 = arith.constant 672 : i32
    %add3A_32 = arith.addi %mul3A_2, %add3A_31 : i32
    "tpu.region"() ({
      %run_scoped3A = tpu.sem_alloc : memref<!tpu.dma_semaphore, #tpu.memory_space<semaphore_mem>>
      %dma_start3A = arith.constant 0 : i32
      %dma_start3A_89 = tpu.memref_slice %arg2[%add3A_32, %dma_start3A] : memref<66048x128xf32, #tpu.memory_space<hbm>> -> memref<48x128xf32, #tpu.memory_space<hbm>>
      %dma_start3A_90 = arith.constant 0 : i32
      %dma_start3A_91 = tpu.memref_slice %arg2[%add3A_32, %dma_start3A_90] : memref<66048x128xf32, #tpu.memory_space<hbm>> -> memref<48x128xf32, #tpu.memory_space<hbm>>
      tpu.enqueue_dma source(%dma_start3A_91 : memref<48x128xf32, #tpu.memory_space<hbm>>) target(%arg4 : memref<48x128xf32, #tpu.memory_space<vmem>>) target_semaphore(%run_scoped3A : memref<!tpu.dma_semaphore, #tpu.memory_space<semaphore_mem>>)
      %dma_wait3A = arith.constant 0 : i32
      %dma_wait3A_92 = tpu.memref_slice %arg2[%add3A_32, %dma_wait3A] : memref<66048x128xf32, #tpu.memory_space<hbm>> -> memref<48x128xf32, #tpu.memory_space<hbm>>
      %dma_wait3A_93 = arith.constant 0 : i32
      %dma_wait3A_94 = tpu.memref_slice %arg2[%add3A_32, %dma_wait3A_93] : memref<66048x128xf32, #tpu.memory_space<hbm>> -> memref<48x128xf32, #tpu.memory_space<hbm>>
      tpu.wait_dma2 semaphore(%run_scoped3A : memref<!tpu.dma_semaphore, #tpu.memory_space<semaphore_mem>>) src(%dma_wait3A_94 : memref<48x128xf32, #tpu.memory_space<hbm>>) dst(%arg4 : memref<48x128xf32, #tpu.memory_space<vmem>>)
      tpu.yield
    }) : () -> ()
    "tpu.region"() ({
      %run_scoped3A = tpu.sem_alloc : memref<!tpu.dma_semaphore, #tpu.memory_space<semaphore_mem>>
      %dma_start3A = arith.constant 0 : i32
      %dma_start3A_89 = tpu.memref_slice %arg3[%add3A_32, %dma_start3A] : memref<66048x128xf32, #tpu.memory_space<hbm>> -> memref<48x128xf32, #tpu.memory_space<hbm>>
      %dma_start3A_90 = arith.constant 0 : i32
      %dma_start3A_91 = tpu.memref_slice %arg3[%add3A_32, %dma_start3A_90] : memref<66048x128xf32, #tpu.memory_space<hbm>> -> memref<48x128xf32, #tpu.memory_space<hbm>>
      tpu.enqueue_dma source(%arg4 : memref<48x128xf32, #tpu.memory_space<vmem>>) target(%dma_start3A_91 : memref<48x128xf32, #tpu.memory_space<hbm>>) target_semaphore(%run_scoped3A : memref<!tpu.dma_semaphore, #tpu.memory_space<semaphore_mem>>)
      %dma_wait3A = arith.constant 0 : i32
      %dma_wait3A_92 = tpu.memref_slice %arg3[%add3A_32, %dma_wait3A] : memref<66048x128xf32, #tpu.memory_space<hbm>> -> memref<48x128xf32, #tpu.memory_space<hbm>>
      %dma_wait3A_93 = arith.constant 0 : i32
      %dma_wait3A_94 = tpu.memref_slice %arg3[%add3A_32, %dma_wait3A_93] : memref<66048x128xf32, #tpu.memory_space<hbm>> -> memref<48x128xf32, #tpu.memory_space<hbm>>
      tpu.wait_dma2 semaphore(%run_scoped3A : memref<!tpu.dma_semaphore, #tpu.memory_space<semaphore_mem>>) src(%arg4 : memref<48x128xf32, #tpu.memory_space<vmem>>) dst(%dma_wait3A_94 : memref<48x128xf32, #tpu.memory_space<hbm>>)
      tpu.yield
    }) : () -> ()
    %add3A_33 = arith.constant 720 : i32
    %add3A_34 = arith.addi %mul3A_2, %add3A_33 : i32
    "tpu.region"() ({
      %run_scoped3A = tpu.sem_alloc : memref<!tpu.dma_semaphore, #tpu.memory_space<semaphore_mem>>
      %dma_start3A = arith.constant 0 : i32
      %dma_start3A_89 = tpu.memref_slice %arg2[%add3A_34, %dma_start3A] : memref<66048x128xf32, #tpu.memory_space<hbm>> -> memref<48x128xf32, #tpu.memory_space<hbm>>
      %dma_start3A_90 = arith.constant 0 : i32
      %dma_start3A_91 = tpu.memref_slice %arg2[%add3A_34, %dma_start3A_90] : memref<66048x128xf32, #tpu.memory_space<hbm>> -> memref<48x128xf32, #tpu.memory_space<hbm>>
      tpu.enqueue_dma source(%dma_start3A_91 : memref<48x128xf32, #tpu.memory_space<hbm>>) target(%arg4 : memref<48x128xf32, #tpu.memory_space<vmem>>) target_semaphore(%run_scoped3A : memref<!tpu.dma_semaphore, #tpu.memory_space<semaphore_mem>>)
      %dma_wait3A = arith.constant 0 : i32
      %dma_wait3A_92 = tpu.memref_slice %arg2[%add3A_34, %dma_wait3A] : memref<66048x128xf32, #tpu.memory_space<hbm>> -> memref<48x128xf32, #tpu.memory_space<hbm>>
      %dma_wait3A_93 = arith.constant 0 : i32
      %dma_wait3A_94 = tpu.memref_slice %arg2[%add3A_34, %dma_wait3A_93] : memref<66048x128xf32, #tpu.memory_space<hbm>> -> memref<48x128xf32, #tpu.memory_space<hbm>>
      tpu.wait_dma2 semaphore(%run_scoped3A : memref<!tpu.dma_semaphore, #tpu.memory_space<semaphore_mem>>) src(%dma_wait3A_94 : memref<48x128xf32, #tpu.memory_space<hbm>>) dst(%arg4 : memref<48x128xf32, #tpu.memory_space<vmem>>)
      tpu.yield
    }) : () -> ()
    "tpu.region"() ({
      %run_scoped3A = tpu.sem_alloc : memref<!tpu.dma_semaphore, #tpu.memory_space<semaphore_mem>>
      %dma_start3A = arith.constant 0 : i32
      %dma_start3A_89 = tpu.memref_slice %arg3[%add3A_34, %dma_start3A] : memref<66048x128xf32, #tpu.memory_space<hbm>> -> memref<48x128xf32, #tpu.memory_space<hbm>>
      %dma_start3A_90 = arith.constant 0 : i32
      %dma_start3A_91 = tpu.memref_slice %arg3[%add3A_34, %dma_start3A_90] : memref<66048x128xf32, #tpu.memory_space<hbm>> -> memref<48x128xf32, #tpu.memory_space<hbm>>
      tpu.enqueue_dma source(%arg4 : memref<48x128xf32, #tpu.memory_space<vmem>>) target(%dma_start3A_91 : memref<48x128xf32, #tpu.memory_space<hbm>>) target_semaphore(%run_scoped3A : memref<!tpu.dma_semaphore, #tpu.memory_space<semaphore_mem>>)
      %dma_wait3A = arith.constant 0 : i32
      %dma_wait3A_92 = tpu.memref_slice %arg3[%add3A_34, %dma_wait3A] : memref<66048x128xf32, #tpu.memory_space<hbm>> -> memref<48x128xf32, #tpu.memory_space<hbm>>
      %dma_wait3A_93 = arith.constant 0 : i32
      %dma_wait3A_94 = tpu.memref_slice %arg3[%add3A_34, %dma_wait3A_93] : memref<66048x128xf32, #tpu.memory_space<hbm>> -> memref<48x128xf32, #tpu.memory_space<hbm>>
      tpu.wait_dma2 semaphore(%run_scoped3A : memref<!tpu.dma_semaphore, #tpu.memory_space<semaphore_mem>>) src(%arg4 : memref<48x128xf32, #tpu.memory_space<vmem>>) dst(%dma_wait3A_94 : memref<48x128xf32, #tpu.memory_space<hbm>>)
      tpu.yield
    }) : () -> ()
    %add3A_35 = arith.constant 768 : i32
    %add3A_36 = arith.addi %mul3A_2, %add3A_35 : i32
    "tpu.region"() ({
      %run_scoped3A = tpu.sem_alloc : memref<!tpu.dma_semaphore, #tpu.memory_space<semaphore_mem>>
      %dma_start3A = arith.constant 0 : i32
      %dma_start3A_89 = tpu.memref_slice %arg2[%add3A_36, %dma_start3A] : memref<66048x128xf32, #tpu.memory_space<hbm>> -> memref<48x128xf32, #tpu.memory_space<hbm>>
      %dma_start3A_90 = arith.constant 0 : i32
      %dma_start3A_91 = tpu.memref_slice %arg2[%add3A_36, %dma_start3A_90] : memref<66048x128xf32, #tpu.memory_space<hbm>> -> memref<48x128xf32, #tpu.memory_space<hbm>>
      tpu.enqueue_dma source(%dma_start3A_91 : memref<48x128xf32, #tpu.memory_space<hbm>>) target(%arg4 : memref<48x128xf32, #tpu.memory_space<vmem>>) target_semaphore(%run_scoped3A : memref<!tpu.dma_semaphore, #tpu.memory_space<semaphore_mem>>)
      %dma_wait3A = arith.constant 0 : i32
      %dma_wait3A_92 = tpu.memref_slice %arg2[%add3A_36, %dma_wait3A] : memref<66048x128xf32, #tpu.memory_space<hbm>> -> memref<48x128xf32, #tpu.memory_space<hbm>>
      %dma_wait3A_93 = arith.constant 0 : i32
      %dma_wait3A_94 = tpu.memref_slice %arg2[%add3A_36, %dma_wait3A_93] : memref<66048x128xf32, #tpu.memory_space<hbm>> -> memref<48x128xf32, #tpu.memory_space<hbm>>
      tpu.wait_dma2 semaphore(%run_scoped3A : memref<!tpu.dma_semaphore, #tpu.memory_space<semaphore_mem>>) src(%dma_wait3A_94 : memref<48x128xf32, #tpu.memory_space<hbm>>) dst(%arg4 : memref<48x128xf32, #tpu.memory_space<vmem>>)
      tpu.yield
    }) : () -> ()
    "tpu.region"() ({
      %run_scoped3A = tpu.sem_alloc : memref<!tpu.dma_semaphore, #tpu.memory_space<semaphore_mem>>
      %dma_start3A = arith.constant 0 : i32
      %dma_start3A_89 = tpu.memref_slice %arg3[%add3A_36, %dma_start3A] : memref<66048x128xf32, #tpu.memory_space<hbm>> -> memref<48x128xf32, #tpu.memory_space<hbm>>
      %dma_start3A_90 = arith.constant 0 : i32
      %dma_start3A_91 = tpu.memref_slice %arg3[%add3A_36, %dma_start3A_90] : memref<66048x128xf32, #tpu.memory_space<hbm>> -> memref<48x128xf32, #tpu.memory_space<hbm>>
      tpu.enqueue_dma source(%arg4 : memref<48x128xf32, #tpu.memory_space<vmem>>) target(%dma_start3A_91 : memref<48x128xf32, #tpu.memory_space<hbm>>) target_semaphore(%run_scoped3A : memref<!tpu.dma_semaphore, #tpu.memory_space<semaphore_mem>>)
      %dma_wait3A = arith.constant 0 : i32
      %dma_wait3A_92 = tpu.memref_slice %arg3[%add3A_36, %dma_wait3A] : memref<66048x128xf32, #tpu.memory_space<hbm>> -> memref<48x128xf32, #tpu.memory_space<hbm>>
      %dma_wait3A_93 = arith.constant 0 : i32
      %dma_wait3A_94 = tpu.memref_slice %arg3[%add3A_36, %dma_wait3A_93] : memref<66048x128xf32, #tpu.memory_space<hbm>> -> memref<48x128xf32, #tpu.memory_space<hbm>>
      tpu.wait_dma2 semaphore(%run_scoped3A : memref<!tpu.dma_semaphore, #tpu.memory_space<semaphore_mem>>) src(%arg4 : memref<48x128xf32, #tpu.memory_space<vmem>>) dst(%dma_wait3A_94 : memref<48x128xf32, #tpu.memory_space<hbm>>)
      tpu.yield
    }) : () -> ()
    %add3A_37 = arith.constant 816 : i32
    %add3A_38 = arith.addi %mul3A_2, %add3A_37 : i32
    "tpu.region"() ({
      %run_scoped3A = tpu.sem_alloc : memref<!tpu.dma_semaphore, #tpu.memory_space<semaphore_mem>>
      %dma_start3A = arith.constant 0 : i32
      %dma_start3A_89 = tpu.memref_slice %arg2[%add3A_38, %dma_start3A] : memref<66048x128xf32, #tpu.memory_space<hbm>> -> memref<48x128xf32, #tpu.memory_space<hbm>>
      %dma_start3A_90 = arith.constant 0 : i32
      %dma_start3A_91 = tpu.memref_slice %arg2[%add3A_38, %dma_start3A_90] : memref<66048x128xf32, #tpu.memory_space<hbm>> -> memref<48x128xf32, #tpu.memory_space<hbm>>
      tpu.enqueue_dma source(%dma_start3A_91 : memref<48x128xf32, #tpu.memory_space<hbm>>) target(%arg4 : memref<48x128xf32, #tpu.memory_space<vmem>>) target_semaphore(%run_scoped3A : memref<!tpu.dma_semaphore, #tpu.memory_space<semaphore_mem>>)
      %dma_wait3A = arith.constant 0 : i32
      %dma_wait3A_92 = tpu.memref_slice %arg2[%add3A_38, %dma_wait3A] : memref<66048x128xf32, #tpu.memory_space<hbm>> -> memref<48x128xf32, #tpu.memory_space<hbm>>
      %dma_wait3A_93 = arith.constant 0 : i32
      %dma_wait3A_94 = tpu.memref_slice %arg2[%add3A_38, %dma_wait3A_93] : memref<66048x128xf32, #tpu.memory_space<hbm>> -> memref<48x128xf32, #tpu.memory_space<hbm>>
      tpu.wait_dma2 semaphore(%run_scoped3A : memref<!tpu.dma_semaphore, #tpu.memory_space<semaphore_mem>>) src(%dma_wait3A_94 : memref<48x128xf32, #tpu.memory_space<hbm>>) dst(%arg4 : memref<48x128xf32, #tpu.memory_space<vmem>>)
      tpu.yield
    }) : () -> ()
    "tpu.region"() ({
      %run_scoped3A = tpu.sem_alloc : memref<!tpu.dma_semaphore, #tpu.memory_space<semaphore_mem>>
      %dma_start3A = arith.constant 0 : i32
      %dma_start3A_89 = tpu.memref_slice %arg3[%add3A_38, %dma_start3A] : memref<66048x128xf32, #tpu.memory_space<hbm>> -> memref<48x128xf32, #tpu.memory_space<hbm>>
      %dma_start3A_90 = arith.constant 0 : i32
      %dma_start3A_91 = tpu.memref_slice %arg3[%add3A_38, %dma_start3A_90] : memref<66048x128xf32, #tpu.memory_space<hbm>> -> memref<48x128xf32, #tpu.memory_space<hbm>>
      tpu.enqueue_dma source(%arg4 : memref<48x128xf32, #tpu.memory_space<vmem>>) target(%dma_start3A_91 : memref<48x128xf32, #tpu.memory_space<hbm>>) target_semaphore(%run_scoped3A : memref<!tpu.dma_semaphore, #tpu.memory_space<semaphore_mem>>)
      %dma_wait3A = arith.constant 0 : i32
      %dma_wait3A_92 = tpu.memref_slice %arg3[%add3A_38, %dma_wait3A] : memref<66048x128xf32, #tpu.memory_space<hbm>> -> memref<48x128xf32, #tpu.memory_space<hbm>>
      %dma_wait3A_93 = arith.constant 0 : i32
      %dma_wait3A_94 = tpu.memref_slice %arg3[%add3A_38, %dma_wait3A_93] : memref<66048x128xf32, #tpu.memory_space<hbm>> -> memref<48x128xf32, #tpu.memory_space<hbm>>
      tpu.wait_dma2 semaphore(%run_scoped3A : memref<!tpu.dma_semaphore, #tpu.memory_space<semaphore_mem>>) src(%arg4 : memref<48x128xf32, #tpu.memory_space<vmem>>) dst(%dma_wait3A_94 : memref<48x128xf32, #tpu.memory_space<hbm>>)
      tpu.yield
    }) : () -> ()
    %add3A_39 = arith.constant 864 : i32
    %add3A_40 = arith.addi %mul3A_2, %add3A_39 : i32
    "tpu.region"() ({
      %run_scoped3A = tpu.sem_alloc : memref<!tpu.dma_semaphore, #tpu.memory_space<semaphore_mem>>
      %dma_start3A = arith.constant 0 : i32
      %dma_start3A_89 = tpu.memref_slice %arg2[%add3A_40, %dma_start3A] : memref<66048x128xf32, #tpu.memory_space<hbm>> -> memref<48x128xf32, #tpu.memory_space<hbm>>
      %dma_start3A_90 = arith.constant 0 : i32
      %dma_start3A_91 = tpu.memref_slice %arg2[%add3A_40, %dma_start3A_90] : memref<66048x128xf32, #tpu.memory_space<hbm>> -> memref<48x128xf32, #tpu.memory_space<hbm>>
      tpu.enqueue_dma source(%dma_start3A_91 : memref<48x128xf32, #tpu.memory_space<hbm>>) target(%arg4 : memref<48x128xf32, #tpu.memory_space<vmem>>) target_semaphore(%run_scoped3A : memref<!tpu.dma_semaphore, #tpu.memory_space<semaphore_mem>>)
      %dma_wait3A = arith.constant 0 : i32
      %dma_wait3A_92 = tpu.memref_slice %arg2[%add3A_40, %dma_wait3A] : memref<66048x128xf32, #tpu.memory_space<hbm>> -> memref<48x128xf32, #tpu.memory_space<hbm>>
      %dma_wait3A_93 = arith.constant 0 : i32
      %dma_wait3A_94 = tpu.memref_slice %arg2[%add3A_40, %dma_wait3A_93] : memref<66048x128xf32, #tpu.memory_space<hbm>> -> memref<48x128xf32, #tpu.memory_space<hbm>>
      tpu.wait_dma2 semaphore(%run_scoped3A : memref<!tpu.dma_semaphore, #tpu.memory_space<semaphore_mem>>) src(%dma_wait3A_94 : memref<48x128xf32, #tpu.memory_space<hbm>>) dst(%arg4 : memref<48x128xf32, #tpu.memory_space<vmem>>)
      tpu.yield
    }) : () -> ()
    "tpu.region"() ({
      %run_scoped3A = tpu.sem_alloc : memref<!tpu.dma_semaphore, #tpu.memory_space<semaphore_mem>>
      %dma_start3A = arith.constant 0 : i32
      %dma_start3A_89 = tpu.memref_slice %arg3[%add3A_40, %dma_start3A] : memref<66048x128xf32, #tpu.memory_space<hbm>> -> memref<48x128xf32, #tpu.memory_space<hbm>>
      %dma_start3A_90 = arith.constant 0 : i32
      %dma_start3A_91 = tpu.memref_slice %arg3[%add3A_40, %dma_start3A_90] : memref<66048x128xf32, #tpu.memory_space<hbm>> -> memref<48x128xf32, #tpu.memory_space<hbm>>
      tpu.enqueue_dma source(%arg4 : memref<48x128xf32, #tpu.memory_space<vmem>>) target(%dma_start3A_91 : memref<48x128xf32, #tpu.memory_space<hbm>>) target_semaphore(%run_scoped3A : memref<!tpu.dma_semaphore, #tpu.memory_space<semaphore_mem>>)
      %dma_wait3A = arith.constant 0 : i32
      %dma_wait3A_92 = tpu.memref_slice %arg3[%add3A_40, %dma_wait3A] : memref<66048x128xf32, #tpu.memory_space<hbm>> -> memref<48x128xf32, #tpu.memory_space<hbm>>
      %dma_wait3A_93 = arith.constant 0 : i32
      %dma_wait3A_94 = tpu.memref_slice %arg3[%add3A_40, %dma_wait3A_93] : memref<66048x128xf32, #tpu.memory_space<hbm>> -> memref<48x128xf32, #tpu.memory_space<hbm>>
      tpu.wait_dma2 semaphore(%run_scoped3A : memref<!tpu.dma_semaphore, #tpu.memory_space<semaphore_mem>>) src(%arg4 : memref<48x128xf32, #tpu.memory_space<vmem>>) dst(%dma_wait3A_94 : memref<48x128xf32, #tpu.memory_space<hbm>>)
      tpu.yield
    }) : () -> ()
    %add3A_41 = arith.constant 912 : i32
    %add3A_42 = arith.addi %mul3A_2, %add3A_41 : i32
    "tpu.region"() ({
      %run_scoped3A = tpu.sem_alloc : memref<!tpu.dma_semaphore, #tpu.memory_space<semaphore_mem>>
      %dma_start3A = arith.constant 0 : i32
      %dma_start3A_89 = tpu.memref_slice %arg2[%add3A_42, %dma_start3A] : memref<66048x128xf32, #tpu.memory_space<hbm>> -> memref<48x128xf32, #tpu.memory_space<hbm>>
      %dma_start3A_90 = arith.constant 0 : i32
      %dma_start3A_91 = tpu.memref_slice %arg2[%add3A_42, %dma_start3A_90] : memref<66048x128xf32, #tpu.memory_space<hbm>> -> memref<48x128xf32, #tpu.memory_space<hbm>>
      tpu.enqueue_dma source(%dma_start3A_91 : memref<48x128xf32, #tpu.memory_space<hbm>>) target(%arg4 : memref<48x128xf32, #tpu.memory_space<vmem>>) target_semaphore(%run_scoped3A : memref<!tpu.dma_semaphore, #tpu.memory_space<semaphore_mem>>)
      %dma_wait3A = arith.constant 0 : i32
      %dma_wait3A_92 = tpu.memref_slice %arg2[%add3A_42, %dma_wait3A] : memref<66048x128xf32, #tpu.memory_space<hbm>> -> memref<48x128xf32, #tpu.memory_space<hbm>>
      %dma_wait3A_93 = arith.constant 0 : i32
      %dma_wait3A_94 = tpu.memref_slice %arg2[%add3A_42, %dma_wait3A_93] : memref<66048x128xf32, #tpu.memory_space<hbm>> -> memref<48x128xf32, #tpu.memory_space<hbm>>
      tpu.wait_dma2 semaphore(%run_scoped3A : memref<!tpu.dma_semaphore, #tpu.memory_space<semaphore_mem>>) src(%dma_wait3A_94 : memref<48x128xf32, #tpu.memory_space<hbm>>) dst(%arg4 : memref<48x128xf32, #tpu.memory_space<vmem>>)
      tpu.yield
    }) : () -> ()
    "tpu.region"() ({
      %run_scoped3A = tpu.sem_alloc : memref<!tpu.dma_semaphore, #tpu.memory_space<semaphore_mem>>
      %dma_start3A = arith.constant 0 : i32
      %dma_start3A_89 = tpu.memref_slice %arg3[%add3A_42, %dma_start3A] : memref<66048x128xf32, #tpu.memory_space<hbm>> -> memref<48x128xf32, #tpu.memory_space<hbm>>
      %dma_start3A_90 = arith.constant 0 : i32
      %dma_start3A_91 = tpu.memref_slice %arg3[%add3A_42, %dma_start3A_90] : memref<66048x128xf32, #tpu.memory_space<hbm>> -> memref<48x128xf32, #tpu.memory_space<hbm>>
      tpu.enqueue_dma source(%arg4 : memref<48x128xf32, #tpu.memory_space<vmem>>) target(%dma_start3A_91 : memref<48x128xf32, #tpu.memory_space<hbm>>) target_semaphore(%run_scoped3A : memref<!tpu.dma_semaphore, #tpu.memory_space<semaphore_mem>>)
      %dma_wait3A = arith.constant 0 : i32
      %dma_wait3A_92 = tpu.memref_slice %arg3[%add3A_42, %dma_wait3A] : memref<66048x128xf32, #tpu.memory_space<hbm>> -> memref<48x128xf32, #tpu.memory_space<hbm>>
      %dma_wait3A_93 = arith.constant 0 : i32
      %dma_wait3A_94 = tpu.memref_slice %arg3[%add3A_42, %dma_wait3A_93] : memref<66048x128xf32, #tpu.memory_space<hbm>> -> memref<48x128xf32, #tpu.memory_space<hbm>>
      tpu.wait_dma2 semaphore(%run_scoped3A : memref<!tpu.dma_semaphore, #tpu.memory_space<semaphore_mem>>) src(%arg4 : memref<48x128xf32, #tpu.memory_space<vmem>>) dst(%dma_wait3A_94 : memref<48x128xf32, #tpu.memory_space<hbm>>)
      tpu.yield
    }) : () -> ()
    %add3A_43 = arith.constant 960 : i32
    %add3A_44 = arith.addi %mul3A_2, %add3A_43 : i32
    "tpu.region"() ({
      %run_scoped3A = tpu.sem_alloc : memref<!tpu.dma_semaphore, #tpu.memory_space<semaphore_mem>>
      %dma_start3A = arith.constant 0 : i32
      %dma_start3A_89 = tpu.memref_slice %arg2[%add3A_44, %dma_start3A] : memref<66048x128xf32, #tpu.memory_space<hbm>> -> memref<48x128xf32, #tpu.memory_space<hbm>>
      %dma_start3A_90 = arith.constant 0 : i32
      %dma_start3A_91 = tpu.memref_slice %arg2[%add3A_44, %dma_start3A_90] : memref<66048x128xf32, #tpu.memory_space<hbm>> -> memref<48x128xf32, #tpu.memory_space<hbm>>
      tpu.enqueue_dma source(%dma_start3A_91 : memref<48x128xf32, #tpu.memory_space<hbm>>) target(%arg4 : memref<48x128xf32, #tpu.memory_space<vmem>>) target_semaphore(%run_scoped3A : memref<!tpu.dma_semaphore, #tpu.memory_space<semaphore_mem>>)
      %dma_wait3A = arith.constant 0 : i32
      %dma_wait3A_92 = tpu.memref_slice %arg2[%add3A_44, %dma_wait3A] : memref<66048x128xf32, #tpu.memory_space<hbm>> -> memref<48x128xf32, #tpu.memory_space<hbm>>
      %dma_wait3A_93 = arith.constant 0 : i32
      %dma_wait3A_94 = tpu.memref_slice %arg2[%add3A_44, %dma_wait3A_93] : memref<66048x128xf32, #tpu.memory_space<hbm>> -> memref<48x128xf32, #tpu.memory_space<hbm>>
      tpu.wait_dma2 semaphore(%run_scoped3A : memref<!tpu.dma_semaphore, #tpu.memory_space<semaphore_mem>>) src(%dma_wait3A_94 : memref<48x128xf32, #tpu.memory_space<hbm>>) dst(%arg4 : memref<48x128xf32, #tpu.memory_space<vmem>>)
      tpu.yield
    }) : () -> ()
    "tpu.region"() ({
      %run_scoped3A = tpu.sem_alloc : memref<!tpu.dma_semaphore, #tpu.memory_space<semaphore_mem>>
      %dma_start3A = arith.constant 0 : i32
      %dma_start3A_89 = tpu.memref_slice %arg3[%add3A_44, %dma_start3A] : memref<66048x128xf32, #tpu.memory_space<hbm>> -> memref<48x128xf32, #tpu.memory_space<hbm>>
      %dma_start3A_90 = arith.constant 0 : i32
      %dma_start3A_91 = tpu.memref_slice %arg3[%add3A_44, %dma_start3A_90] : memref<66048x128xf32, #tpu.memory_space<hbm>> -> memref<48x128xf32, #tpu.memory_space<hbm>>
      tpu.enqueue_dma source(%arg4 : memref<48x128xf32, #tpu.memory_space<vmem>>) target(%dma_start3A_91 : memref<48x128xf32, #tpu.memory_space<hbm>>) target_semaphore(%run_scoped3A : memref<!tpu.dma_semaphore, #tpu.memory_space<semaphore_mem>>)
      %dma_wait3A = arith.constant 0 : i32
      %dma_wait3A_92 = tpu.memref_slice %arg3[%add3A_44, %dma_wait3A] : memref<66048x128xf32, #tpu.memory_space<hbm>> -> memref<48x128xf32, #tpu.memory_space<hbm>>
      %dma_wait3A_93 = arith.constant 0 : i32
      %dma_wait3A_94 = tpu.memref_slice %arg3[%add3A_44, %dma_wait3A_93] : memref<66048x128xf32, #tpu.memory_space<hbm>> -> memref<48x128xf32, #tpu.memory_space<hbm>>
      tpu.wait_dma2 semaphore(%run_scoped3A : memref<!tpu.dma_semaphore, #tpu.memory_space<semaphore_mem>>) src(%arg4 : memref<48x128xf32, #tpu.memory_space<vmem>>) dst(%dma_wait3A_94 : memref<48x128xf32, #tpu.memory_space<hbm>>)
      tpu.yield
    }) : () -> ()
    %add3A_45 = arith.constant 1008 : i32
    %add3A_46 = arith.addi %mul3A_2, %add3A_45 : i32
    "tpu.region"() ({
      %run_scoped3A = tpu.sem_alloc : memref<!tpu.dma_semaphore, #tpu.memory_space<semaphore_mem>>
      %dma_start3A = arith.constant 0 : i32
      %dma_start3A_89 = tpu.memref_slice %arg2[%add3A_46, %dma_start3A] : memref<66048x128xf32, #tpu.memory_space<hbm>> -> memref<48x128xf32, #tpu.memory_space<hbm>>
      %dma_start3A_90 = arith.constant 0 : i32
      %dma_start3A_91 = tpu.memref_slice %arg2[%add3A_46, %dma_start3A_90] : memref<66048x128xf32, #tpu.memory_space<hbm>> -> memref<48x128xf32, #tpu.memory_space<hbm>>
      tpu.enqueue_dma source(%dma_start3A_91 : memref<48x128xf32, #tpu.memory_space<hbm>>) target(%arg4 : memref<48x128xf32, #tpu.memory_space<vmem>>) target_semaphore(%run_scoped3A : memref<!tpu.dma_semaphore, #tpu.memory_space<semaphore_mem>>)
      %dma_wait3A = arith.constant 0 : i32
      %dma_wait3A_92 = tpu.memref_slice %arg2[%add3A_46, %dma_wait3A] : memref<66048x128xf32, #tpu.memory_space<hbm>> -> memref<48x128xf32, #tpu.memory_space<hbm>>
      %dma_wait3A_93 = arith.constant 0 : i32
      %dma_wait3A_94 = tpu.memref_slice %arg2[%add3A_46, %dma_wait3A_93] : memref<66048x128xf32, #tpu.memory_space<hbm>> -> memref<48x128xf32, #tpu.memory_space<hbm>>
      tpu.wait_dma2 semaphore(%run_scoped3A : memref<!tpu.dma_semaphore, #tpu.memory_space<semaphore_mem>>) src(%dma_wait3A_94 : memref<48x128xf32, #tpu.memory_space<hbm>>) dst(%arg4 : memref<48x128xf32, #tpu.memory_space<vmem>>)
      tpu.yield
    }) : () -> ()
    "tpu.region"() ({
      %run_scoped3A = tpu.sem_alloc : memref<!tpu.dma_semaphore, #tpu.memory_space<semaphore_mem>>
      %dma_start3A = arith.constant 0 : i32
      %dma_start3A_89 = tpu.memref_slice %arg3[%add3A_46, %dma_start3A] : memref<66048x128xf32, #tpu.memory_space<hbm>> -> memref<48x128xf32, #tpu.memory_space<hbm>>
      %dma_start3A_90 = arith.constant 0 : i32
      %dma_start3A_91 = tpu.memref_slice %arg3[%add3A_46, %dma_start3A_90] : memref<66048x128xf32, #tpu.memory_space<hbm>> -> memref<48x128xf32, #tpu.memory_space<hbm>>
      tpu.enqueue_dma source(%arg4 : memref<48x128xf32, #tpu.memory_space<vmem>>) target(%dma_start3A_91 : memref<48x128xf32, #tpu.memory_space<hbm>>) target_semaphore(%run_scoped3A : memref<!tpu.dma_semaphore, #tpu.memory_space<semaphore_mem>>)
      %dma_wait3A = arith.constant 0 : i32
      %dma_wait3A_92 = tpu.memref_slice %arg3[%add3A_46, %dma_wait3A] : memref<66048x128xf32, #tpu.memory_space<hbm>> -> memref<48x128xf32, #tpu.memory_space<hbm>>
      %dma_wait3A_93 = arith.constant 0 : i32
      %dma_wait3A_94 = tpu.memref_slice %arg3[%add3A_46, %dma_wait3A_93] : memref<66048x128xf32, #tpu.memory_space<hbm>> -> memref<48x128xf32, #tpu.memory_space<hbm>>
      tpu.wait_dma2 semaphore(%run_scoped3A : memref<!tpu.dma_semaphore, #tpu.memory_space<semaphore_mem>>) src(%arg4 : memref<48x128xf32, #tpu.memory_space<vmem>>) dst(%dma_wait3A_94 : memref<48x128xf32, #tpu.memory_space<hbm>>)
      tpu.yield
    }) : () -> ()
    %add3A_47 = arith.constant 1056 : i32
    %add3A_48 = arith.addi %mul3A_2, %add3A_47 : i32
    "tpu.region"() ({
      %run_scoped3A = tpu.sem_alloc : memref<!tpu.dma_semaphore, #tpu.memory_space<semaphore_mem>>
      %dma_start3A = arith.constant 0 : i32
      %dma_start3A_89 = tpu.memref_slice %arg2[%add3A_48, %dma_start3A] : memref<66048x128xf32, #tpu.memory_space<hbm>> -> memref<48x128xf32, #tpu.memory_space<hbm>>
      %dma_start3A_90 = arith.constant 0 : i32
      %dma_start3A_91 = tpu.memref_slice %arg2[%add3A_48, %dma_start3A_90] : memref<66048x128xf32, #tpu.memory_space<hbm>> -> memref<48x128xf32, #tpu.memory_space<hbm>>
      tpu.enqueue_dma source(%dma_start3A_91 : memref<48x128xf32, #tpu.memory_space<hbm>>) target(%arg4 : memref<48x128xf32, #tpu.memory_space<vmem>>) target_semaphore(%run_scoped3A : memref<!tpu.dma_semaphore, #tpu.memory_space<semaphore_mem>>)
      %dma_wait3A = arith.constant 0 : i32
      %dma_wait3A_92 = tpu.memref_slice %arg2[%add3A_48, %dma_wait3A] : memref<66048x128xf32, #tpu.memory_space<hbm>> -> memref<48x128xf32, #tpu.memory_space<hbm>>
      %dma_wait3A_93 = arith.constant 0 : i32
      %dma_wait3A_94 = tpu.memref_slice %arg2[%add3A_48, %dma_wait3A_93] : memref<66048x128xf32, #tpu.memory_space<hbm>> -> memref<48x128xf32, #tpu.memory_space<hbm>>
      tpu.wait_dma2 semaphore(%run_scoped3A : memref<!tpu.dma_semaphore, #tpu.memory_space<semaphore_mem>>) src(%dma_wait3A_94 : memref<48x128xf32, #tpu.memory_space<hbm>>) dst(%arg4 : memref<48x128xf32, #tpu.memory_space<vmem>>)
      tpu.yield
    }) : () -> ()
    "tpu.region"() ({
      %run_scoped3A = tpu.sem_alloc : memref<!tpu.dma_semaphore, #tpu.memory_space<semaphore_mem>>
      %dma_start3A = arith.constant 0 : i32
      %dma_start3A_89 = tpu.memref_slice %arg3[%add3A_48, %dma_start3A] : memref<66048x128xf32, #tpu.memory_space<hbm>> -> memref<48x128xf32, #tpu.memory_space<hbm>>
      %dma_start3A_90 = arith.constant 0 : i32
      %dma_start3A_91 = tpu.memref_slice %arg3[%add3A_48, %dma_start3A_90] : memref<66048x128xf32, #tpu.memory_space<hbm>> -> memref<48x128xf32, #tpu.memory_space<hbm>>
      tpu.enqueue_dma source(%arg4 : memref<48x128xf32, #tpu.memory_space<vmem>>) target(%dma_start3A_91 : memref<48x128xf32, #tpu.memory_space<hbm>>) target_semaphore(%run_scoped3A : memref<!tpu.dma_semaphore, #tpu.memory_space<semaphore_mem>>)
      %dma_wait3A = arith.constant 0 : i32
      %dma_wait3A_92 = tpu.memref_slice %arg3[%add3A_48, %dma_wait3A] : memref<66048x128xf32, #tpu.memory_space<hbm>> -> memref<48x128xf32, #tpu.memory_space<hbm>>
      %dma_wait3A_93 = arith.constant 0 : i32
      %dma_wait3A_94 = tpu.memref_slice %arg3[%add3A_48, %dma_wait3A_93] : memref<66048x128xf32, #tpu.memory_space<hbm>> -> memref<48x128xf32, #tpu.memory_space<hbm>>
      tpu.wait_dma2 semaphore(%run_scoped3A : memref<!tpu.dma_semaphore, #tpu.memory_space<semaphore_mem>>) src(%arg4 : memref<48x128xf32, #tpu.memory_space<vmem>>) dst(%dma_wait3A_94 : memref<48x128xf32, #tpu.memory_space<hbm>>)
      tpu.yield
    }) : () -> ()
    %add3A_49 = arith.constant 1104 : i32
    %add3A_50 = arith.addi %mul3A_2, %add3A_49 : i32
    "tpu.region"() ({
      %run_scoped3A = tpu.sem_alloc : memref<!tpu.dma_semaphore, #tpu.memory_space<semaphore_mem>>
      %dma_start3A = arith.constant 0 : i32
      %dma_start3A_89 = tpu.memref_slice %arg2[%add3A_50, %dma_start3A] : memref<66048x128xf32, #tpu.memory_space<hbm>> -> memref<48x128xf32, #tpu.memory_space<hbm>>
      %dma_start3A_90 = arith.constant 0 : i32
      %dma_start3A_91 = tpu.memref_slice %arg2[%add3A_50, %dma_start3A_90] : memref<66048x128xf32, #tpu.memory_space<hbm>> -> memref<48x128xf32, #tpu.memory_space<hbm>>
      tpu.enqueue_dma source(%dma_start3A_91 : memref<48x128xf32, #tpu.memory_space<hbm>>) target(%arg4 : memref<48x128xf32, #tpu.memory_space<vmem>>) target_semaphore(%run_scoped3A : memref<!tpu.dma_semaphore, #tpu.memory_space<semaphore_mem>>)
      %dma_wait3A = arith.constant 0 : i32
      %dma_wait3A_92 = tpu.memref_slice %arg2[%add3A_50, %dma_wait3A] : memref<66048x128xf32, #tpu.memory_space<hbm>> -> memref<48x128xf32, #tpu.memory_space<hbm>>
      %dma_wait3A_93 = arith.constant 0 : i32
      %dma_wait3A_94 = tpu.memref_slice %arg2[%add3A_50, %dma_wait3A_93] : memref<66048x128xf32, #tpu.memory_space<hbm>> -> memref<48x128xf32, #tpu.memory_space<hbm>>
      tpu.wait_dma2 semaphore(%run_scoped3A : memref<!tpu.dma_semaphore, #tpu.memory_space<semaphore_mem>>) src(%dma_wait3A_94 : memref<48x128xf32, #tpu.memory_space<hbm>>) dst(%arg4 : memref<48x128xf32, #tpu.memory_space<vmem>>)
      tpu.yield
    }) : () -> ()
    "tpu.region"() ({
      %run_scoped3A = tpu.sem_alloc : memref<!tpu.dma_semaphore, #tpu.memory_space<semaphore_mem>>
      %dma_start3A = arith.constant 0 : i32
      %dma_start3A_89 = tpu.memref_slice %arg3[%add3A_50, %dma_start3A] : memref<66048x128xf32, #tpu.memory_space<hbm>> -> memref<48x128xf32, #tpu.memory_space<hbm>>
      %dma_start3A_90 = arith.constant 0 : i32
      %dma_start3A_91 = tpu.memref_slice %arg3[%add3A_50, %dma_start3A_90] : memref<66048x128xf32, #tpu.memory_space<hbm>> -> memref<48x128xf32, #tpu.memory_space<hbm>>
      tpu.enqueue_dma source(%arg4 : memref<48x128xf32, #tpu.memory_space<vmem>>) target(%dma_start3A_91 : memref<48x128xf32, #tpu.memory_space<hbm>>) target_semaphore(%run_scoped3A : memref<!tpu.dma_semaphore, #tpu.memory_space<semaphore_mem>>)
      %dma_wait3A = arith.constant 0 : i32
      %dma_wait3A_92 = tpu.memref_slice %arg3[%add3A_50, %dma_wait3A] : memref<66048x128xf32, #tpu.memory_space<hbm>> -> memref<48x128xf32, #tpu.memory_space<hbm>>
      %dma_wait3A_93 = arith.constant 0 : i32
      %dma_wait3A_94 = tpu.memref_slice %arg3[%add3A_50, %dma_wait3A_93] : memref<66048x128xf32, #tpu.memory_space<hbm>> -> memref<48x128xf32, #tpu.memory_space<hbm>>
      tpu.wait_dma2 semaphore(%run_scoped3A : memref<!tpu.dma_semaphore, #tpu.memory_space<semaphore_mem>>) src(%arg4 : memref<48x128xf32, #tpu.memory_space<vmem>>) dst(%dma_wait3A_94 : memref<48x128xf32, #tpu.memory_space<hbm>>)
      tpu.yield
    }) : () -> ()
    %add3A_51 = arith.constant 1152 : i32
    %add3A_52 = arith.addi %mul3A_2, %add3A_51 : i32
    "tpu.region"() ({
      %run_scoped3A = tpu.sem_alloc : memref<!tpu.dma_semaphore, #tpu.memory_space<semaphore_mem>>
      %dma_start3A = arith.constant 0 : i32
      %dma_start3A_89 = tpu.memref_slice %arg2[%add3A_52, %dma_start3A] : memref<66048x128xf32, #tpu.memory_space<hbm>> -> memref<48x128xf32, #tpu.memory_space<hbm>>
      %dma_start3A_90 = arith.constant 0 : i32
      %dma_start3A_91 = tpu.memref_slice %arg2[%add3A_52, %dma_start3A_90] : memref<66048x128xf32, #tpu.memory_space<hbm>> -> memref<48x128xf32, #tpu.memory_space<hbm>>
      tpu.enqueue_dma source(%dma_start3A_91 : memref<48x128xf32, #tpu.memory_space<hbm>>) target(%arg4 : memref<48x128xf32, #tpu.memory_space<vmem>>) target_semaphore(%run_scoped3A : memref<!tpu.dma_semaphore, #tpu.memory_space<semaphore_mem>>)
      %dma_wait3A = arith.constant 0 : i32
      %dma_wait3A_92 = tpu.memref_slice %arg2[%add3A_52, %dma_wait3A] : memref<66048x128xf32, #tpu.memory_space<hbm>> -> memref<48x128xf32, #tpu.memory_space<hbm>>
      %dma_wait3A_93 = arith.constant 0 : i32
      %dma_wait3A_94 = tpu.memref_slice %arg2[%add3A_52, %dma_wait3A_93] : memref<66048x128xf32, #tpu.memory_space<hbm>> -> memref<48x128xf32, #tpu.memory_space<hbm>>
      tpu.wait_dma2 semaphore(%run_scoped3A : memref<!tpu.dma_semaphore, #tpu.memory_space<semaphore_mem>>) src(%dma_wait3A_94 : memref<48x128xf32, #tpu.memory_space<hbm>>) dst(%arg4 : memref<48x128xf32, #tpu.memory_space<vmem>>)
      tpu.yield
    }) : () -> ()
    "tpu.region"() ({
      %run_scoped3A = tpu.sem_alloc : memref<!tpu.dma_semaphore, #tpu.memory_space<semaphore_mem>>
      %dma_start3A = arith.constant 0 : i32
      %dma_start3A_89 = tpu.memref_slice %arg3[%add3A_52, %dma_start3A] : memref<66048x128xf32, #tpu.memory_space<hbm>> -> memref<48x128xf32, #tpu.memory_space<hbm>>
      %dma_start3A_90 = arith.constant 0 : i32
      %dma_start3A_91 = tpu.memref_slice %arg3[%add3A_52, %dma_start3A_90] : memref<66048x128xf32, #tpu.memory_space<hbm>> -> memref<48x128xf32, #tpu.memory_space<hbm>>
      tpu.enqueue_dma source(%arg4 : memref<48x128xf32, #tpu.memory_space<vmem>>) target(%dma_start3A_91 : memref<48x128xf32, #tpu.memory_space<hbm>>) target_semaphore(%run_scoped3A : memref<!tpu.dma_semaphore, #tpu.memory_space<semaphore_mem>>)
      %dma_wait3A = arith.constant 0 : i32
      %dma_wait3A_92 = tpu.memref_slice %arg3[%add3A_52, %dma_wait3A] : memref<66048x128xf32, #tpu.memory_space<hbm>> -> memref<48x128xf32, #tpu.memory_space<hbm>>
      %dma_wait3A_93 = arith.constant 0 : i32
      %dma_wait3A_94 = tpu.memref_slice %arg3[%add3A_52, %dma_wait3A_93] : memref<66048x128xf32, #tpu.memory_space<hbm>> -> memref<48x128xf32, #tpu.memory_space<hbm>>
      tpu.wait_dma2 semaphore(%run_scoped3A : memref<!tpu.dma_semaphore, #tpu.memory_space<semaphore_mem>>) src(%arg4 : memref<48x128xf32, #tpu.memory_space<vmem>>) dst(%dma_wait3A_94 : memref<48x128xf32, #tpu.memory_space<hbm>>)
      tpu.yield
    }) : () -> ()
    %add3A_53 = arith.constant 1200 : i32
    %add3A_54 = arith.addi %mul3A_2, %add3A_53 : i32
    "tpu.region"() ({
      %run_scoped3A = tpu.sem_alloc : memref<!tpu.dma_semaphore, #tpu.memory_space<semaphore_mem>>
      %dma_start3A = arith.constant 0 : i32
      %dma_start3A_89 = tpu.memref_slice %arg2[%add3A_54, %dma_start3A] : memref<66048x128xf32, #tpu.memory_space<hbm>> -> memref<48x128xf32, #tpu.memory_space<hbm>>
      %dma_start3A_90 = arith.constant 0 : i32
      %dma_start3A_91 = tpu.memref_slice %arg2[%add3A_54, %dma_start3A_90] : memref<66048x128xf32, #tpu.memory_space<hbm>> -> memref<48x128xf32, #tpu.memory_space<hbm>>
      tpu.enqueue_dma source(%dma_start3A_91 : memref<48x128xf32, #tpu.memory_space<hbm>>) target(%arg4 : memref<48x128xf32, #tpu.memory_space<vmem>>) target_semaphore(%run_scoped3A : memref<!tpu.dma_semaphore, #tpu.memory_space<semaphore_mem>>)
      %dma_wait3A = arith.constant 0 : i32
      %dma_wait3A_92 = tpu.memref_slice %arg2[%add3A_54, %dma_wait3A] : memref<66048x128xf32, #tpu.memory_space<hbm>> -> memref<48x128xf32, #tpu.memory_space<hbm>>
      %dma_wait3A_93 = arith.constant 0 : i32
      %dma_wait3A_94 = tpu.memref_slice %arg2[%add3A_54, %dma_wait3A_93] : memref<66048x128xf32, #tpu.memory_space<hbm>> -> memref<48x128xf32, #tpu.memory_space<hbm>>
      tpu.wait_dma2 semaphore(%run_scoped3A : memref<!tpu.dma_semaphore, #tpu.memory_space<semaphore_mem>>) src(%dma_wait3A_94 : memref<48x128xf32, #tpu.memory_space<hbm>>) dst(%arg4 : memref<48x128xf32, #tpu.memory_space<vmem>>)
      tpu.yield
    }) : () -> ()
    "tpu.region"() ({
      %run_scoped3A = tpu.sem_alloc : memref<!tpu.dma_semaphore, #tpu.memory_space<semaphore_mem>>
      %dma_start3A = arith.constant 0 : i32
      %dma_start3A_89 = tpu.memref_slice %arg3[%add3A_54, %dma_start3A] : memref<66048x128xf32, #tpu.memory_space<hbm>> -> memref<48x128xf32, #tpu.memory_space<hbm>>
      %dma_start3A_90 = arith.constant 0 : i32
      %dma_start3A_91 = tpu.memref_slice %arg3[%add3A_54, %dma_start3A_90] : memref<66048x128xf32, #tpu.memory_space<hbm>> -> memref<48x128xf32, #tpu.memory_space<hbm>>
      tpu.enqueue_dma source(%arg4 : memref<48x128xf32, #tpu.memory_space<vmem>>) target(%dma_start3A_91 : memref<48x128xf32, #tpu.memory_space<hbm>>) target_semaphore(%run_scoped3A : memref<!tpu.dma_semaphore, #tpu.memory_space<semaphore_mem>>)
      %dma_wait3A = arith.constant 0 : i32
      %dma_wait3A_92 = tpu.memref_slice %arg3[%add3A_54, %dma_wait3A] : memref<66048x128xf32, #tpu.memory_space<hbm>> -> memref<48x128xf32, #tpu.memory_space<hbm>>
      %dma_wait3A_93 = arith.constant 0 : i32
      %dma_wait3A_94 = tpu.memref_slice %arg3[%add3A_54, %dma_wait3A_93] : memref<66048x128xf32, #tpu.memory_space<hbm>> -> memref<48x128xf32, #tpu.memory_space<hbm>>
      tpu.wait_dma2 semaphore(%run_scoped3A : memref<!tpu.dma_semaphore, #tpu.memory_space<semaphore_mem>>) src(%arg4 : memref<48x128xf32, #tpu.memory_space<vmem>>) dst(%dma_wait3A_94 : memref<48x128xf32, #tpu.memory_space<hbm>>)
      tpu.yield
    }) : () -> ()
    %add3A_55 = arith.constant 1248 : i32
    %add3A_56 = arith.addi %mul3A_2, %add3A_55 : i32
    "tpu.region"() ({
      %run_scoped3A = tpu.sem_alloc : memref<!tpu.dma_semaphore, #tpu.memory_space<semaphore_mem>>
      %dma_start3A = arith.constant 0 : i32
      %dma_start3A_89 = tpu.memref_slice %arg2[%add3A_56, %dma_start3A] : memref<66048x128xf32, #tpu.memory_space<hbm>> -> memref<48x128xf32, #tpu.memory_space<hbm>>
      %dma_start3A_90 = arith.constant 0 : i32
      %dma_start3A_91 = tpu.memref_slice %arg2[%add3A_56, %dma_start3A_90] : memref<66048x128xf32, #tpu.memory_space<hbm>> -> memref<48x128xf32, #tpu.memory_space<hbm>>
      tpu.enqueue_dma source(%dma_start3A_91 : memref<48x128xf32, #tpu.memory_space<hbm>>) target(%arg4 : memref<48x128xf32, #tpu.memory_space<vmem>>) target_semaphore(%run_scoped3A : memref<!tpu.dma_semaphore, #tpu.memory_space<semaphore_mem>>)
      %dma_wait3A = arith.constant 0 : i32
      %dma_wait3A_92 = tpu.memref_slice %arg2[%add3A_56, %dma_wait3A] : memref<66048x128xf32, #tpu.memory_space<hbm>> -> memref<48x128xf32, #tpu.memory_space<hbm>>
      %dma_wait3A_93 = arith.constant 0 : i32
      %dma_wait3A_94 = tpu.memref_slice %arg2[%add3A_56, %dma_wait3A_93] : memref<66048x128xf32, #tpu.memory_space<hbm>> -> memref<48x128xf32, #tpu.memory_space<hbm>>
      tpu.wait_dma2 semaphore(%run_scoped3A : memref<!tpu.dma_semaphore, #tpu.memory_space<semaphore_mem>>) src(%dma_wait3A_94 : memref<48x128xf32, #tpu.memory_space<hbm>>) dst(%arg4 : memref<48x128xf32, #tpu.memory_space<vmem>>)
      tpu.yield
    }) : () -> ()
    "tpu.region"() ({
      %run_scoped3A = tpu.sem_alloc : memref<!tpu.dma_semaphore, #tpu.memory_space<semaphore_mem>>
      %dma_start3A = arith.constant 0 : i32
      %dma_start3A_89 = tpu.memref_slice %arg3[%add3A_56, %dma_start3A] : memref<66048x128xf32, #tpu.memory_space<hbm>> -> memref<48x128xf32, #tpu.memory_space<hbm>>
      %dma_start3A_90 = arith.constant 0 : i32
      %dma_start3A_91 = tpu.memref_slice %arg3[%add3A_56, %dma_start3A_90] : memref<66048x128xf32, #tpu.memory_space<hbm>> -> memref<48x128xf32, #tpu.memory_space<hbm>>
      tpu.enqueue_dma source(%arg4 : memref<48x128xf32, #tpu.memory_space<vmem>>) target(%dma_start3A_91 : memref<48x128xf32, #tpu.memory_space<hbm>>) target_semaphore(%run_scoped3A : memref<!tpu.dma_semaphore, #tpu.memory_space<semaphore_mem>>)
      %dma_wait3A = arith.constant 0 : i32
      %dma_wait3A_92 = tpu.memref_slice %arg3[%add3A_56, %dma_wait3A] : memref<66048x128xf32, #tpu.memory_space<hbm>> -> memref<48x128xf32, #tpu.memory_space<hbm>>
      %dma_wait3A_93 = arith.constant 0 : i32
      %dma_wait3A_94 = tpu.memref_slice %arg3[%add3A_56, %dma_wait3A_93] : memref<66048x128xf32, #tpu.memory_space<hbm>> -> memref<48x128xf32, #tpu.memory_space<hbm>>
      tpu.wait_dma2 semaphore(%run_scoped3A : memref<!tpu.dma_semaphore, #tpu.memory_space<semaphore_mem>>) src(%arg4 : memref<48x128xf32, #tpu.memory_space<vmem>>) dst(%dma_wait3A_94 : memref<48x128xf32, #tpu.memory_space<hbm>>)
      tpu.yield
    }) : () -> ()
    %add3A_57 = arith.constant 1296 : i32
    %add3A_58 = arith.addi %mul3A_2, %add3A_57 : i32
    "tpu.region"() ({
      %run_scoped3A = tpu.sem_alloc : memref<!tpu.dma_semaphore, #tpu.memory_space<semaphore_mem>>
      %dma_start3A = arith.constant 0 : i32
      %dma_start3A_89 = tpu.memref_slice %arg2[%add3A_58, %dma_start3A] : memref<66048x128xf32, #tpu.memory_space<hbm>> -> memref<48x128xf32, #tpu.memory_space<hbm>>
      %dma_start3A_90 = arith.constant 0 : i32
      %dma_start3A_91 = tpu.memref_slice %arg2[%add3A_58, %dma_start3A_90] : memref<66048x128xf32, #tpu.memory_space<hbm>> -> memref<48x128xf32, #tpu.memory_space<hbm>>
      tpu.enqueue_dma source(%dma_start3A_91 : memref<48x128xf32, #tpu.memory_space<hbm>>) target(%arg4 : memref<48x128xf32, #tpu.memory_space<vmem>>) target_semaphore(%run_scoped3A : memref<!tpu.dma_semaphore, #tpu.memory_space<semaphore_mem>>)
      %dma_wait3A = arith.constant 0 : i32
      %dma_wait3A_92 = tpu.memref_slice %arg2[%add3A_58, %dma_wait3A] : memref<66048x128xf32, #tpu.memory_space<hbm>> -> memref<48x128xf32, #tpu.memory_space<hbm>>
      %dma_wait3A_93 = arith.constant 0 : i32
      %dma_wait3A_94 = tpu.memref_slice %arg2[%add3A_58, %dma_wait3A_93] : memref<66048x128xf32, #tpu.memory_space<hbm>> -> memref<48x128xf32, #tpu.memory_space<hbm>>
      tpu.wait_dma2 semaphore(%run_scoped3A : memref<!tpu.dma_semaphore, #tpu.memory_space<semaphore_mem>>) src(%dma_wait3A_94 : memref<48x128xf32, #tpu.memory_space<hbm>>) dst(%arg4 : memref<48x128xf32, #tpu.memory_space<vmem>>)
      tpu.yield
    }) : () -> ()
    "tpu.region"() ({
      %run_scoped3A = tpu.sem_alloc : memref<!tpu.dma_semaphore, #tpu.memory_space<semaphore_mem>>
      %dma_start3A = arith.constant 0 : i32
      %dma_start3A_89 = tpu.memref_slice %arg3[%add3A_58, %dma_start3A] : memref<66048x128xf32, #tpu.memory_space<hbm>> -> memref<48x128xf32, #tpu.memory_space<hbm>>
      %dma_start3A_90 = arith.constant 0 : i32
      %dma_start3A_91 = tpu.memref_slice %arg3[%add3A_58, %dma_start3A_90] : memref<66048x128xf32, #tpu.memory_space<hbm>> -> memref<48x128xf32, #tpu.memory_space<hbm>>
      tpu.enqueue_dma source(%arg4 : memref<48x128xf32, #tpu.memory_space<vmem>>) target(%dma_start3A_91 : memref<48x128xf32, #tpu.memory_space<hbm>>) target_semaphore(%run_scoped3A : memref<!tpu.dma_semaphore, #tpu.memory_space<semaphore_mem>>)
      %dma_wait3A = arith.constant 0 : i32
      %dma_wait3A_92 = tpu.memref_slice %arg3[%add3A_58, %dma_wait3A] : memref<66048x128xf32, #tpu.memory_space<hbm>> -> memref<48x128xf32, #tpu.memory_space<hbm>>
      %dma_wait3A_93 = arith.constant 0 : i32
      %dma_wait3A_94 = tpu.memref_slice %arg3[%add3A_58, %dma_wait3A_93] : memref<66048x128xf32, #tpu.memory_space<hbm>> -> memref<48x128xf32, #tpu.memory_space<hbm>>
      tpu.wait_dma2 semaphore(%run_scoped3A : memref<!tpu.dma_semaphore, #tpu.memory_space<semaphore_mem>>) src(%arg4 : memref<48x128xf32, #tpu.memory_space<vmem>>) dst(%dma_wait3A_94 : memref<48x128xf32, #tpu.memory_space<hbm>>)
      tpu.yield
    }) : () -> ()
    %add3A_59 = arith.constant 1344 : i32
    %add3A_60 = arith.addi %mul3A_2, %add3A_59 : i32
    "tpu.region"() ({
      %run_scoped3A = tpu.sem_alloc : memref<!tpu.dma_semaphore, #tpu.memory_space<semaphore_mem>>
      %dma_start3A = arith.constant 0 : i32
      %dma_start3A_89 = tpu.memref_slice %arg2[%add3A_60, %dma_start3A] : memref<66048x128xf32, #tpu.memory_space<hbm>> -> memref<48x128xf32, #tpu.memory_space<hbm>>
      %dma_start3A_90 = arith.constant 0 : i32
      %dma_start3A_91 = tpu.memref_slice %arg2[%add3A_60, %dma_start3A_90] : memref<66048x128xf32, #tpu.memory_space<hbm>> -> memref<48x128xf32, #tpu.memory_space<hbm>>
      tpu.enqueue_dma source(%dma_start3A_91 : memref<48x128xf32, #tpu.memory_space<hbm>>) target(%arg4 : memref<48x128xf32, #tpu.memory_space<vmem>>) target_semaphore(%run_scoped3A : memref<!tpu.dma_semaphore, #tpu.memory_space<semaphore_mem>>)
      %dma_wait3A = arith.constant 0 : i32
      %dma_wait3A_92 = tpu.memref_slice %arg2[%add3A_60, %dma_wait3A] : memref<66048x128xf32, #tpu.memory_space<hbm>> -> memref<48x128xf32, #tpu.memory_space<hbm>>
      %dma_wait3A_93 = arith.constant 0 : i32
      %dma_wait3A_94 = tpu.memref_slice %arg2[%add3A_60, %dma_wait3A_93] : memref<66048x128xf32, #tpu.memory_space<hbm>> -> memref<48x128xf32, #tpu.memory_space<hbm>>
      tpu.wait_dma2 semaphore(%run_scoped3A : memref<!tpu.dma_semaphore, #tpu.memory_space<semaphore_mem>>) src(%dma_wait3A_94 : memref<48x128xf32, #tpu.memory_space<hbm>>) dst(%arg4 : memref<48x128xf32, #tpu.memory_space<vmem>>)
      tpu.yield
    }) : () -> ()
    "tpu.region"() ({
      %run_scoped3A = tpu.sem_alloc : memref<!tpu.dma_semaphore, #tpu.memory_space<semaphore_mem>>
      %dma_start3A = arith.constant 0 : i32
      %dma_start3A_89 = tpu.memref_slice %arg3[%add3A_60, %dma_start3A] : memref<66048x128xf32, #tpu.memory_space<hbm>> -> memref<48x128xf32, #tpu.memory_space<hbm>>
      %dma_start3A_90 = arith.constant 0 : i32
      %dma_start3A_91 = tpu.memref_slice %arg3[%add3A_60, %dma_start3A_90] : memref<66048x128xf32, #tpu.memory_space<hbm>> -> memref<48x128xf32, #tpu.memory_space<hbm>>
      tpu.enqueue_dma source(%arg4 : memref<48x128xf32, #tpu.memory_space<vmem>>) target(%dma_start3A_91 : memref<48x128xf32, #tpu.memory_space<hbm>>) target_semaphore(%run_scoped3A : memref<!tpu.dma_semaphore, #tpu.memory_space<semaphore_mem>>)
      %dma_wait3A = arith.constant 0 : i32
      %dma_wait3A_92 = tpu.memref_slice %arg3[%add3A_60, %dma_wait3A] : memref<66048x128xf32, #tpu.memory_space<hbm>> -> memref<48x128xf32, #tpu.memory_space<hbm>>
      %dma_wait3A_93 = arith.constant 0 : i32
      %dma_wait3A_94 = tpu.memref_slice %arg3[%add3A_60, %dma_wait3A_93] : memref<66048x128xf32, #tpu.memory_space<hbm>> -> memref<48x128xf32, #tpu.memory_space<hbm>>
      tpu.wait_dma2 semaphore(%run_scoped3A : memref<!tpu.dma_semaphore, #tpu.memory_space<semaphore_mem>>) src(%arg4 : memref<48x128xf32, #tpu.memory_space<vmem>>) dst(%dma_wait3A_94 : memref<48x128xf32, #tpu.memory_space<hbm>>)
      tpu.yield
    }) : () -> ()
    %add3A_61 = arith.constant 1392 : i32
    %add3A_62 = arith.addi %mul3A_2, %add3A_61 : i32
    "tpu.region"() ({
      %run_scoped3A = tpu.sem_alloc : memref<!tpu.dma_semaphore, #tpu.memory_space<semaphore_mem>>
      %dma_start3A = arith.constant 0 : i32
      %dma_start3A_89 = tpu.memref_slice %arg2[%add3A_62, %dma_start3A] : memref<66048x128xf32, #tpu.memory_space<hbm>> -> memref<48x128xf32, #tpu.memory_space<hbm>>
      %dma_start3A_90 = arith.constant 0 : i32
      %dma_start3A_91 = tpu.memref_slice %arg2[%add3A_62, %dma_start3A_90] : memref<66048x128xf32, #tpu.memory_space<hbm>> -> memref<48x128xf32, #tpu.memory_space<hbm>>
      tpu.enqueue_dma source(%dma_start3A_91 : memref<48x128xf32, #tpu.memory_space<hbm>>) target(%arg4 : memref<48x128xf32, #tpu.memory_space<vmem>>) target_semaphore(%run_scoped3A : memref<!tpu.dma_semaphore, #tpu.memory_space<semaphore_mem>>)
      %dma_wait3A = arith.constant 0 : i32
      %dma_wait3A_92 = tpu.memref_slice %arg2[%add3A_62, %dma_wait3A] : memref<66048x128xf32, #tpu.memory_space<hbm>> -> memref<48x128xf32, #tpu.memory_space<hbm>>
      %dma_wait3A_93 = arith.constant 0 : i32
      %dma_wait3A_94 = tpu.memref_slice %arg2[%add3A_62, %dma_wait3A_93] : memref<66048x128xf32, #tpu.memory_space<hbm>> -> memref<48x128xf32, #tpu.memory_space<hbm>>
      tpu.wait_dma2 semaphore(%run_scoped3A : memref<!tpu.dma_semaphore, #tpu.memory_space<semaphore_mem>>) src(%dma_wait3A_94 : memref<48x128xf32, #tpu.memory_space<hbm>>) dst(%arg4 : memref<48x128xf32, #tpu.memory_space<vmem>>)
      tpu.yield
    }) : () -> ()
    "tpu.region"() ({
      %run_scoped3A = tpu.sem_alloc : memref<!tpu.dma_semaphore, #tpu.memory_space<semaphore_mem>>
      %dma_start3A = arith.constant 0 : i32
      %dma_start3A_89 = tpu.memref_slice %arg3[%add3A_62, %dma_start3A] : memref<66048x128xf32, #tpu.memory_space<hbm>> -> memref<48x128xf32, #tpu.memory_space<hbm>>
      %dma_start3A_90 = arith.constant 0 : i32
      %dma_start3A_91 = tpu.memref_slice %arg3[%add3A_62, %dma_start3A_90] : memref<66048x128xf32, #tpu.memory_space<hbm>> -> memref<48x128xf32, #tpu.memory_space<hbm>>
      tpu.enqueue_dma source(%arg4 : memref<48x128xf32, #tpu.memory_space<vmem>>) target(%dma_start3A_91 : memref<48x128xf32, #tpu.memory_space<hbm>>) target_semaphore(%run_scoped3A : memref<!tpu.dma_semaphore, #tpu.memory_space<semaphore_mem>>)
      %dma_wait3A = arith.constant 0 : i32
      %dma_wait3A_92 = tpu.memref_slice %arg3[%add3A_62, %dma_wait3A] : memref<66048x128xf32, #tpu.memory_space<hbm>> -> memref<48x128xf32, #tpu.memory_space<hbm>>
      %dma_wait3A_93 = arith.constant 0 : i32
      %dma_wait3A_94 = tpu.memref_slice %arg3[%add3A_62, %dma_wait3A_93] : memref<66048x128xf32, #tpu.memory_space<hbm>> -> memref<48x128xf32, #tpu.memory_space<hbm>>
      tpu.wait_dma2 semaphore(%run_scoped3A : memref<!tpu.dma_semaphore, #tpu.memory_space<semaphore_mem>>) src(%arg4 : memref<48x128xf32, #tpu.memory_space<vmem>>) dst(%dma_wait3A_94 : memref<48x128xf32, #tpu.memory_space<hbm>>)
      tpu.yield
    }) : () -> ()
    %add3A_63 = arith.constant 1440 : i32
    %add3A_64 = arith.addi %mul3A_2, %add3A_63 : i32
    "tpu.region"() ({
      %run_scoped3A = tpu.sem_alloc : memref<!tpu.dma_semaphore, #tpu.memory_space<semaphore_mem>>
      %dma_start3A = arith.constant 0 : i32
      %dma_start3A_89 = tpu.memref_slice %arg2[%add3A_64, %dma_start3A] : memref<66048x128xf32, #tpu.memory_space<hbm>> -> memref<48x128xf32, #tpu.memory_space<hbm>>
      %dma_start3A_90 = arith.constant 0 : i32
      %dma_start3A_91 = tpu.memref_slice %arg2[%add3A_64, %dma_start3A_90] : memref<66048x128xf32, #tpu.memory_space<hbm>> -> memref<48x128xf32, #tpu.memory_space<hbm>>
      tpu.enqueue_dma source(%dma_start3A_91 : memref<48x128xf32, #tpu.memory_space<hbm>>) target(%arg4 : memref<48x128xf32, #tpu.memory_space<vmem>>) target_semaphore(%run_scoped3A : memref<!tpu.dma_semaphore, #tpu.memory_space<semaphore_mem>>)
      %dma_wait3A = arith.constant 0 : i32
      %dma_wait3A_92 = tpu.memref_slice %arg2[%add3A_64, %dma_wait3A] : memref<66048x128xf32, #tpu.memory_space<hbm>> -> memref<48x128xf32, #tpu.memory_space<hbm>>
      %dma_wait3A_93 = arith.constant 0 : i32
      %dma_wait3A_94 = tpu.memref_slice %arg2[%add3A_64, %dma_wait3A_93] : memref<66048x128xf32, #tpu.memory_space<hbm>> -> memref<48x128xf32, #tpu.memory_space<hbm>>
      tpu.wait_dma2 semaphore(%run_scoped3A : memref<!tpu.dma_semaphore, #tpu.memory_space<semaphore_mem>>) src(%dma_wait3A_94 : memref<48x128xf32, #tpu.memory_space<hbm>>) dst(%arg4 : memref<48x128xf32, #tpu.memory_space<vmem>>)
      tpu.yield
    }) : () -> ()
    "tpu.region"() ({
      %run_scoped3A = tpu.sem_alloc : memref<!tpu.dma_semaphore, #tpu.memory_space<semaphore_mem>>
      %dma_start3A = arith.constant 0 : i32
      %dma_start3A_89 = tpu.memref_slice %arg3[%add3A_64, %dma_start3A] : memref<66048x128xf32, #tpu.memory_space<hbm>> -> memref<48x128xf32, #tpu.memory_space<hbm>>
      %dma_start3A_90 = arith.constant 0 : i32
      %dma_start3A_91 = tpu.memref_slice %arg3[%add3A_64, %dma_start3A_90] : memref<66048x128xf32, #tpu.memory_space<hbm>> -> memref<48x128xf32, #tpu.memory_space<hbm>>
      tpu.enqueue_dma source(%arg4 : memref<48x128xf32, #tpu.memory_space<vmem>>) target(%dma_start3A_91 : memref<48x128xf32, #tpu.memory_space<hbm>>) target_semaphore(%run_scoped3A : memref<!tpu.dma_semaphore, #tpu.memory_space<semaphore_mem>>)
      %dma_wait3A = arith.constant 0 : i32
      %dma_wait3A_92 = tpu.memref_slice %arg3[%add3A_64, %dma_wait3A] : memref<66048x128xf32, #tpu.memory_space<hbm>> -> memref<48x128xf32, #tpu.memory_space<hbm>>
      %dma_wait3A_93 = arith.constant 0 : i32
      %dma_wait3A_94 = tpu.memref_slice %arg3[%add3A_64, %dma_wait3A_93] : memref<66048x128xf32, #tpu.memory_space<hbm>> -> memref<48x128xf32, #tpu.memory_space<hbm>>
      tpu.wait_dma2 semaphore(%run_scoped3A : memref<!tpu.dma_semaphore, #tpu.memory_space<semaphore_mem>>) src(%arg4 : memref<48x128xf32, #tpu.memory_space<vmem>>) dst(%dma_wait3A_94 : memref<48x128xf32, #tpu.memory_space<hbm>>)
      tpu.yield
    }) : () -> ()
    %add3A_65 = arith.constant 1488 : i32
    %add3A_66 = arith.addi %mul3A_2, %add3A_65 : i32
    "tpu.region"() ({
      %run_scoped3A = tpu.sem_alloc : memref<!tpu.dma_semaphore, #tpu.memory_space<semaphore_mem>>
      %dma_start3A = arith.constant 0 : i32
      %dma_start3A_89 = tpu.memref_slice %arg2[%add3A_66, %dma_start3A] : memref<66048x128xf32, #tpu.memory_space<hbm>> -> memref<48x128xf32, #tpu.memory_space<hbm>>
      %dma_start3A_90 = arith.constant 0 : i32
      %dma_start3A_91 = tpu.memref_slice %arg2[%add3A_66, %dma_start3A_90] : memref<66048x128xf32, #tpu.memory_space<hbm>> -> memref<48x128xf32, #tpu.memory_space<hbm>>
      tpu.enqueue_dma source(%dma_start3A_91 : memref<48x128xf32, #tpu.memory_space<hbm>>) target(%arg4 : memref<48x128xf32, #tpu.memory_space<vmem>>) target_semaphore(%run_scoped3A : memref<!tpu.dma_semaphore, #tpu.memory_space<semaphore_mem>>)
      %dma_wait3A = arith.constant 0 : i32
      %dma_wait3A_92 = tpu.memref_slice %arg2[%add3A_66, %dma_wait3A] : memref<66048x128xf32, #tpu.memory_space<hbm>> -> memref<48x128xf32, #tpu.memory_space<hbm>>
      %dma_wait3A_93 = arith.constant 0 : i32
      %dma_wait3A_94 = tpu.memref_slice %arg2[%add3A_66, %dma_wait3A_93] : memref<66048x128xf32, #tpu.memory_space<hbm>> -> memref<48x128xf32, #tpu.memory_space<hbm>>
      tpu.wait_dma2 semaphore(%run_scoped3A : memref<!tpu.dma_semaphore, #tpu.memory_space<semaphore_mem>>) src(%dma_wait3A_94 : memref<48x128xf32, #tpu.memory_space<hbm>>) dst(%arg4 : memref<48x128xf32, #tpu.memory_space<vmem>>)
      tpu.yield
    }) : () -> ()
    "tpu.region"() ({
      %run_scoped3A = tpu.sem_alloc : memref<!tpu.dma_semaphore, #tpu.memory_space<semaphore_mem>>
      %dma_start3A = arith.constant 0 : i32
      %dma_start3A_89 = tpu.memref_slice %arg3[%add3A_66, %dma_start3A] : memref<66048x128xf32, #tpu.memory_space<hbm>> -> memref<48x128xf32, #tpu.memory_space<hbm>>
      %dma_start3A_90 = arith.constant 0 : i32
      %dma_start3A_91 = tpu.memref_slice %arg3[%add3A_66, %dma_start3A_90] : memref<66048x128xf32, #tpu.memory_space<hbm>> -> memref<48x128xf32, #tpu.memory_space<hbm>>
      tpu.enqueue_dma source(%arg4 : memref<48x128xf32, #tpu.memory_space<vmem>>) target(%dma_start3A_91 : memref<48x128xf32, #tpu.memory_space<hbm>>) target_semaphore(%run_scoped3A : memref<!tpu.dma_semaphore, #tpu.memory_space<semaphore_mem>>)
      %dma_wait3A = arith.constant 0 : i32
      %dma_wait3A_92 = tpu.memref_slice %arg3[%add3A_66, %dma_wait3A] : memref<66048x128xf32, #tpu.memory_space<hbm>> -> memref<48x128xf32, #tpu.memory_space<hbm>>
      %dma_wait3A_93 = arith.constant 0 : i32
      %dma_wait3A_94 = tpu.memref_slice %arg3[%add3A_66, %dma_wait3A_93] : memref<66048x128xf32, #tpu.memory_space<hbm>> -> memref<48x128xf32, #tpu.memory_space<hbm>>
      tpu.wait_dma2 semaphore(%run_scoped3A : memref<!tpu.dma_semaphore, #tpu.memory_space<semaphore_mem>>) src(%arg4 : memref<48x128xf32, #tpu.memory_space<vmem>>) dst(%dma_wait3A_94 : memref<48x128xf32, #tpu.memory_space<hbm>>)
      tpu.yield
    }) : () -> ()
    %add3A_67 = arith.constant 1536 : i32
    %add3A_68 = arith.addi %mul3A_2, %add3A_67 : i32
    "tpu.region"() ({
      %run_scoped3A = tpu.sem_alloc : memref<!tpu.dma_semaphore, #tpu.memory_space<semaphore_mem>>
      %dma_start3A = arith.constant 0 : i32
      %dma_start3A_89 = tpu.memref_slice %arg2[%add3A_68, %dma_start3A] : memref<66048x128xf32, #tpu.memory_space<hbm>> -> memref<48x128xf32, #tpu.memory_space<hbm>>
      %dma_start3A_90 = arith.constant 0 : i32
      %dma_start3A_91 = tpu.memref_slice %arg2[%add3A_68, %dma_start3A_90] : memref<66048x128xf32, #tpu.memory_space<hbm>> -> memref<48x128xf32, #tpu.memory_space<hbm>>
      tpu.enqueue_dma source(%dma_start3A_91 : memref<48x128xf32, #tpu.memory_space<hbm>>) target(%arg4 : memref<48x128xf32, #tpu.memory_space<vmem>>) target_semaphore(%run_scoped3A : memref<!tpu.dma_semaphore, #tpu.memory_space<semaphore_mem>>)
      %dma_wait3A = arith.constant 0 : i32
      %dma_wait3A_92 = tpu.memref_slice %arg2[%add3A_68, %dma_wait3A] : memref<66048x128xf32, #tpu.memory_space<hbm>> -> memref<48x128xf32, #tpu.memory_space<hbm>>
      %dma_wait3A_93 = arith.constant 0 : i32
      %dma_wait3A_94 = tpu.memref_slice %arg2[%add3A_68, %dma_wait3A_93] : memref<66048x128xf32, #tpu.memory_space<hbm>> -> memref<48x128xf32, #tpu.memory_space<hbm>>
      tpu.wait_dma2 semaphore(%run_scoped3A : memref<!tpu.dma_semaphore, #tpu.memory_space<semaphore_mem>>) src(%dma_wait3A_94 : memref<48x128xf32, #tpu.memory_space<hbm>>) dst(%arg4 : memref<48x128xf32, #tpu.memory_space<vmem>>)
      tpu.yield
    }) : () -> ()
    "tpu.region"() ({
      %run_scoped3A = tpu.sem_alloc : memref<!tpu.dma_semaphore, #tpu.memory_space<semaphore_mem>>
      %dma_start3A = arith.constant 0 : i32
      %dma_start3A_89 = tpu.memref_slice %arg3[%add3A_68, %dma_start3A] : memref<66048x128xf32, #tpu.memory_space<hbm>> -> memref<48x128xf32, #tpu.memory_space<hbm>>
      %dma_start3A_90 = arith.constant 0 : i32
      %dma_start3A_91 = tpu.memref_slice %arg3[%add3A_68, %dma_start3A_90] : memref<66048x128xf32, #tpu.memory_space<hbm>> -> memref<48x128xf32, #tpu.memory_space<hbm>>
      tpu.enqueue_dma source(%arg4 : memref<48x128xf32, #tpu.memory_space<vmem>>) target(%dma_start3A_91 : memref<48x128xf32, #tpu.memory_space<hbm>>) target_semaphore(%run_scoped3A : memref<!tpu.dma_semaphore, #tpu.memory_space<semaphore_mem>>)
      %dma_wait3A = arith.constant 0 : i32
      %dma_wait3A_92 = tpu.memref_slice %arg3[%add3A_68, %dma_wait3A] : memref<66048x128xf32, #tpu.memory_space<hbm>> -> memref<48x128xf32, #tpu.memory_space<hbm>>
      %dma_wait3A_93 = arith.constant 0 : i32
      %dma_wait3A_94 = tpu.memref_slice %arg3[%add3A_68, %dma_wait3A_93] : memref<66048x128xf32, #tpu.memory_space<hbm>> -> memref<48x128xf32, #tpu.memory_space<hbm>>
      tpu.wait_dma2 semaphore(%run_scoped3A : memref<!tpu.dma_semaphore, #tpu.memory_space<semaphore_mem>>) src(%arg4 : memref<48x128xf32, #tpu.memory_space<vmem>>) dst(%dma_wait3A_94 : memref<48x128xf32, #tpu.memory_space<hbm>>)
      tpu.yield
    }) : () -> ()
    %add3A_69 = arith.constant 1584 : i32
    %add3A_70 = arith.addi %mul3A_2, %add3A_69 : i32
    "tpu.region"() ({
      %run_scoped3A = tpu.sem_alloc : memref<!tpu.dma_semaphore, #tpu.memory_space<semaphore_mem>>
      %dma_start3A = arith.constant 0 : i32
      %dma_start3A_89 = tpu.memref_slice %arg2[%add3A_70, %dma_start3A] : memref<66048x128xf32, #tpu.memory_space<hbm>> -> memref<48x128xf32, #tpu.memory_space<hbm>>
      %dma_start3A_90 = arith.constant 0 : i32
      %dma_start3A_91 = tpu.memref_slice %arg2[%add3A_70, %dma_start3A_90] : memref<66048x128xf32, #tpu.memory_space<hbm>> -> memref<48x128xf32, #tpu.memory_space<hbm>>
      tpu.enqueue_dma source(%dma_start3A_91 : memref<48x128xf32, #tpu.memory_space<hbm>>) target(%arg4 : memref<48x128xf32, #tpu.memory_space<vmem>>) target_semaphore(%run_scoped3A : memref<!tpu.dma_semaphore, #tpu.memory_space<semaphore_mem>>)
      %dma_wait3A = arith.constant 0 : i32
      %dma_wait3A_92 = tpu.memref_slice %arg2[%add3A_70, %dma_wait3A] : memref<66048x128xf32, #tpu.memory_space<hbm>> -> memref<48x128xf32, #tpu.memory_space<hbm>>
      %dma_wait3A_93 = arith.constant 0 : i32
      %dma_wait3A_94 = tpu.memref_slice %arg2[%add3A_70, %dma_wait3A_93] : memref<66048x128xf32, #tpu.memory_space<hbm>> -> memref<48x128xf32, #tpu.memory_space<hbm>>
      tpu.wait_dma2 semaphore(%run_scoped3A : memref<!tpu.dma_semaphore, #tpu.memory_space<semaphore_mem>>) src(%dma_wait3A_94 : memref<48x128xf32, #tpu.memory_space<hbm>>) dst(%arg4 : memref<48x128xf32, #tpu.memory_space<vmem>>)
      tpu.yield
    }) : () -> ()
    "tpu.region"() ({
      %run_scoped3A = tpu.sem_alloc : memref<!tpu.dma_semaphore, #tpu.memory_space<semaphore_mem>>
      %dma_start3A = arith.constant 0 : i32
      %dma_start3A_89 = tpu.memref_slice %arg3[%add3A_70, %dma_start3A] : memref<66048x128xf32, #tpu.memory_space<hbm>> -> memref<48x128xf32, #tpu.memory_space<hbm>>
      %dma_start3A_90 = arith.constant 0 : i32
      %dma_start3A_91 = tpu.memref_slice %arg3[%add3A_70, %dma_start3A_90] : memref<66048x128xf32, #tpu.memory_space<hbm>> -> memref<48x128xf32, #tpu.memory_space<hbm>>
      tpu.enqueue_dma source(%arg4 : memref<48x128xf32, #tpu.memory_space<vmem>>) target(%dma_start3A_91 : memref<48x128xf32, #tpu.memory_space<hbm>>) target_semaphore(%run_scoped3A : memref<!tpu.dma_semaphore, #tpu.memory_space<semaphore_mem>>)
      %dma_wait3A = arith.constant 0 : i32
      %dma_wait3A_92 = tpu.memref_slice %arg3[%add3A_70, %dma_wait3A] : memref<66048x128xf32, #tpu.memory_space<hbm>> -> memref<48x128xf32, #tpu.memory_space<hbm>>
      %dma_wait3A_93 = arith.constant 0 : i32
      %dma_wait3A_94 = tpu.memref_slice %arg3[%add3A_70, %dma_wait3A_93] : memref<66048x128xf32, #tpu.memory_space<hbm>> -> memref<48x128xf32, #tpu.memory_space<hbm>>
      tpu.wait_dma2 semaphore(%run_scoped3A : memref<!tpu.dma_semaphore, #tpu.memory_space<semaphore_mem>>) src(%arg4 : memref<48x128xf32, #tpu.memory_space<vmem>>) dst(%dma_wait3A_94 : memref<48x128xf32, #tpu.memory_space<hbm>>)
      tpu.yield
    }) : () -> ()
    %add3A_71 = arith.constant 1632 : i32
    %add3A_72 = arith.addi %mul3A_2, %add3A_71 : i32
    "tpu.region"() ({
      %run_scoped3A = tpu.sem_alloc : memref<!tpu.dma_semaphore, #tpu.memory_space<semaphore_mem>>
      %dma_start3A = arith.constant 0 : i32
      %dma_start3A_89 = tpu.memref_slice %arg2[%add3A_72, %dma_start3A] : memref<66048x128xf32, #tpu.memory_space<hbm>> -> memref<48x128xf32, #tpu.memory_space<hbm>>
      %dma_start3A_90 = arith.constant 0 : i32
      %dma_start3A_91 = tpu.memref_slice %arg2[%add3A_72, %dma_start3A_90] : memref<66048x128xf32, #tpu.memory_space<hbm>> -> memref<48x128xf32, #tpu.memory_space<hbm>>
      tpu.enqueue_dma source(%dma_start3A_91 : memref<48x128xf32, #tpu.memory_space<hbm>>) target(%arg4 : memref<48x128xf32, #tpu.memory_space<vmem>>) target_semaphore(%run_scoped3A : memref<!tpu.dma_semaphore, #tpu.memory_space<semaphore_mem>>)
      %dma_wait3A = arith.constant 0 : i32
      %dma_wait3A_92 = tpu.memref_slice %arg2[%add3A_72, %dma_wait3A] : memref<66048x128xf32, #tpu.memory_space<hbm>> -> memref<48x128xf32, #tpu.memory_space<hbm>>
      %dma_wait3A_93 = arith.constant 0 : i32
      %dma_wait3A_94 = tpu.memref_slice %arg2[%add3A_72, %dma_wait3A_93] : memref<66048x128xf32, #tpu.memory_space<hbm>> -> memref<48x128xf32, #tpu.memory_space<hbm>>
      tpu.wait_dma2 semaphore(%run_scoped3A : memref<!tpu.dma_semaphore, #tpu.memory_space<semaphore_mem>>) src(%dma_wait3A_94 : memref<48x128xf32, #tpu.memory_space<hbm>>) dst(%arg4 : memref<48x128xf32, #tpu.memory_space<vmem>>)
      tpu.yield
    }) : () -> ()
    "tpu.region"() ({
      %run_scoped3A = tpu.sem_alloc : memref<!tpu.dma_semaphore, #tpu.memory_space<semaphore_mem>>
      %dma_start3A = arith.constant 0 : i32
      %dma_start3A_89 = tpu.memref_slice %arg3[%add3A_72, %dma_start3A] : memref<66048x128xf32, #tpu.memory_space<hbm>> -> memref<48x128xf32, #tpu.memory_space<hbm>>
      %dma_start3A_90 = arith.constant 0 : i32
      %dma_start3A_91 = tpu.memref_slice %arg3[%add3A_72, %dma_start3A_90] : memref<66048x128xf32, #tpu.memory_space<hbm>> -> memref<48x128xf32, #tpu.memory_space<hbm>>
      tpu.enqueue_dma source(%arg4 : memref<48x128xf32, #tpu.memory_space<vmem>>) target(%dma_start3A_91 : memref<48x128xf32, #tpu.memory_space<hbm>>) target_semaphore(%run_scoped3A : memref<!tpu.dma_semaphore, #tpu.memory_space<semaphore_mem>>)
      %dma_wait3A = arith.constant 0 : i32
      %dma_wait3A_92 = tpu.memref_slice %arg3[%add3A_72, %dma_wait3A] : memref<66048x128xf32, #tpu.memory_space<hbm>> -> memref<48x128xf32, #tpu.memory_space<hbm>>
      %dma_wait3A_93 = arith.constant 0 : i32
      %dma_wait3A_94 = tpu.memref_slice %arg3[%add3A_72, %dma_wait3A_93] : memref<66048x128xf32, #tpu.memory_space<hbm>> -> memref<48x128xf32, #tpu.memory_space<hbm>>
      tpu.wait_dma2 semaphore(%run_scoped3A : memref<!tpu.dma_semaphore, #tpu.memory_space<semaphore_mem>>) src(%arg4 : memref<48x128xf32, #tpu.memory_space<vmem>>) dst(%dma_wait3A_94 : memref<48x128xf32, #tpu.memory_space<hbm>>)
      tpu.yield
    }) : () -> ()
    %add3A_73 = arith.constant 1680 : i32
    %add3A_74 = arith.addi %mul3A_2, %add3A_73 : i32
    "tpu.region"() ({
      %run_scoped3A = tpu.sem_alloc : memref<!tpu.dma_semaphore, #tpu.memory_space<semaphore_mem>>
      %dma_start3A = arith.constant 0 : i32
      %dma_start3A_89 = tpu.memref_slice %arg2[%add3A_74, %dma_start3A] : memref<66048x128xf32, #tpu.memory_space<hbm>> -> memref<48x128xf32, #tpu.memory_space<hbm>>
      %dma_start3A_90 = arith.constant 0 : i32
      %dma_start3A_91 = tpu.memref_slice %arg2[%add3A_74, %dma_start3A_90] : memref<66048x128xf32, #tpu.memory_space<hbm>> -> memref<48x128xf32, #tpu.memory_space<hbm>>
      tpu.enqueue_dma source(%dma_start3A_91 : memref<48x128xf32, #tpu.memory_space<hbm>>) target(%arg4 : memref<48x128xf32, #tpu.memory_space<vmem>>) target_semaphore(%run_scoped3A : memref<!tpu.dma_semaphore, #tpu.memory_space<semaphore_mem>>)
      %dma_wait3A = arith.constant 0 : i32
      %dma_wait3A_92 = tpu.memref_slice %arg2[%add3A_74, %dma_wait3A] : memref<66048x128xf32, #tpu.memory_space<hbm>> -> memref<48x128xf32, #tpu.memory_space<hbm>>
      %dma_wait3A_93 = arith.constant 0 : i32
      %dma_wait3A_94 = tpu.memref_slice %arg2[%add3A_74, %dma_wait3A_93] : memref<66048x128xf32, #tpu.memory_space<hbm>> -> memref<48x128xf32, #tpu.memory_space<hbm>>
      tpu.wait_dma2 semaphore(%run_scoped3A : memref<!tpu.dma_semaphore, #tpu.memory_space<semaphore_mem>>) src(%dma_wait3A_94 : memref<48x128xf32, #tpu.memory_space<hbm>>) dst(%arg4 : memref<48x128xf32, #tpu.memory_space<vmem>>)
      tpu.yield
    }) : () -> ()
    "tpu.region"() ({
      %run_scoped3A = tpu.sem_alloc : memref<!tpu.dma_semaphore, #tpu.memory_space<semaphore_mem>>
      %dma_start3A = arith.constant 0 : i32
      %dma_start3A_89 = tpu.memref_slice %arg3[%add3A_74, %dma_start3A] : memref<66048x128xf32, #tpu.memory_space<hbm>> -> memref<48x128xf32, #tpu.memory_space<hbm>>
      %dma_start3A_90 = arith.constant 0 : i32
      %dma_start3A_91 = tpu.memref_slice %arg3[%add3A_74, %dma_start3A_90] : memref<66048x128xf32, #tpu.memory_space<hbm>> -> memref<48x128xf32, #tpu.memory_space<hbm>>
      tpu.enqueue_dma source(%arg4 : memref<48x128xf32, #tpu.memory_space<vmem>>) target(%dma_start3A_91 : memref<48x128xf32, #tpu.memory_space<hbm>>) target_semaphore(%run_scoped3A : memref<!tpu.dma_semaphore, #tpu.memory_space<semaphore_mem>>)
      %dma_wait3A = arith.constant 0 : i32
      %dma_wait3A_92 = tpu.memref_slice %arg3[%add3A_74, %dma_wait3A] : memref<66048x128xf32, #tpu.memory_space<hbm>> -> memref<48x128xf32, #tpu.memory_space<hbm>>
      %dma_wait3A_93 = arith.constant 0 : i32
      %dma_wait3A_94 = tpu.memref_slice %arg3[%add3A_74, %dma_wait3A_93] : memref<66048x128xf32, #tpu.memory_space<hbm>> -> memref<48x128xf32, #tpu.memory_space<hbm>>
      tpu.wait_dma2 semaphore(%run_scoped3A : memref<!tpu.dma_semaphore, #tpu.memory_space<semaphore_mem>>) src(%arg4 : memref<48x128xf32, #tpu.memory_space<vmem>>) dst(%dma_wait3A_94 : memref<48x128xf32, #tpu.memory_space<hbm>>)
      tpu.yield
    }) : () -> ()
    %add3A_75 = arith.constant 1728 : i32
    %add3A_76 = arith.addi %mul3A_2, %add3A_75 : i32
    "tpu.region"() ({
      %run_scoped3A = tpu.sem_alloc : memref<!tpu.dma_semaphore, #tpu.memory_space<semaphore_mem>>
      %dma_start3A = arith.constant 0 : i32
      %dma_start3A_89 = tpu.memref_slice %arg2[%add3A_76, %dma_start3A] : memref<66048x128xf32, #tpu.memory_space<hbm>> -> memref<48x128xf32, #tpu.memory_space<hbm>>
      %dma_start3A_90 = arith.constant 0 : i32
      %dma_start3A_91 = tpu.memref_slice %arg2[%add3A_76, %dma_start3A_90] : memref<66048x128xf32, #tpu.memory_space<hbm>> -> memref<48x128xf32, #tpu.memory_space<hbm>>
      tpu.enqueue_dma source(%dma_start3A_91 : memref<48x128xf32, #tpu.memory_space<hbm>>) target(%arg4 : memref<48x128xf32, #tpu.memory_space<vmem>>) target_semaphore(%run_scoped3A : memref<!tpu.dma_semaphore, #tpu.memory_space<semaphore_mem>>)
      %dma_wait3A = arith.constant 0 : i32
      %dma_wait3A_92 = tpu.memref_slice %arg2[%add3A_76, %dma_wait3A] : memref<66048x128xf32, #tpu.memory_space<hbm>> -> memref<48x128xf32, #tpu.memory_space<hbm>>
      %dma_wait3A_93 = arith.constant 0 : i32
      %dma_wait3A_94 = tpu.memref_slice %arg2[%add3A_76, %dma_wait3A_93] : memref<66048x128xf32, #tpu.memory_space<hbm>> -> memref<48x128xf32, #tpu.memory_space<hbm>>
      tpu.wait_dma2 semaphore(%run_scoped3A : memref<!tpu.dma_semaphore, #tpu.memory_space<semaphore_mem>>) src(%dma_wait3A_94 : memref<48x128xf32, #tpu.memory_space<hbm>>) dst(%arg4 : memref<48x128xf32, #tpu.memory_space<vmem>>)
      tpu.yield
    }) : () -> ()
    "tpu.region"() ({
      %run_scoped3A = tpu.sem_alloc : memref<!tpu.dma_semaphore, #tpu.memory_space<semaphore_mem>>
      %dma_start3A = arith.constant 0 : i32
      %dma_start3A_89 = tpu.memref_slice %arg3[%add3A_76, %dma_start3A] : memref<66048x128xf32, #tpu.memory_space<hbm>> -> memref<48x128xf32, #tpu.memory_space<hbm>>
      %dma_start3A_90 = arith.constant 0 : i32
      %dma_start3A_91 = tpu.memref_slice %arg3[%add3A_76, %dma_start3A_90] : memref<66048x128xf32, #tpu.memory_space<hbm>> -> memref<48x128xf32, #tpu.memory_space<hbm>>
      tpu.enqueue_dma source(%arg4 : memref<48x128xf32, #tpu.memory_space<vmem>>) target(%dma_start3A_91 : memref<48x128xf32, #tpu.memory_space<hbm>>) target_semaphore(%run_scoped3A : memref<!tpu.dma_semaphore, #tpu.memory_space<semaphore_mem>>)
      %dma_wait3A = arith.constant 0 : i32
      %dma_wait3A_92 = tpu.memref_slice %arg3[%add3A_76, %dma_wait3A] : memref<66048x128xf32, #tpu.memory_space<hbm>> -> memref<48x128xf32, #tpu.memory_space<hbm>>
      %dma_wait3A_93 = arith.constant 0 : i32
      %dma_wait3A_94 = tpu.memref_slice %arg3[%add3A_76, %dma_wait3A_93] : memref<66048x128xf32, #tpu.memory_space<hbm>> -> memref<48x128xf32, #tpu.memory_space<hbm>>
      tpu.wait_dma2 semaphore(%run_scoped3A : memref<!tpu.dma_semaphore, #tpu.memory_space<semaphore_mem>>) src(%arg4 : memref<48x128xf32, #tpu.memory_space<vmem>>) dst(%dma_wait3A_94 : memref<48x128xf32, #tpu.memory_space<hbm>>)
      tpu.yield
    }) : () -> ()
    %add3A_77 = arith.constant 1776 : i32
    %add3A_78 = arith.addi %mul3A_2, %add3A_77 : i32
    "tpu.region"() ({
      %run_scoped3A = tpu.sem_alloc : memref<!tpu.dma_semaphore, #tpu.memory_space<semaphore_mem>>
      %dma_start3A = arith.constant 0 : i32
      %dma_start3A_89 = tpu.memref_slice %arg2[%add3A_78, %dma_start3A] : memref<66048x128xf32, #tpu.memory_space<hbm>> -> memref<48x128xf32, #tpu.memory_space<hbm>>
      %dma_start3A_90 = arith.constant 0 : i32
      %dma_start3A_91 = tpu.memref_slice %arg2[%add3A_78, %dma_start3A_90] : memref<66048x128xf32, #tpu.memory_space<hbm>> -> memref<48x128xf32, #tpu.memory_space<hbm>>
      tpu.enqueue_dma source(%dma_start3A_91 : memref<48x128xf32, #tpu.memory_space<hbm>>) target(%arg4 : memref<48x128xf32, #tpu.memory_space<vmem>>) target_semaphore(%run_scoped3A : memref<!tpu.dma_semaphore, #tpu.memory_space<semaphore_mem>>)
      %dma_wait3A = arith.constant 0 : i32
      %dma_wait3A_92 = tpu.memref_slice %arg2[%add3A_78, %dma_wait3A] : memref<66048x128xf32, #tpu.memory_space<hbm>> -> memref<48x128xf32, #tpu.memory_space<hbm>>
      %dma_wait3A_93 = arith.constant 0 : i32
      %dma_wait3A_94 = tpu.memref_slice %arg2[%add3A_78, %dma_wait3A_93] : memref<66048x128xf32, #tpu.memory_space<hbm>> -> memref<48x128xf32, #tpu.memory_space<hbm>>
      tpu.wait_dma2 semaphore(%run_scoped3A : memref<!tpu.dma_semaphore, #tpu.memory_space<semaphore_mem>>) src(%dma_wait3A_94 : memref<48x128xf32, #tpu.memory_space<hbm>>) dst(%arg4 : memref<48x128xf32, #tpu.memory_space<vmem>>)
      tpu.yield
    }) : () -> ()
    "tpu.region"() ({
      %run_scoped3A = tpu.sem_alloc : memref<!tpu.dma_semaphore, #tpu.memory_space<semaphore_mem>>
      %dma_start3A = arith.constant 0 : i32
      %dma_start3A_89 = tpu.memref_slice %arg3[%add3A_78, %dma_start3A] : memref<66048x128xf32, #tpu.memory_space<hbm>> -> memref<48x128xf32, #tpu.memory_space<hbm>>
      %dma_start3A_90 = arith.constant 0 : i32
      %dma_start3A_91 = tpu.memref_slice %arg3[%add3A_78, %dma_start3A_90] : memref<66048x128xf32, #tpu.memory_space<hbm>> -> memref<48x128xf32, #tpu.memory_space<hbm>>
      tpu.enqueue_dma source(%arg4 : memref<48x128xf32, #tpu.memory_space<vmem>>) target(%dma_start3A_91 : memref<48x128xf32, #tpu.memory_space<hbm>>) target_semaphore(%run_scoped3A : memref<!tpu.dma_semaphore, #tpu.memory_space<semaphore_mem>>)
      %dma_wait3A = arith.constant 0 : i32
      %dma_wait3A_92 = tpu.memref_slice %arg3[%add3A_78, %dma_wait3A] : memref<66048x128xf32, #tpu.memory_space<hbm>> -> memref<48x128xf32, #tpu.memory_space<hbm>>
      %dma_wait3A_93 = arith.constant 0 : i32
      %dma_wait3A_94 = tpu.memref_slice %arg3[%add3A_78, %dma_wait3A_93] : memref<66048x128xf32, #tpu.memory_space<hbm>> -> memref<48x128xf32, #tpu.memory_space<hbm>>
      tpu.wait_dma2 semaphore(%run_scoped3A : memref<!tpu.dma_semaphore, #tpu.memory_space<semaphore_mem>>) src(%arg4 : memref<48x128xf32, #tpu.memory_space<vmem>>) dst(%dma_wait3A_94 : memref<48x128xf32, #tpu.memory_space<hbm>>)
      tpu.yield
    }) : () -> ()
    %add3A_79 = arith.constant 1824 : i32
    %add3A_80 = arith.addi %mul3A_2, %add3A_79 : i32
    "tpu.region"() ({
      %run_scoped3A = tpu.sem_alloc : memref<!tpu.dma_semaphore, #tpu.memory_space<semaphore_mem>>
      %dma_start3A = arith.constant 0 : i32
      %dma_start3A_89 = tpu.memref_slice %arg2[%add3A_80, %dma_start3A] : memref<66048x128xf32, #tpu.memory_space<hbm>> -> memref<48x128xf32, #tpu.memory_space<hbm>>
      %dma_start3A_90 = arith.constant 0 : i32
      %dma_start3A_91 = tpu.memref_slice %arg2[%add3A_80, %dma_start3A_90] : memref<66048x128xf32, #tpu.memory_space<hbm>> -> memref<48x128xf32, #tpu.memory_space<hbm>>
      tpu.enqueue_dma source(%dma_start3A_91 : memref<48x128xf32, #tpu.memory_space<hbm>>) target(%arg4 : memref<48x128xf32, #tpu.memory_space<vmem>>) target_semaphore(%run_scoped3A : memref<!tpu.dma_semaphore, #tpu.memory_space<semaphore_mem>>)
      %dma_wait3A = arith.constant 0 : i32
      %dma_wait3A_92 = tpu.memref_slice %arg2[%add3A_80, %dma_wait3A] : memref<66048x128xf32, #tpu.memory_space<hbm>> -> memref<48x128xf32, #tpu.memory_space<hbm>>
      %dma_wait3A_93 = arith.constant 0 : i32
      %dma_wait3A_94 = tpu.memref_slice %arg2[%add3A_80, %dma_wait3A_93] : memref<66048x128xf32, #tpu.memory_space<hbm>> -> memref<48x128xf32, #tpu.memory_space<hbm>>
      tpu.wait_dma2 semaphore(%run_scoped3A : memref<!tpu.dma_semaphore, #tpu.memory_space<semaphore_mem>>) src(%dma_wait3A_94 : memref<48x128xf32, #tpu.memory_space<hbm>>) dst(%arg4 : memref<48x128xf32, #tpu.memory_space<vmem>>)
      tpu.yield
    }) : () -> ()
    "tpu.region"() ({
      %run_scoped3A = tpu.sem_alloc : memref<!tpu.dma_semaphore, #tpu.memory_space<semaphore_mem>>
      %dma_start3A = arith.constant 0 : i32
      %dma_start3A_89 = tpu.memref_slice %arg3[%add3A_80, %dma_start3A] : memref<66048x128xf32, #tpu.memory_space<hbm>> -> memref<48x128xf32, #tpu.memory_space<hbm>>
      %dma_start3A_90 = arith.constant 0 : i32
      %dma_start3A_91 = tpu.memref_slice %arg3[%add3A_80, %dma_start3A_90] : memref<66048x128xf32, #tpu.memory_space<hbm>> -> memref<48x128xf32, #tpu.memory_space<hbm>>
      tpu.enqueue_dma source(%arg4 : memref<48x128xf32, #tpu.memory_space<vmem>>) target(%dma_start3A_91 : memref<48x128xf32, #tpu.memory_space<hbm>>) target_semaphore(%run_scoped3A : memref<!tpu.dma_semaphore, #tpu.memory_space<semaphore_mem>>)
      %dma_wait3A = arith.constant 0 : i32
      %dma_wait3A_92 = tpu.memref_slice %arg3[%add3A_80, %dma_wait3A] : memref<66048x128xf32, #tpu.memory_space<hbm>> -> memref<48x128xf32, #tpu.memory_space<hbm>>
      %dma_wait3A_93 = arith.constant 0 : i32
      %dma_wait3A_94 = tpu.memref_slice %arg3[%add3A_80, %dma_wait3A_93] : memref<66048x128xf32, #tpu.memory_space<hbm>> -> memref<48x128xf32, #tpu.memory_space<hbm>>
      tpu.wait_dma2 semaphore(%run_scoped3A : memref<!tpu.dma_semaphore, #tpu.memory_space<semaphore_mem>>) src(%arg4 : memref<48x128xf32, #tpu.memory_space<vmem>>) dst(%dma_wait3A_94 : memref<48x128xf32, #tpu.memory_space<hbm>>)
      tpu.yield
    }) : () -> ()
    %add3A_81 = arith.constant 1872 : i32
    %add3A_82 = arith.addi %mul3A_2, %add3A_81 : i32
    "tpu.region"() ({
      %run_scoped3A = tpu.sem_alloc : memref<!tpu.dma_semaphore, #tpu.memory_space<semaphore_mem>>
      %dma_start3A = arith.constant 0 : i32
      %dma_start3A_89 = tpu.memref_slice %arg2[%add3A_82, %dma_start3A] : memref<66048x128xf32, #tpu.memory_space<hbm>> -> memref<48x128xf32, #tpu.memory_space<hbm>>
      %dma_start3A_90 = arith.constant 0 : i32
      %dma_start3A_91 = tpu.memref_slice %arg2[%add3A_82, %dma_start3A_90] : memref<66048x128xf32, #tpu.memory_space<hbm>> -> memref<48x128xf32, #tpu.memory_space<hbm>>
      tpu.enqueue_dma source(%dma_start3A_91 : memref<48x128xf32, #tpu.memory_space<hbm>>) target(%arg4 : memref<48x128xf32, #tpu.memory_space<vmem>>) target_semaphore(%run_scoped3A : memref<!tpu.dma_semaphore, #tpu.memory_space<semaphore_mem>>)
      %dma_wait3A = arith.constant 0 : i32
      %dma_wait3A_92 = tpu.memref_slice %arg2[%add3A_82, %dma_wait3A] : memref<66048x128xf32, #tpu.memory_space<hbm>> -> memref<48x128xf32, #tpu.memory_space<hbm>>
      %dma_wait3A_93 = arith.constant 0 : i32
      %dma_wait3A_94 = tpu.memref_slice %arg2[%add3A_82, %dma_wait3A_93] : memref<66048x128xf32, #tpu.memory_space<hbm>> -> memref<48x128xf32, #tpu.memory_space<hbm>>
      tpu.wait_dma2 semaphore(%run_scoped3A : memref<!tpu.dma_semaphore, #tpu.memory_space<semaphore_mem>>) src(%dma_wait3A_94 : memref<48x128xf32, #tpu.memory_space<hbm>>) dst(%arg4 : memref<48x128xf32, #tpu.memory_space<vmem>>)
      tpu.yield
    }) : () -> ()
    "tpu.region"() ({
      %run_scoped3A = tpu.sem_alloc : memref<!tpu.dma_semaphore, #tpu.memory_space<semaphore_mem>>
      %dma_start3A = arith.constant 0 : i32
      %dma_start3A_89 = tpu.memref_slice %arg3[%add3A_82, %dma_start3A] : memref<66048x128xf32, #tpu.memory_space<hbm>> -> memref<48x128xf32, #tpu.memory_space<hbm>>
      %dma_start3A_90 = arith.constant 0 : i32
      %dma_start3A_91 = tpu.memref_slice %arg3[%add3A_82, %dma_start3A_90] : memref<66048x128xf32, #tpu.memory_space<hbm>> -> memref<48x128xf32, #tpu.memory_space<hbm>>
      tpu.enqueue_dma source(%arg4 : memref<48x128xf32, #tpu.memory_space<vmem>>) target(%dma_start3A_91 : memref<48x128xf32, #tpu.memory_space<hbm>>) target_semaphore(%run_scoped3A : memref<!tpu.dma_semaphore, #tpu.memory_space<semaphore_mem>>)
      %dma_wait3A = arith.constant 0 : i32
      %dma_wait3A_92 = tpu.memref_slice %arg3[%add3A_82, %dma_wait3A] : memref<66048x128xf32, #tpu.memory_space<hbm>> -> memref<48x128xf32, #tpu.memory_space<hbm>>
      %dma_wait3A_93 = arith.constant 0 : i32
      %dma_wait3A_94 = tpu.memref_slice %arg3[%add3A_82, %dma_wait3A_93] : memref<66048x128xf32, #tpu.memory_space<hbm>> -> memref<48x128xf32, #tpu.memory_space<hbm>>
      tpu.wait_dma2 semaphore(%run_scoped3A : memref<!tpu.dma_semaphore, #tpu.memory_space<semaphore_mem>>) src(%arg4 : memref<48x128xf32, #tpu.memory_space<vmem>>) dst(%dma_wait3A_94 : memref<48x128xf32, #tpu.memory_space<hbm>>)
      tpu.yield
    }) : () -> ()
    %add3A_83 = arith.constant 1920 : i32
    %add3A_84 = arith.addi %mul3A_2, %add3A_83 : i32
    "tpu.region"() ({
      %run_scoped3A = tpu.sem_alloc : memref<!tpu.dma_semaphore, #tpu.memory_space<semaphore_mem>>
      %dma_start3A = arith.constant 0 : i32
      %dma_start3A_89 = tpu.memref_slice %arg2[%add3A_84, %dma_start3A] : memref<66048x128xf32, #tpu.memory_space<hbm>> -> memref<48x128xf32, #tpu.memory_space<hbm>>
      %dma_start3A_90 = arith.constant 0 : i32
      %dma_start3A_91 = tpu.memref_slice %arg2[%add3A_84, %dma_start3A_90] : memref<66048x128xf32, #tpu.memory_space<hbm>> -> memref<48x128xf32, #tpu.memory_space<hbm>>
      tpu.enqueue_dma source(%dma_start3A_91 : memref<48x128xf32, #tpu.memory_space<hbm>>) target(%arg4 : memref<48x128xf32, #tpu.memory_space<vmem>>) target_semaphore(%run_scoped3A : memref<!tpu.dma_semaphore, #tpu.memory_space<semaphore_mem>>)
      %dma_wait3A = arith.constant 0 : i32
      %dma_wait3A_92 = tpu.memref_slice %arg2[%add3A_84, %dma_wait3A] : memref<66048x128xf32, #tpu.memory_space<hbm>> -> memref<48x128xf32, #tpu.memory_space<hbm>>
      %dma_wait3A_93 = arith.constant 0 : i32
      %dma_wait3A_94 = tpu.memref_slice %arg2[%add3A_84, %dma_wait3A_93] : memref<66048x128xf32, #tpu.memory_space<hbm>> -> memref<48x128xf32, #tpu.memory_space<hbm>>
      tpu.wait_dma2 semaphore(%run_scoped3A : memref<!tpu.dma_semaphore, #tpu.memory_space<semaphore_mem>>) src(%dma_wait3A_94 : memref<48x128xf32, #tpu.memory_space<hbm>>) dst(%arg4 : memref<48x128xf32, #tpu.memory_space<vmem>>)
      tpu.yield
    }) : () -> ()
    "tpu.region"() ({
      %run_scoped3A = tpu.sem_alloc : memref<!tpu.dma_semaphore, #tpu.memory_space<semaphore_mem>>
      %dma_start3A = arith.constant 0 : i32
      %dma_start3A_89 = tpu.memref_slice %arg3[%add3A_84, %dma_start3A] : memref<66048x128xf32, #tpu.memory_space<hbm>> -> memref<48x128xf32, #tpu.memory_space<hbm>>
      %dma_start3A_90 = arith.constant 0 : i32
      %dma_start3A_91 = tpu.memref_slice %arg3[%add3A_84, %dma_start3A_90] : memref<66048x128xf32, #tpu.memory_space<hbm>> -> memref<48x128xf32, #tpu.memory_space<hbm>>
      tpu.enqueue_dma source(%arg4 : memref<48x128xf32, #tpu.memory_space<vmem>>) target(%dma_start3A_91 : memref<48x128xf32, #tpu.memory_space<hbm>>) target_semaphore(%run_scoped3A : memref<!tpu.dma_semaphore, #tpu.memory_space<semaphore_mem>>)
      %dma_wait3A = arith.constant 0 : i32
      %dma_wait3A_92 = tpu.memref_slice %arg3[%add3A_84, %dma_wait3A] : memref<66048x128xf32, #tpu.memory_space<hbm>> -> memref<48x128xf32, #tpu.memory_space<hbm>>
      %dma_wait3A_93 = arith.constant 0 : i32
      %dma_wait3A_94 = tpu.memref_slice %arg3[%add3A_84, %dma_wait3A_93] : memref<66048x128xf32, #tpu.memory_space<hbm>> -> memref<48x128xf32, #tpu.memory_space<hbm>>
      tpu.wait_dma2 semaphore(%run_scoped3A : memref<!tpu.dma_semaphore, #tpu.memory_space<semaphore_mem>>) src(%arg4 : memref<48x128xf32, #tpu.memory_space<vmem>>) dst(%dma_wait3A_94 : memref<48x128xf32, #tpu.memory_space<hbm>>)
      tpu.yield
    }) : () -> ()
    %add3A_85 = arith.constant 1968 : i32
    %add3A_86 = arith.addi %mul3A_2, %add3A_85 : i32
    "tpu.region"() ({
      %run_scoped3A = tpu.sem_alloc : memref<!tpu.dma_semaphore, #tpu.memory_space<semaphore_mem>>
      %dma_start3A = arith.constant 0 : i32
      %dma_start3A_89 = tpu.memref_slice %arg2[%add3A_86, %dma_start3A] : memref<66048x128xf32, #tpu.memory_space<hbm>> -> memref<48x128xf32, #tpu.memory_space<hbm>>
      %dma_start3A_90 = arith.constant 0 : i32
      %dma_start3A_91 = tpu.memref_slice %arg2[%add3A_86, %dma_start3A_90] : memref<66048x128xf32, #tpu.memory_space<hbm>> -> memref<48x128xf32, #tpu.memory_space<hbm>>
      tpu.enqueue_dma source(%dma_start3A_91 : memref<48x128xf32, #tpu.memory_space<hbm>>) target(%arg4 : memref<48x128xf32, #tpu.memory_space<vmem>>) target_semaphore(%run_scoped3A : memref<!tpu.dma_semaphore, #tpu.memory_space<semaphore_mem>>)
      %dma_wait3A = arith.constant 0 : i32
      %dma_wait3A_92 = tpu.memref_slice %arg2[%add3A_86, %dma_wait3A] : memref<66048x128xf32, #tpu.memory_space<hbm>> -> memref<48x128xf32, #tpu.memory_space<hbm>>
      %dma_wait3A_93 = arith.constant 0 : i32
      %dma_wait3A_94 = tpu.memref_slice %arg2[%add3A_86, %dma_wait3A_93] : memref<66048x128xf32, #tpu.memory_space<hbm>> -> memref<48x128xf32, #tpu.memory_space<hbm>>
      tpu.wait_dma2 semaphore(%run_scoped3A : memref<!tpu.dma_semaphore, #tpu.memory_space<semaphore_mem>>) src(%dma_wait3A_94 : memref<48x128xf32, #tpu.memory_space<hbm>>) dst(%arg4 : memref<48x128xf32, #tpu.memory_space<vmem>>)
      tpu.yield
    }) : () -> ()
    "tpu.region"() ({
      %run_scoped3A = tpu.sem_alloc : memref<!tpu.dma_semaphore, #tpu.memory_space<semaphore_mem>>
      %dma_start3A = arith.constant 0 : i32
      %dma_start3A_89 = tpu.memref_slice %arg3[%add3A_86, %dma_start3A] : memref<66048x128xf32, #tpu.memory_space<hbm>> -> memref<48x128xf32, #tpu.memory_space<hbm>>
      %dma_start3A_90 = arith.constant 0 : i32
      %dma_start3A_91 = tpu.memref_slice %arg3[%add3A_86, %dma_start3A_90] : memref<66048x128xf32, #tpu.memory_space<hbm>> -> memref<48x128xf32, #tpu.memory_space<hbm>>
      tpu.enqueue_dma source(%arg4 : memref<48x128xf32, #tpu.memory_space<vmem>>) target(%dma_start3A_91 : memref<48x128xf32, #tpu.memory_space<hbm>>) target_semaphore(%run_scoped3A : memref<!tpu.dma_semaphore, #tpu.memory_space<semaphore_mem>>)
      %dma_wait3A = arith.constant 0 : i32
      %dma_wait3A_92 = tpu.memref_slice %arg3[%add3A_86, %dma_wait3A] : memref<66048x128xf32, #tpu.memory_space<hbm>> -> memref<48x128xf32, #tpu.memory_space<hbm>>
      %dma_wait3A_93 = arith.constant 0 : i32
      %dma_wait3A_94 = tpu.memref_slice %arg3[%add3A_86, %dma_wait3A_93] : memref<66048x128xf32, #tpu.memory_space<hbm>> -> memref<48x128xf32, #tpu.memory_space<hbm>>
      tpu.wait_dma2 semaphore(%run_scoped3A : memref<!tpu.dma_semaphore, #tpu.memory_space<semaphore_mem>>) src(%arg4 : memref<48x128xf32, #tpu.memory_space<vmem>>) dst(%dma_wait3A_94 : memref<48x128xf32, #tpu.memory_space<hbm>>)
      tpu.yield
    }) : () -> ()
    %add3A_87 = arith.constant 2016 : i32
    %add3A_88 = arith.addi %mul3A_2, %add3A_87 : i32
    "tpu.region"() ({
      %run_scoped3A = tpu.sem_alloc : memref<!tpu.dma_semaphore, #tpu.memory_space<semaphore_mem>>
      %dma_start3A = arith.constant 0 : i32
      %dma_start3A_89 = tpu.memref_slice %arg2[%add3A_88, %dma_start3A] : memref<66048x128xf32, #tpu.memory_space<hbm>> -> memref<48x128xf32, #tpu.memory_space<hbm>>
      %dma_start3A_90 = arith.constant 0 : i32
      %dma_start3A_91 = tpu.memref_slice %arg2[%add3A_88, %dma_start3A_90] : memref<66048x128xf32, #tpu.memory_space<hbm>> -> memref<48x128xf32, #tpu.memory_space<hbm>>
      tpu.enqueue_dma source(%dma_start3A_91 : memref<48x128xf32, #tpu.memory_space<hbm>>) target(%arg4 : memref<48x128xf32, #tpu.memory_space<vmem>>) target_semaphore(%run_scoped3A : memref<!tpu.dma_semaphore, #tpu.memory_space<semaphore_mem>>)
      %dma_wait3A = arith.constant 0 : i32
      %dma_wait3A_92 = tpu.memref_slice %arg2[%add3A_88, %dma_wait3A] : memref<66048x128xf32, #tpu.memory_space<hbm>> -> memref<48x128xf32, #tpu.memory_space<hbm>>
      %dma_wait3A_93 = arith.constant 0 : i32
      %dma_wait3A_94 = tpu.memref_slice %arg2[%add3A_88, %dma_wait3A_93] : memref<66048x128xf32, #tpu.memory_space<hbm>> -> memref<48x128xf32, #tpu.memory_space<hbm>>
      tpu.wait_dma2 semaphore(%run_scoped3A : memref<!tpu.dma_semaphore, #tpu.memory_space<semaphore_mem>>) src(%dma_wait3A_94 : memref<48x128xf32, #tpu.memory_space<hbm>>) dst(%arg4 : memref<48x128xf32, #tpu.memory_space<vmem>>)
      tpu.yield
    }) : () -> ()
    "tpu.region"() ({
      %run_scoped3A = tpu.sem_alloc : memref<!tpu.dma_semaphore, #tpu.memory_space<semaphore_mem>>
      %dma_start3A = arith.constant 0 : i32
      %dma_start3A_89 = tpu.memref_slice %arg3[%add3A_88, %dma_start3A] : memref<66048x128xf32, #tpu.memory_space<hbm>> -> memref<48x128xf32, #tpu.memory_space<hbm>>
      %dma_start3A_90 = arith.constant 0 : i32
      %dma_start3A_91 = tpu.memref_slice %arg3[%add3A_88, %dma_start3A_90] : memref<66048x128xf32, #tpu.memory_space<hbm>> -> memref<48x128xf32, #tpu.memory_space<hbm>>
      tpu.enqueue_dma source(%arg4 : memref<48x128xf32, #tpu.memory_space<vmem>>) target(%dma_start3A_91 : memref<48x128xf32, #tpu.memory_space<hbm>>) target_semaphore(%run_scoped3A : memref<!tpu.dma_semaphore, #tpu.memory_space<semaphore_mem>>)
      %dma_wait3A = arith.constant 0 : i32
      %dma_wait3A_92 = tpu.memref_slice %arg3[%add3A_88, %dma_wait3A] : memref<66048x128xf32, #tpu.memory_space<hbm>> -> memref<48x128xf32, #tpu.memory_space<hbm>>
      %dma_wait3A_93 = arith.constant 0 : i32
      %dma_wait3A_94 = tpu.memref_slice %arg3[%add3A_88, %dma_wait3A_93] : memref<66048x128xf32, #tpu.memory_space<hbm>> -> memref<48x128xf32, #tpu.memory_space<hbm>>
      tpu.wait_dma2 semaphore(%run_scoped3A : memref<!tpu.dma_semaphore, #tpu.memory_space<semaphore_mem>>) src(%arg4 : memref<48x128xf32, #tpu.memory_space<vmem>>) dst(%dma_wait3A_94 : memref<48x128xf32, #tpu.memory_space<hbm>>)
      tpu.yield
    }) : () -> ()
    return
  }
}

</mosaic_0001>

<sc_bundles>
// kernel: kernel.3.cloned.1.call-start
scs
__scs_entry_jumppad:
0x0: {  	(pc) =	sbr.rel $0x88, $3  }
0x1: {  	(tag) =	ssettag $0x0;
	lr =	simm.s32 $0x1  }
0x2: {  	[smem:$0x3FA0] =	sst lr;
	_ =	strace $0xD0000000  }
0x3: {  	_ = 	snop  }
0x4: {  	_ = 	snop  }
0x5: {  	_ = 	snop  }
0x6: {  	_ = 	snop  }
0x7: {  	_ = 	snop  }
__scs_overlays_trampoline_lowered:
0x8: {  	[smem:$0x3FAF] =	sst s0  }
0x9: {  	[smem:$0x3FB0] =	sst s1  }
0xa: {  	[smem:$0x3FB1] =	sst s2  }
0xb: {  	[smem:$0x3FB2] =	sst s3  }
0xc: {  	[smem:$0x3FB3] =	sst s4  }
0xd: {  	[smem:$0x3FB4] =	sst s5  }
0xe: {  	[smem:$0x3FB5] =	sst s6  }
0xf: {  	[smem:$0x3FB6] =	sst s7  }
0x10: {  	[smem:$0x3FB7] =	sst s8  }
0x11: {  	[smem:$0x3FB8] =	sst s9;
	s0 =	simm.s32 @!p0 $0x0  }
0x12: {  	s1 =	sld [smem:$0x3F9E];
	s0 =	simm.s32 @p0 $0x1  }
0x13: {  	[smem:$0x3FB9] =	sst s0;
	s0 =	simm.s32 @!p1 $0x0  }
0x14: {  	s2 =	sld [smem:$0x3F9D];
	s0 =	simm.s32 @p1 $0x1  }
0x15: {  	[smem:$0x3FBA] =	sst s0;
	s0 =	simm.s32 @!p2 $0x0  }
0x16: {  	s3 =	sld [smem:$0x3FDB];
	s0 =	simm.s32 @p2 $0x1  }
0x17: {  	s4 =	simm.s32 $0x1BF5;
	[smem:$0x3FBC] =	sst s0  }
0x18: {  	s0 =	sld [smem:$0x3F9F];
	_ =	swait.ge [sflag:s4], $0x0  }
0x19: {  	s7 =	sld [smem:$0x3FA0]  }
0x1a: {  	s8 =	sadd.s32 $0xFFFFE003, lr  }
0x1b: {  	s9 =	sadd.s32 $0xFFFFFEF7, lr;
	s5 =	simm.s32 $0xFFFFFFFF;
	p2 =	slt.u32 s8, $0xFFFFF086  }
0x1c: {  	p1 =	slt.u32 s9, $0xF7A;
	s5 =	simm.s32 @!p2 $0x0  }
0x1d: {  	s5 =	simm.s32 @p1 $0x1;
	p0 =	seq.s32 s7, s2  }
0x1e: {  	s7 =	smul.u32 @!p0 $0xF7A, s2;
	p2 =	seq.s32 @!p0 s5, $0x0  }
0x1f: {  	s9 =	smul.u32 $0xF7A, s1;
	s8 =	simm.s32 @!p0 $0x1BF5;
	p2 =	por !p2, p0  }
0x20: {  	[sflag:s8] =	ssyncset.s32 @!p0 $0xFFFFF086;
	s6 =	sadd.s32 @!p0 s3, s7;
	s7 =	simm.s32 @!p0 $0x108  }
0x21: {  	s3 =	sadd.s32 s3, s9;
	s6 =	sadd.s32 @!p0 $0x88, s6;
	s7 =	simm.s32 @p2 $0x1082  }
0x22: {  	[simem:s7], [sflag:s8] =	dma.local @!p0 [hbm:s6], $0xF7A  }
0x23: {  	s9 =	sor.u32 $0xD0000000, s2;
	s6 =	simm.s32 $0x108;
	_ =	swait.ge @!p0 [sflag:s8], $0x0  }
0x24: {  	s3 =	sadd.s32 $0x88, s3;
	s6 =	simm.s32 @!p1 $0x1082;
	[sflag:s4] =	ssyncset.s32 $0xFFFFF086  }
0x25: {  	[simem:s6], [sflag:s4] =	dma.local [hbm:s3], $0xF7A  }
0x26: {  	[smem:$0x3FA0] =	sst s1;
	(tag) =	ssettag s2;
	_ =	strace s9  }
0x27: {  	s1 =	sld [smem:$0x3FB0]  }
0x28: {  	s2 =	sld [smem:$0x3FB1]  }
0x29: {  	s4 =	sld [smem:$0x3FB3]  }
0x2a: {  	p0 =	seq.s32 s5, $0x0;
	s5 =	sld [smem:$0x3FB4]  }
0x2b: {  	s6 =	sld [smem:$0x3FB5]  }
0x2c: {  	s7 =	sld [smem:$0x3FB6]  }
0x2d: {  	s3 =	simm.s32 $0x108;
	s8 =	sld [smem:$0x3FB7]  }
0x2e: {  	s3 =	simm.s32 @!p0 $0x1082;
	s9 =	sld [smem:$0x3FB8]  }
0x2f: {  	lr =	sadd.s32 s0, s3;
	s0 =	sld [smem:$0x3FAF]  }
0x30: {  	s3 =	sld [smem:$0x3FB2]  }
0x31: {  	[smem:$0x3FBB] =	sst s10  }
0x32: {  	s10 =	sld [smem:$0x3FB9];
	_ =	sdelay $0x3  }
0x33: {  	p0 =	seq.s32 s10, $0x1;
	s10 =	sld [smem:$0x3FBB];
	_ =	sdelay $0x3  }
0x34: {  	[smem:$0x3FBB] =	sst s10  }
0x35: {  	s10 =	sld [smem:$0x3FBA];
	_ =	sdelay $0x3  }
0x36: {  	p1 =	seq.s32 s10, $0x1;
	s10 =	sld [smem:$0x3FBB];
	_ =	sdelay $0x3  }
0x37: {  	[smem:$0x3FBB] =	sst s10  }
0x38: {  	s10 =	sld [smem:$0x3FBC]  }
0x39: {  	_ = 	snop;
	(pc) =	sbr.ind lr, $3  }
0x3a: {  	_ = 	snop  }
0x3b: {  	_ = 	snop  }
0x3c: {  	p2 =	seq.s32 s10, $0x1;
	s10 =	sld [smem:$0x3FBB]  }
0x3d: {  	_ =	shalt  }
0x3e: {  	_ =	shalt  }
0x3f: {  	_ =	shalt  }
0x40: {  	_ =	shalt  }
0x41: {  	_ =	shalt  }
0x42: {  	_ =	shalt  }
0x43: {  	_ =	shalt  }
0x44: {  	_ =	shalt  }
0x45: {  	_ =	shalt  }
0x46: {  	_ =	shalt  }
0x47: {  	_ =	shalt  }
0x48: {  	_ =	shalt  }
0x49: {  	_ =	shalt  }
0x4a: {  	_ =	shalt  }
0x4b: {  	_ =	shalt  }
0x4c: {  	_ =	shalt  }
0x4d: {  	_ =	shalt  }
0x4e: {  	_ =	shalt  }
0x4f: {  	_ =	shalt  }
0x50: {  	_ =	shalt  }
0x51: {  	_ =	shalt  }
0x52: {  	_ =	shalt  }
0x53: {  	_ =	shalt  }
0x54: {  	_ =	shalt  }
0x55: {  	_ =	shalt  }
0x56: {  	_ =	shalt  }
0x57: {  	_ =	shalt  }
0x58: {  	_ =	shalt  }
0x59: {  	_ =	shalt  }
0x5a: {  	_ =	shalt  }
0x5b: {  	_ =	shalt  }
0x5c: {  	_ =	shalt  }
0x5d: {  	_ =	shalt  }
0x5e: {  	_ =	shalt  }
0x5f: {  	_ =	shalt  }
0x60: {  	_ =	shalt  }
0x61: {  	_ =	shalt  }
0x62: {  	_ =	shalt  }
0x63: {  	_ =	shalt  }
0x64: {  	_ =	shalt  }
0x65: {  	_ =	shalt  }
0x66: {  	_ =	shalt  }
0x67: {  	_ =	shalt  }
0x68: {  	_ =	shalt  }
0x69: {  	_ =	shalt  }
0x6a: {  	_ =	shalt  }
0x6b: {  	_ =	shalt  }
0x6c: {  	_ =	shalt  }
0x6d: {  	_ =	shalt  }
0x6e: {  	_ =	shalt  }
0x6f: {  	_ =	shalt  }
0x70: {  	_ =	shalt  }
0x71: {  	_ =	shalt  }
0x72: {  	_ =	shalt  }
0x73: {  	_ =	shalt  }
0x74: {  	_ =	shalt  }
0x75: {  	_ =	shalt  }
0x76: {  	_ =	shalt  }
0x77: {  	_ =	shalt  }
0x78: {  	_ =	shalt  }
0x79: {  	_ =	shalt  }
0x7a: {  	_ =	shalt  }
0x7b: {  	_ =	shalt  }
0x7c: {  	_ =	shalt  }
0x7d: {  	_ =	shalt  }
0x7e: {  	_ =	shalt  }
0x7f: {  	_ =	shalt  }
0x80: {  	_ =	shalt  }
0x81: {  	_ =	shalt  }
0x82: {  	_ =	shalt  }
0x83: {  	_ =	shalt  }
0x84: {  	_ =	shalt  }
0x85: {  	_ =	shalt  }
0x86: {  	_ =	shalt  }
0x87: {  	_ =	shalt  }
.Lfunc_end0:
.L_simem_size_0:
called_computation_lowered:
.L_overlay_start_0:
0x88: {  	s2 =	sld [smem:$0x3FD9]  }
0x89: {  	s3 =	sld [smem:$0x3FFE];
	_ =	sdelay $0x1  }
0x8a: {  	s1 =	srdreg.scid  }
0x8b: {  	s0 =	sand.u32 $0x1, s1  }
0x8c: {  	s18 =	sshll.u32 s0, $0xA;
	s2 =	sadd.s32 s3, s2  }
0x8d: {  	s2 =	sadd.s32 s2, s18  }
0x8e: {  	[smem:$0x3FC7] =	sst s2  }
0x8f: {  	_ = 	snop  }
0x90: {  	s2 =	sld [smem:$0x3FC9]  }
0x91: {  	s19 =	sld [smem:$0x3FD0];
	(tm) =	ssettm $0x1  }
0x92: {  	s4 =	sld [smem:$0x3FFB];
	_ =	sdelay $0x3  }
0x93: {  	_ =	strace s4  }
0x94: {  	s4 =	sld [smem:$0x3FFC];
	_ =	sdelay $0x3  }
0x95: {  	_ =	strace s4  }
0x96: {  	s4 =	sld [smem:$0x3FFD];
	_ =	sdelay $0x3  }
0x97: {  	_ =	strace s4  }
0x98: {  	_ =	strace $0x8FFFFFFF  }
0x99: {  	s20 =	sld [smem:$0x3FDB];
	_ =	sdelay $0x1  }
0x9a: {  	s5 =	simm.s32 $_scs_section_size  }
0x9b: {  	s6 =	simm.s32 $_size__tile_overlayer_lowered;
	s7 =	simm.s32 $_tile_overlayer_lowered  }
0x9c: {  	s23 =	simm.s32 $0x1BFF;
	s22 =	sshll.u32 s7, $0x1;
	s4 =	sadd.s32 s5, s20  }
0x9d: {  	s8 =	simm.s32 $0x0;
	s21 =	sshll.u32 s6, $0x1;
	s6 =	sadd.s32 s22, s4  }
0x9e: {  	[timem:s8], [sflag:s23] =	dma.local [hbm:s6], s21  }
0x9f: {  	_ =	swait.ge [sflag:s23], s21  }
0xa0: {  	s5 =	ssub.s32 $0x0, s21;
	[sflag:s23] =	ssyncset.done $0x0  }
0xa1: {  	[sflag:s23] =	ssyncadd.s32 s5;
	_ =	sdelay $0x1  }
0xa2: {  	s24 =	simm.s32 $0x1B8B  }
0xa3: {  	_ =	swait.ge [sflag:s24], $0x1  }
0xa4: {  	[sflag:s24] =	ssyncset.done $0x0  }
0xa5: {  	s25 =	simm.s32 $0x1B8E;
	[sflag:s24] =	ssyncadd.s32 $0xFFFFFFFF  }
0xa6: {  	s26 =	simm.s32 $execute0_lowered;
	[smem:$0x3FD2] =	sst s25  }
0xa7: {  	s5 =	sshll.u32 s26, $0x1;
	_ =	strace $0x80000046;
	[dreg:$0x1] =	wrdreg $0xFFFFFFFF  }
0xa8: {  	s28 =	simm.s32 $_size_execute0_lowered;
	s4 =	sadd.s32 s4, s5;
	[dreg:$0x0] =	wrdreg $0x0  }
0xa9: {  	s5 =	sshll.u32 s28, $0x1;
	[dreg:$0x2] =	wrdreg s4  }
0xaa: {  	[dreg:$0x3] =	wrdreg s5  }
0xab: {  	[dreg:$0x4] =	wrdreg $0xC0  }
0xac: {  	_ =	task [dreg:s8], $0x5FFFF  }
0xad: {  	[dreg:$0x1] =	wrdreg $0xFFFFFFFF  }
0xae: {  	[dreg:$0x0] =	wrdreg $0x60  }
0xaf: {  	[dreg:$0x2] =	wrdreg s2  }
0xb0: {  	[dreg:$0x3] =	wrdreg s19  }
0xb1: {  	[dreg:$0x4] =	wrdreg $0x9  }
0xb2: {  	_ =	task.clear_ibuf [dreg:s8], $0x5FFFF;
	_ =	strace $0x90000046  }
0xb3: {  	s29 =	simm.s32 $0x9;
	_ =	strace $0x80000048  }
0xb4: {  	_ =	swait.ge [sflag:s29], $0x1  }
0xb5: {  	[sflag:s29] =	ssyncadd.s32 $0xFFFFFFFF  }
0xb6: {  	_ =	strace $0x90000048  }
0xb7: {  	_ =	sfence  }
0xb8: {  	s30 =	sld [smem:$0x0];
	_ =	sdelay $0x2  }
0xb9: {  	s31 =	sshll.u32 s1, $0xD;
	s1 =	sshrl.u32 s1, $0x2  }
0xba: {  	s3 =	sand.u32 $0x4000, s31;
	s1 =	sadd.s32 s1, s30  }
0xbb: {  	s0 =	sor.u32 s3, s0;
	s1 =	sshll.u32 s1, $0x11  }
0xbc: {  	s0 =	sor.u32 s1, s0  }
0xbd: {  	s0 =	sadd.s32 $0x8F2B, s0  }
0xbe: {  	[sflag:s0] =	ssyncadd.remote.s32 $0x1  }
0xbf: {  	_ =	sfence.sel $0xFFFF  }
0xc0: {  	[dreg:$0x0] =	wrdreg $0xFFFFFFFF;
	(pc) =	sbr.abs _section_cstart, $3  }
0xc1: {  	[dreg:$0x1] =	wrdreg $0xFFFFFFFF  }
0xc2: {  	_ =	task.clear_ibuf [dreg:s8], $0x2FFFF;
	_ =	strace $0x9FFFFFFF  }
0xc3: {  	(tm) =	ssettm $0x7FFFFFFF  }
tec
execute0_lowered:
.L_overlay_start_1:
0x0: {  	(tag) =	ssettag $0x1  }
0x1: {  	s0 =	srdreg.scid;
	s1 =	stileid.u32  }
0x2: {  	s5 =	sand.u32 $0x1, s0;
	s20 =	sshll.u32 s1, $0x1  }
0x3: {  	s0 =	sor.u32 s5, s20  }
0x4: {  	s3 =	rddreg [dreg:$0x1];
	s6 =	smul.u32 $0x8100, s0  }
0x5: {  	s2 =	simm.s32 $0x0;
	s1 =	rddreg [dreg:$0x0];
	s0 =	smul.u32 $0x40800, s0  }
0x6: {  	[smem:$0x7FF] =	sst s2  }
0x7: {  	_ =	strace $0x80000047;
	s7 =	sadd.s32 s1, s6;
	s4 =	sshrl.u32 s0, $0x3  }
0x8: {  	s21 =	sadd.s32 s3, s6;
	[dreg:$0x3] =	wrdreg s7;
	s22 =	sadd.s32 $0x300, s4  }
0x9: {  	[dreg:$0x4] =	wrdreg s21;
	s23 =	sadd.s32 s1, s22  }
0xa: {  	s25 =	sadd.s32 $0x600, s4;
	s24 =	sadd.s32 s3, s22;
	[dreg:$0x5] =	wrdreg s23  }
0xb: {  	s26 =	sadd.s32 s1, s25;
	[dreg:$0x6] =	wrdreg s24  }
0xc: {  	s7 =	sadd.s32 $0x900, s4;
	s6 =	sadd.s32 s3, s25;
	[dreg:$0x7] =	wrdreg s26  }
0xd: {  	s8 =	sadd.s32 s1, s7;
	[dreg:$0x8] =	wrdreg s6  }
0xe: {  	s10 =	sadd.s32 $0xC00, s4;
	s9 =	sadd.s32 s3, s7;
	[dreg:$0x9] =	wrdreg s8  }
0xf: {  	s11 =	sadd.s32 s1, s10;
	[dreg:$0xa] =	wrdreg s9  }
0x10: {  	s13 =	sadd.s32 $0xF00, s4;
	s12 =	sadd.s32 s3, s10;
	[dreg:$0xb] =	wrdreg s11  }
0x11: {  	s14 =	sadd.s32 s1, s13;
	[dreg:$0xc] =	wrdreg s12  }
0x12: {  	s16 =	sadd.s32 $0x1200, s4;
	s15 =	sadd.s32 s3, s13;
	[dreg:$0xd] =	wrdreg s14  }
0x13: {  	s17 =	sadd.s32 s1, s16;
	[dreg:$0xe] =	wrdreg s15  }
0x14: {  	s19 =	sadd.s32 $0x1500, s4;
	s18 =	sadd.s32 s3, s16;
	[dreg:$0xf] =	wrdreg s17  }
0x15: {  	s20 =	sadd.s32 s1, s19;
	[dreg:$0x10] =	wrdreg s18  }
0x16: {  	s21 =	sadd.s32 s3, s19;
	s22 =	sadd.s32 $0x1800, s4;
	[dreg:$0x11] =	wrdreg s20  }
0x17: {  	[dreg:$0x12] =	wrdreg s21;
	s23 =	sadd.s32 s1, s22  }
0x18: {  	s25 =	sadd.s32 $0x1B00, s4;
	s24 =	sadd.s32 s3, s22;
	[dreg:$0x13] =	wrdreg s23  }
0x19: {  	s26 =	sadd.s32 s1, s25;
	[dreg:$0x14] =	wrdreg s24  }
0x1a: {  	s7 =	sadd.s32 $0x1E00, s4;
	s6 =	sadd.s32 s3, s25;
	[dreg:$0x15] =	wrdreg s26  }
0x1b: {  	s8 =	sadd.s32 s1, s7;
	[dreg:$0x16] =	wrdreg s6  }
0x1c: {  	s10 =	sadd.s32 $0x2100, s4;
	s9 =	sadd.s32 s3, s7;
	[dreg:$0x17] =	wrdreg s8  }
0x1d: {  	s11 =	sadd.s32 s1, s10;
	[dreg:$0x18] =	wrdreg s9  }
0x1e: {  	s13 =	sadd.s32 $0x2400, s4;
	s12 =	sadd.s32 s3, s10;
	[dreg:$0x19] =	wrdreg s11  }
0x1f: {  	s14 =	sadd.s32 s1, s13;
	[dreg:$0x1a] =	wrdreg s12  }
0x20: {  	s16 =	sadd.s32 $0x2700, s4;
	s15 =	sadd.s32 s3, s13;
	[dreg:$0x1b] =	wrdreg s14  }
0x21: {  	s17 =	sadd.s32 s1, s16;
	[dreg:$0x1c] =	wrdreg s15  }
0x22: {  	s19 =	sadd.s32 $0x2A00, s4;
	s18 =	sadd.s32 s3, s16;
	[dreg:$0x1d] =	wrdreg s17  }
0x23: {  	s20 =	sadd.s32 s1, s19;
	[dreg:$0x1e] =	wrdreg s18  }
0x24: {  	s21 =	sadd.s32 s3, s19;
	s22 =	sadd.s32 $0x2D00, s4;
	[dreg:$0x1f] =	wrdreg s20  }
0x25: {  	[smem:$0x7DF] =	sst s21;
	s23 =	sadd.s32 s1, s22  }
0x26: {  	s25 =	sadd.s32 $0x3000, s4;
	s24 =	sadd.s32 s3, s22;
	[smem:$0x7E0] =	sst s23  }
0x27: {  	s26 =	sadd.s32 s1, s25;
	[smem:$0x7E1] =	sst s24  }
0x28: {  	s7 =	sadd.s32 s3, s25;
	s8 =	sadd.s32 $0x3300, s4;
	[smem:$0x7E2] =	sst s26  }
0x29: {  	[smem:$0x7E3] =	sst s7;
	s9 =	sadd.s32 s1, s8  }
0x2a: {  	s11 =	sadd.s32 $0x3600, s4;
	s10 =	sadd.s32 s3, s8;
	[smem:$0x7E4] =	sst s9  }
0x2b: {  	s12 =	sadd.s32 s1, s11;
	[smem:$0x7E5] =	sst s10  }
0x2c: {  	s14 =	sadd.s32 $0x3900, s4;
	s13 =	sadd.s32 s3, s11;
	[smem:$0x7E6] =	sst s12  }
0x2d: {  	s15 =	sadd.s32 s1, s14;
	[smem:$0x7E7] =	sst s13  }
0x2e: {  	s17 =	sadd.s32 $0x3C00, s4;
	s16 =	sadd.s32 s3, s14;
	[smem:$0x7E8] =	sst s15  }
0x2f: {  	s18 =	sadd.s32 s1, s17;
	[smem:$0x7E9] =	sst s16  }
0x30: {  	s20 =	sadd.s32 $0x3F00, s4;
	s19 =	sadd.s32 s3, s17;
	[smem:$0x7EA] =	sst s18  }
0x31: {  	s21 =	sadd.s32 s1, s20;
	[smem:$0x7EB] =	sst s19  }
0x32: {  	s22 =	sadd.s32 s3, s20;
	s23 =	sadd.s32 $0x4200, s4;
	[smem:$0x7EC] =	sst s21  }
0x33: {  	[smem:$0x7ED] =	sst s22;
	s24 =	sadd.s32 s1, s23  }
0x34: {  	s26 =	sadd.s32 $0x4500, s4;
	s25 =	sadd.s32 s3, s23;
	[smem:$0x7EE] =	sst s24  }
0x35: {  	s5 =	ssub.s32 $0x2, s5;
	s7 =	sadd.s32 s1, s26;
	[smem:$0x7EF] =	sst s25  }
0x36: {  	s8 =	sadd.s32 s3, s26;
	s9 =	sadd.s32 $0x4800, s4;
	[smem:$0x7F0] =	sst s7  }
0x37: {  	s0 =	sadd.s32 $0x7E00, s4;
	[smem:$0x7F1] =	sst s8;
	s10 =	sadd.s32 s1, s9  }
0x38: {  	s12 =	sadd.s32 $0x4B00, s4;
	s11 =	sadd.s32 s3, s9;
	[smem:$0x7F2] =	sst s10  }
0x39: {  	s6 =	sadd.s32 $0x7200, s4;
	s13 =	sadd.s32 s1, s12;
	[smem:$0x7F3] =	sst s11  }
0x3a: {  	s15 =	sadd.s32 $0x4E00, s4;
	s14 =	sadd.s32 s3, s12;
	[smem:$0x7F4] =	sst s13  }
0x3b: {  	s18 =	sadd.s32 $0x5100, s4;
	s16 =	sadd.s32 s1, s15;
	[smem:$0x7F5] =	sst s14  }
0x3c: {  	s21 =	sadd.s32 $0x5400, s4;
	s17 =	sadd.s32 s3, s15;
	[smem:$0x7F6] =	sst s16  }
0x3d: {  	s19 =	sadd.s32 s1, s18;
	s20 =	sadd.s32 s3, s18;
	[smem:$0x7F7] =	sst s17  }
0x3e: {  	s22 =	sadd.s32 s1, s21;
	s23 =	sadd.s32 s3, s21;
	[smem:$0x7F8] =	sst s19  }
0x3f: {  	s24 =	sadd.s32 $0x5700, s4;
	s25 =	sshrl.u32 s5, $0x1;
	[smem:$0x7F9] =	sst s20  }
0x40: {  	s7 =	sadd.s32 $0x5A00, s4;
	s8 =	sadd.s32 $0x5D00, s4;
	[smem:$0x7FA] =	sst s22  }
0x41: {  	s9 =	sadd.s32 $0x6000, s4;
	s12 =	sadd.s32 $0x6900, s4;
	[smem:$0x7FB] =	sst s23  }
0x42: {  	s26 =	sadd.s32 s1, s24;
	s5 =	ssub.s32 s5, s25;
	s31 =	sadd.s32 s3, s24  }
0x43: {  	s30 =	sadd.s32 s1, s7;
	s29 =	sadd.s32 s3, s7;
	s28 =	sadd.s32 s1, s8  }
0x44: {  	s25 =	sadd.s32 s1, s9;
	s10 =	sadd.s32 $0x6300, s4;
	s24 =	sadd.s32 s3, s9  }
0x45: {  	s11 =	sadd.s32 $0x6600, s4;
	s19 =	sadd.s32 s1, s12;
	s13 =	sadd.s32 $0x6C00, s4  }
0x46: {  	s18 =	sadd.s32 s3, s12;
	s14 =	sadd.s32 $0x6F00, s4;
	[smem:$0x7FD] =	sst s5  }
0x47: {  	s7 =	sadd.s32 $0x7500, s4;
	s12 =	sadd.s32 s3, s6;
	[smem:$0x7FC] =	sst s26  }
0x48: {  	s26 =	sadd.s32 s3, s8;
	s23 =	sadd.s32 s1, s10;
	s22 =	sadd.s32 s3, s10  }
0x49: {  	s17 =	sadd.s32 s1, s13;
	s16 =	sadd.s32 s3, s13;
	s13 =	sadd.s32 s1, s6  }
0x4a: {  	s8 =	sadd.s32 $0x7800, s4;
	s6 =	sadd.s32 $0x7B00, s4;
	s4 =	sld [smem:$0x7FD]  }
0x4b: {  	s21 =	sadd.s32 s1, s11;
	s20 =	sadd.s32 s3, s11;
	s15 =	sadd.s32 s1, s14  }
0x4c: {  	s11 =	sadd.s32 s1, s7;
	s10 =	sadd.s32 s3, s7;
	s5 =	sadd.s32 s1, s0  }
0x4d: {  	s9 =	sadd.s32 s1, s8;
	s7 =	sadd.s32 s1, s6;
	s1 =	smax.u32 s4, $0x1  }
0x4e: {  	p1 =	sne.s32 s1, $0x1  }
.Ltmp0:
0x4f: {  	_ = 	snop;
	(pc) =	sbr.rel @!p1 .LBB2_3-.Ltmp0, $4  }
0x50: {  	_ = 	snop  }
0x51: {  	p0 =	por $0x0, $0x0;
	s14 =	sadd.s32 s3, s14  }
0x52: {  	s8 =	sadd.s32 s3, s8;
	s6 =	sadd.s32 s3, s6;
	s3 =	sadd.s32 s3, s0  }
0x53: {  	s0 =	rddreg [dreg:$0x3];
	s4 =	simm.s32 $0x1;
	s1 =	sadd.s32 $0xFFFFFFFF, s1  }
0x54: {  	[tilespmem:s2], [sflag:$0x1] =	stream.linear.gather [hbm4b:s0+s2], $0x1800, $0x38;
	[tilespmem:$0x1800] =	vst v63  }
0x55: {  	_ =	swait.ge [sflag:s4], $0x1800  }
0x56: {  	[sflag:s4] =	ssyncset.done $0x0  }
0x57: {  	s0 =	rddreg [dreg:$0x4];
	[sflag:s4] =	ssyncadd.s32 $0xFFFFE800  }
0x58: {  	[hbm4b:s0+s2] =	stream.linear.scatter [tilespmem:s2], [sflag:$0x1], $0x1800, $0x38;
	[tilespmem:$0x1800] =	vst v63  }
0x59: {  	_ =	swait.ge [sflag:s4], $0x1800  }
0x5a: {  	[sflag:s4] =	ssyncset.done $0x0  }
0x5b: {  	s0 =	rddreg [dreg:$0x5];
	[sflag:s4] =	ssyncadd.s32 $0xFFFFE800  }
0x5c: {  	[tilespmem:s2], [sflag:$0x1] =	stream.linear.gather [hbm4b:s0+s2], $0x1800, $0x38;
	[tilespmem:$0x1800] =	vst v63  }
0x5d: {  	_ =	swait.ge [sflag:s4], $0x1800  }
0x5e: {  	[sflag:s4] =	ssyncset.done $0x0  }
0x5f: {  	s0 =	rddreg [dreg:$0x6];
	[sflag:s4] =	ssyncadd.s32 $0xFFFFE800  }
0x60: {  	[hbm4b:s0+s2] =	stream.linear.scatter [tilespmem:s2], [sflag:$0x1], $0x1800, $0x38;
	[tilespmem:$0x1800] =	vst v63  }
0x61: {  	_ =	swait.ge [sflag:s4], $0x1800  }
0x62: {  	[sflag:s4] =	ssyncset.done $0x0  }
0x63: {  	s0 =	rddreg [dreg:$0x7];
	[sflag:s4] =	ssyncadd.s32 $0xFFFFE800  }
0x64: {  	[tilespmem:s2], [sflag:$0x1] =	stream.linear.gather [hbm4b:s0+s2], $0x1800, $0x38;
	[tilespmem:$0x1800] =	vst v63  }
0x65: {  	_ =	swait.ge [sflag:s4], $0x1800  }
0x66: {  	[sflag:s4] =	ssyncset.done $0x0  }
0x67: {  	s0 =	rddreg [dreg:$0x8];
	[sflag:s4] =	ssyncadd.s32 $0xFFFFE800  }
0x68: {  	[hbm4b:s0+s2] =	stream.linear.scatter [tilespmem:s2], [sflag:$0x1], $0x1800, $0x38;
	[tilespmem:$0x1800] =	vst v63  }
0x69: {  	_ =	swait.ge [sflag:s4], $0x1800  }
0x6a: {  	[sflag:s4] =	ssyncset.done $0x0  }
0x6b: {  	s0 =	rddreg [dreg:$0x9];
	[sflag:s4] =	ssyncadd.s32 $0xFFFFE800  }
0x6c: {  	[tilespmem:s2], [sflag:$0x1] =	stream.linear.gather [hbm4b:s0+s2], $0x1800, $0x38;
	[tilespmem:$0x1800] =	vst v63  }
0x6d: {  	_ =	swait.ge [sflag:s4], $0x1800  }
0x6e: {  	[sflag:s4] =	ssyncset.done $0x0  }
0x6f: {  	s0 =	rddreg [dreg:$0xa];
	[sflag:s4] =	ssyncadd.s32 $0xFFFFE800  }
0x70: {  	[hbm4b:s0+s2] =	stream.linear.scatter [tilespmem:s2], [sflag:$0x1], $0x1800, $0x38;
	[tilespmem:$0x1800] =	vst v63  }
0x71: {  	_ =	swait.ge [sflag:s4], $0x1800  }
0x72: {  	[sflag:s4] =	ssyncset.done $0x0  }
0x73: {  	s0 =	rddreg [dreg:$0xb];
	[sflag:s4] =	ssyncadd.s32 $0xFFFFE800  }
0x74: {  	[tilespmem:s2], [sflag:$0x1] =	stream.linear.gather [hbm4b:s0+s2], $0x1800, $0x38;
	[tilespmem:$0x1800] =	vst v63  }
0x75: {  	_ =	swait.ge [sflag:s4], $0x1800  }
0x76: {  	[sflag:s4] =	ssyncset.done $0x0  }
0x77: {  	s0 =	rddreg [dreg:$0xc];
	[sflag:s4] =	ssyncadd.s32 $0xFFFFE800  }
0x78: {  	[hbm4b:s0+s2] =	stream.linear.scatter [tilespmem:s2], [sflag:$0x1], $0x1800, $0x38;
	[tilespmem:$0x1800] =	vst v63  }
0x79: {  	_ =	swait.ge [sflag:s4], $0x1800  }
0x7a: {  	[sflag:s4] =	ssyncset.done $0x0  }
0x7b: {  	s0 =	rddreg [dreg:$0xd];
	[sflag:s4] =	ssyncadd.s32 $0xFFFFE800  }
0x7c: {  	[tilespmem:s2], [sflag:$0x1] =	stream.linear.gather [hbm4b:s0+s2], $0x1800, $0x38;
	[tilespmem:$0x1800] =	vst v63  }
0x7d: {  	_ =	swait.ge [sflag:s4], $0x1800  }
0x7e: {  	[sflag:s4] =	ssyncset.done $0x0  }
0x7f: {  	s0 =	rddreg [dreg:$0xe];
	[sflag:s4] =	ssyncadd.s32 $0xFFFFE800  }
0x80: {  	[hbm4b:s0+s2] =	stream.linear.scatter [tilespmem:s2], [sflag:$0x1], $0x1800, $0x38;
	[tilespmem:$0x1800] =	vst v63  }
0x81: {  	_ =	swait.ge [sflag:s4], $0x1800  }
0x82: {  	[sflag:s4] =	ssyncset.done $0x0  }
0x83: {  	s0 =	rddreg [dreg:$0xf];
	[sflag:s4] =	ssyncadd.s32 $0xFFFFE800  }
0x84: {  	[tilespmem:s2], [sflag:$0x1] =	stream.linear.gather [hbm4b:s0+s2], $0x1800, $0x38;
	[tilespmem:$0x1800] =	vst v63  }
0x85: {  	_ =	swait.ge [sflag:s4], $0x1800  }
0x86: {  	[sflag:s4] =	ssyncset.done $0x0  }
0x87: {  	s0 =	rddreg [dreg:$0x10];
	[sflag:s4] =	ssyncadd.s32 $0xFFFFE800  }
0x88: {  	[hbm4b:s0+s2] =	stream.linear.scatter [tilespmem:s2], [sflag:$0x1], $0x1800, $0x38;
	[tilespmem:$0x1800] =	vst v63  }
0x89: {  	_ =	swait.ge [sflag:s4], $0x1800  }
0x8a: {  	[sflag:s4] =	ssyncset.done $0x0  }
0x8b: {  	s0 =	rddreg [dreg:$0x11];
	[sflag:s4] =	ssyncadd.s32 $0xFFFFE800  }
0x8c: {  	[tilespmem:s2], [sflag:$0x1] =	stream.linear.gather [hbm4b:s0+s2], $0x1800, $0x38;
	[tilespmem:$0x1800] =	vst v63  }
0x8d: {  	_ =	swait.ge [sflag:s4], $0x1800  }
0x8e: {  	[sflag:s4] =	ssyncset.done $0x0  }
0x8f: {  	s0 =	rddreg [dreg:$0x12];
	[sflag:s4] =	ssyncadd.s32 $0xFFFFE800  }
0x90: {  	[hbm4b:s0+s2] =	stream.linear.scatter [tilespmem:s2], [sflag:$0x1], $0x1800, $0x38;
	[tilespmem:$0x1800] =	vst v63  }
0x91: {  	_ =	swait.ge [sflag:s4], $0x1800  }
0x92: {  	[sflag:s4] =	ssyncset.done $0x0  }
0x93: {  	s0 =	rddreg [dreg:$0x13];
	[sflag:s4] =	ssyncadd.s32 $0xFFFFE800  }
0x94: {  	[tilespmem:s2], [sflag:$0x1] =	stream.linear.gather [hbm4b:s0+s2], $0x1800, $0x38;
	[tilespmem:$0x1800] =	vst v63  }
0x95: {  	_ =	swait.ge [sflag:s4], $0x1800  }
0x96: {  	[sflag:s4] =	ssyncset.done $0x0  }
0x97: {  	s0 =	rddreg [dreg:$0x14];
	[sflag:s4] =	ssyncadd.s32 $0xFFFFE800  }
0x98: {  	[hbm4b:s0+s2] =	stream.linear.scatter [tilespmem:s2], [sflag:$0x1], $0x1800, $0x38;
	[tilespmem:$0x1800] =	vst v63  }
0x99: {  	_ =	swait.ge [sflag:s4], $0x1800  }
0x9a: {  	[sflag:s4] =	ssyncset.done $0x0  }
0x9b: {  	s0 =	rddreg [dreg:$0x15];
	[sflag:s4] =	ssyncadd.s32 $0xFFFFE800  }
0x9c: {  	[tilespmem:s2], [sflag:$0x1] =	stream.linear.gather [hbm4b:s0+s2], $0x1800, $0x38;
	[tilespmem:$0x1800] =	vst v63  }
0x9d: {  	_ =	swait.ge [sflag:s4], $0x1800  }
0x9e: {  	[sflag:s4] =	ssyncset.done $0x0  }
0x9f: {  	s0 =	rddreg [dreg:$0x16];
	[sflag:s4] =	ssyncadd.s32 $0xFFFFE800  }
0xa0: {  	[hbm4b:s0+s2] =	stream.linear.scatter [tilespmem:s2], [sflag:$0x1], $0x1800, $0x38;
	[tilespmem:$0x1800] =	vst v63  }
0xa1: {  	_ =	swait.ge [sflag:s4], $0x1800  }
0xa2: {  	[sflag:s4] =	ssyncset.done $0x0  }
0xa3: {  	s0 =	rddreg [dreg:$0x17];
	[sflag:s4] =	ssyncadd.s32 $0xFFFFE800  }
0xa4: {  	[tilespmem:s2], [sflag:$0x1] =	stream.linear.gather [hbm4b:s0+s2], $0x1800, $0x38;
	[tilespmem:$0x1800] =	vst v63  }
0xa5: {  	_ =	swait.ge [sflag:s4], $0x1800  }
0xa6: {  	[sflag:s4] =	ssyncset.done $0x0  }
0xa7: {  	s0 =	rddreg [dreg:$0x18];
	[sflag:s4] =	ssyncadd.s32 $0xFFFFE800  }
0xa8: {  	[hbm4b:s0+s2] =	stream.linear.scatter [tilespmem:s2], [sflag:$0x1], $0x1800, $0x38;
	[tilespmem:$0x1800] =	vst v63  }
0xa9: {  	_ =	swait.ge [sflag:s4], $0x1800  }
0xaa: {  	[sflag:s4] =	ssyncset.done $0x0  }
0xab: {  	s0 =	rddreg [dreg:$0x19];
	[sflag:s4] =	ssyncadd.s32 $0xFFFFE800  }
0xac: {  	[tilespmem:s2], [sflag:$0x1] =	stream.linear.gather [hbm4b:s0+s2], $0x1800, $0x38;
	[tilespmem:$0x1800] =	vst v63  }
0xad: {  	_ =	swait.ge [sflag:s4], $0x1800  }
0xae: {  	[sflag:s4] =	ssyncset.done $0x0  }
0xaf: {  	s0 =	rddreg [dreg:$0x1a];
	[sflag:s4] =	ssyncadd.s32 $0xFFFFE800  }
0xb0: {  	[hbm4b:s0+s2] =	stream.linear.scatter [tilespmem:s2], [sflag:$0x1], $0x1800, $0x38;
	[tilespmem:$0x1800] =	vst v63  }
0xb1: {  	_ =	swait.ge [sflag:s4], $0x1800  }
0xb2: {  	[sflag:s4] =	ssyncset.done $0x0  }
0xb3: {  	s0 =	rddreg [dreg:$0x1b];
	[sflag:s4] =	ssyncadd.s32 $0xFFFFE800  }
0xb4: {  	[tilespmem:s2], [sflag:$0x1] =	stream.linear.gather [hbm4b:s0+s2], $0x1800, $0x38;
	[tilespmem:$0x1800] =	vst v63  }
0xb5: {  	_ =	swait.ge [sflag:s4], $0x1800  }
0xb6: {  	[sflag:s4] =	ssyncset.done $0x0  }
0xb7: {  	s0 =	rddreg [dreg:$0x1c];
	[sflag:s4] =	ssyncadd.s32 $0xFFFFE800  }
0xb8: {  	[hbm4b:s0+s2] =	stream.linear.scatter [tilespmem:s2], [sflag:$0x1], $0x1800, $0x38;
	[tilespmem:$0x1800] =	vst v63  }
0xb9: {  	_ =	swait.ge [sflag:s4], $0x1800  }
0xba: {  	[sflag:s4] =	ssyncset.done $0x0  }
0xbb: {  	s0 =	rddreg [dreg:$0x1d];
	[sflag:s4] =	ssyncadd.s32 $0xFFFFE800  }
0xbc: {  	[tilespmem:s2], [sflag:$0x1] =	stream.linear.gather [hbm4b:s0+s2], $0x1800, $0x38;
	[tilespmem:$0x1800] =	vst v63  }
0xbd: {  	_ =	swait.ge [sflag:s4], $0x1800  }
0xbe: {  	[sflag:s4] =	ssyncset.done $0x0  }
0xbf: {  	s0 =	rddreg [dreg:$0x1e];
	[sflag:s4] =	ssyncadd.s32 $0xFFFFE800  }
0xc0: {  	[hbm4b:s0+s2] =	stream.linear.scatter [tilespmem:s2], [sflag:$0x1], $0x1800, $0x38;
	[tilespmem:$0x1800] =	vst v63  }
0xc1: {  	_ =	swait.ge [sflag:s4], $0x1800  }
0xc2: {  	[sflag:s4] =	ssyncset.done $0x0  }
0xc3: {  	s0 =	rddreg [dreg:$0x1f];
	[sflag:s4] =	ssyncadd.s32 $0xFFFFE800  }
0xc4: {  	[tilespmem:s2], [sflag:$0x1] =	stream.linear.gather [hbm4b:s0+s2], $0x1800, $0x38;
	[tilespmem:$0x1800] =	vst v63  }
0xc5: {  	_ =	swait.ge [sflag:s4], $0x1800  }
0xc6: {  	s0 =	sld [smem:$0x7DF]  }
0xc7: {  	[sflag:s4] =	ssyncset.done $0x0  }
0xc8: {  	[sflag:s4] =	ssyncadd.s32 $0xFFFFE800  }
0xc9: {  	[hbm4b:s0+s2] =	stream.linear.scatter [tilespmem:s2], [sflag:$0x1], $0x1800, $0x38;
	[tilespmem:$0x1800] =	vst v63  }
0xca: {  	_ =	swait.ge [sflag:s4], $0x1800  }
0xcb: {  	s0 =	sld [smem:$0x7E0]  }
0xcc: {  	[sflag:s4] =	ssyncset.done $0x0  }
0xcd: {  	[sflag:s4] =	ssyncadd.s32 $0xFFFFE800  }
0xce: {  	[tilespmem:s2], [sflag:$0x1] =	stream.linear.gather [hbm4b:s0+s2], $0x1800, $0x38;
	[tilespmem:$0x1800] =	vst v63  }
0xcf: {  	_ =	swait.ge [sflag:s4], $0x1800  }
0xd0: {  	s0 =	sld [smem:$0x7E1]  }
0xd1: {  	[sflag:s4] =	ssyncset.done $0x0  }
0xd2: {  	[sflag:s4] =	ssyncadd.s32 $0xFFFFE800  }
0xd3: {  	[hbm4b:s0+s2] =	stream.linear.scatter [tilespmem:s2], [sflag:$0x1], $0x1800, $0x38;
	[tilespmem:$0x1800] =	vst v63  }
0xd4: {  	_ =	swait.ge [sflag:s4], $0x1800  }
0xd5: {  	s0 =	sld [smem:$0x7E2]  }
0xd6: {  	[sflag:s4] =	ssyncset.done $0x0  }
0xd7: {  	[sflag:s4] =	ssyncadd.s32 $0xFFFFE800  }
0xd8: {  	[tilespmem:s2], [sflag:$0x1] =	stream.linear.gather [hbm4b:s0+s2], $0x1800, $0x38;
	[tilespmem:$0x1800] =	vst v63  }
0xd9: {  	_ =	swait.ge [sflag:s4], $0x1800  }
0xda: {  	s0 =	sld [smem:$0x7E3]  }
0xdb: {  	[sflag:s4] =	ssyncset.done $0x0  }
0xdc: {  	[sflag:s4] =	ssyncadd.s32 $0xFFFFE800  }
0xdd: {  	[hbm4b:s0+s2] =	stream.linear.scatter [tilespmem:s2], [sflag:$0x1], $0x1800, $0x38;
	[tilespmem:$0x1800] =	vst v63  }
0xde: {  	_ =	swait.ge [sflag:s4], $0x1800  }
0xdf: {  	s0 =	sld [smem:$0x7E4]  }
0xe0: {  	[sflag:s4] =	ssyncset.done $0x0  }
0xe1: {  	[sflag:s4] =	ssyncadd.s32 $0xFFFFE800  }
0xe2: {  	[tilespmem:s2], [sflag:$0x1] =	stream.linear.gather [hbm4b:s0+s2], $0x1800, $0x38;
	[tilespmem:$0x1800] =	vst v63  }
0xe3: {  	_ =	swait.ge [sflag:s4], $0x1800  }
0xe4: {  	s0 =	sld [smem:$0x7E5]  }
0xe5: {  	[sflag:s4] =	ssyncset.done $0x0  }
0xe6: {  	[sflag:s4] =	ssyncadd.s32 $0xFFFFE800  }
0xe7: {  	[hbm4b:s0+s2] =	stream.linear.scatter [tilespmem:s2], [sflag:$0x1], $0x1800, $0x38;
	[tilespmem:$0x1800] =	vst v63  }
0xe8: {  	_ =	swait.ge [sflag:s4], $0x1800  }
0xe9: {  	s0 =	sld [smem:$0x7E6]  }
0xea: {  	[sflag:s4] =	ssyncset.done $0x0  }
0xeb: {  	[sflag:s4] =	ssyncadd.s32 $0xFFFFE800  }
0xec: {  	[tilespmem:s2], [sflag:$0x1] =	stream.linear.gather [hbm4b:s0+s2], $0x1800, $0x38;
	[tilespmem:$0x1800] =	vst v63  }
0xed: {  	_ =	swait.ge [sflag:s4], $0x1800  }
0xee: {  	s0 =	sld [smem:$0x7E7]  }
0xef: {  	[sflag:s4] =	ssyncset.done $0x0  }
0xf0: {  	[sflag:s4] =	ssyncadd.s32 $0xFFFFE800  }
0xf1: {  	[hbm4b:s0+s2] =	stream.linear.scatter [tilespmem:s2], [sflag:$0x1], $0x1800, $0x38;
	[tilespmem:$0x1800] =	vst v63  }
0xf2: {  	_ =	swait.ge [sflag:s4], $0x1800  }
0xf3: {  	s0 =	sld [smem:$0x7E8]  }
0xf4: {  	[sflag:s4] =	ssyncset.done $0x0  }
0xf5: {  	[sflag:s4] =	ssyncadd.s32 $0xFFFFE800  }
0xf6: {  	[tilespmem:s2], [sflag:$0x1] =	stream.linear.gather [hbm4b:s0+s2], $0x1800, $0x38;
	[tilespmem:$0x1800] =	vst v63  }
0xf7: {  	_ =	swait.ge [sflag:s4], $0x1800  }
0xf8: {  	s0 =	sld [smem:$0x7E9]  }
0xf9: {  	[sflag:s4] =	ssyncset.done $0x0  }
0xfa: {  	[sflag:s4] =	ssyncadd.s32 $0xFFFFE800  }
0xfb: {  	[hbm4b:s0+s2] =	stream.linear.scatter [tilespmem:s2], [sflag:$0x1], $0x1800, $0x38;
	[tilespmem:$0x1800] =	vst v63  }
0xfc: {  	_ =	swait.ge [sflag:s4], $0x1800  }
0xfd: {  	s0 =	sld [smem:$0x7EA]  }
0xfe: {  	[sflag:s4] =	ssyncset.done $0x0  }
0xff: {  	[sflag:s4] =	ssyncadd.s32 $0xFFFFE800  }
0x100: {  	[tilespmem:s2], [sflag:$0x1] =	stream.linear.gather [hbm4b:s0+s2], $0x1800, $0x38;
	[tilespmem:$0x1800] =	vst v63  }
0x101: {  	_ =	swait.ge [sflag:s4], $0x1800  }
0x102: {  	s0 =	sld [smem:$0x7EB]  }
0x103: {  	[sflag:s4] =	ssyncset.done $0x0  }
0x104: {  	[sflag:s4] =	ssyncadd.s32 $0xFFFFE800  }
0x105: {  	[hbm4b:s0+s2] =	stream.linear.scatter [tilespmem:s2], [sflag:$0x1], $0x1800, $0x38;
	[tilespmem:$0x1800] =	vst v63  }
0x106: {  	_ =	swait.ge [sflag:s4], $0x1800  }
0x107: {  	s0 =	sld [smem:$0x7EC]  }
0x108: {  	[sflag:s4] =	ssyncset.done $0x0  }
0x109: {  	[sflag:s4] =	ssyncadd.s32 $0xFFFFE800  }
0x10a: {  	[tilespmem:s2], [sflag:$0x1] =	stream.linear.gather [hbm4b:s0+s2], $0x1800, $0x38;
	[tilespmem:$0x1800] =	vst v63  }
0x10b: {  	_ =	swait.ge [sflag:s4], $0x1800  }
0x10c: {  	s0 =	sld [smem:$0x7ED]  }
0x10d: {  	[sflag:s4] =	ssyncset.done $0x0  }
0x10e: {  	[sflag:s4] =	ssyncadd.s32 $0xFFFFE800  }
0x10f: {  	[hbm4b:s0+s2] =	stream.linear.scatter [tilespmem:s2], [sflag:$0x1], $0x1800, $0x38;
	[tilespmem:$0x1800] =	vst v63  }
0x110: {  	_ =	swait.ge [sflag:s4], $0x1800  }
0x111: {  	s0 =	sld [smem:$0x7EE]  }
0x112: {  	[sflag:s4] =	ssyncset.done $0x0  }
0x113: {  	[sflag:s4] =	ssyncadd.s32 $0xFFFFE800  }
0x114: {  	[tilespmem:s2], [sflag:$0x1] =	stream.linear.gather [hbm4b:s0+s2], $0x1800, $0x38;
	[tilespmem:$0x1800] =	vst v63  }
0x115: {  	_ =	swait.ge [sflag:s4], $0x1800  }
0x116: {  	s0 =	sld [smem:$0x7EF]  }
0x117: {  	[sflag:s4] =	ssyncset.done $0x0  }
0x118: {  	[sflag:s4] =	ssyncadd.s32 $0xFFFFE800  }
0x119: {  	[hbm4b:s0+s2] =	stream.linear.scatter [tilespmem:s2], [sflag:$0x1], $0x1800, $0x38;
	[tilespmem:$0x1800] =	vst v63  }
0x11a: {  	_ =	swait.ge [sflag:s4], $0x1800  }
0x11b: {  	s0 =	sld [smem:$0x7F0]  }
0x11c: {  	[sflag:s4] =	ssyncset.done $0x0  }
0x11d: {  	[sflag:s4] =	ssyncadd.s32 $0xFFFFE800  }
0x11e: {  	[tilespmem:s2], [sflag:$0x1] =	stream.linear.gather [hbm4b:s0+s2], $0x1800, $0x38;
	[tilespmem:$0x1800] =	vst v63  }
0x11f: {  	_ =	swait.ge [sflag:s4], $0x1800  }
0x120: {  	s0 =	sld [smem:$0x7F1]  }
0x121: {  	[sflag:s4] =	ssyncset.done $0x0  }
0x122: {  	[sflag:s4] =	ssyncadd.s32 $0xFFFFE800  }
0x123: {  	[hbm4b:s0+s2] =	stream.linear.scatter [tilespmem:s2], [sflag:$0x1], $0x1800, $0x38;
	[tilespmem:$0x1800] =	vst v63  }
0x124: {  	_ =	swait.ge [sflag:s4], $0x1800  }
0x125: {  	s0 =	sld [smem:$0x7F2]  }
0x126: {  	[sflag:s4] =	ssyncset.done $0x0  }
0x127: {  	[sflag:s4] =	ssyncadd.s32 $0xFFFFE800  }
0x128: {  	[tilespmem:s2], [sflag:$0x1] =	stream.linear.gather [hbm4b:s0+s2], $0x1800, $0x38;
	[tilespmem:$0x1800] =	vst v63  }
0x129: {  	_ =	swait.ge [sflag:s4], $0x1800  }
0x12a: {  	s0 =	sld [smem:$0x7F3]  }
0x12b: {  	[sflag:s4] =	ssyncset.done $0x0  }
0x12c: {  	[sflag:s4] =	ssyncadd.s32 $0xFFFFE800  }
0x12d: {  	[hbm4b:s0+s2] =	stream.linear.scatter [tilespmem:s2], [sflag:$0x1], $0x1800, $0x38;
	[tilespmem:$0x1800] =	vst v63  }
0x12e: {  	_ =	swait.ge [sflag:s4], $0x1800  }
0x12f: {  	s0 =	sld [smem:$0x7F4]  }
0x130: {  	[sflag:s4] =	ssyncset.done $0x0  }
0x131: {  	[sflag:s4] =	ssyncadd.s32 $0xFFFFE800  }
0x132: {  	[tilespmem:s2], [sflag:$0x1] =	stream.linear.gather [hbm4b:s0+s2], $0x1800, $0x38;
	[tilespmem:$0x1800] =	vst v63  }
0x133: {  	_ =	swait.ge [sflag:s4], $0x1800  }
0x134: {  	s0 =	sld [smem:$0x7F5]  }
0x135: {  	[sflag:s4] =	ssyncset.done $0x0  }
0x136: {  	[sflag:s4] =	ssyncadd.s32 $0xFFFFE800  }
0x137: {  	[hbm4b:s0+s2] =	stream.linear.scatter [tilespmem:s2], [sflag:$0x1], $0x1800, $0x38;
	[tilespmem:$0x1800] =	vst v63  }
0x138: {  	_ =	swait.ge [sflag:s4], $0x1800  }
0x139: {  	s0 =	sld [smem:$0x7F6]  }
0x13a: {  	[sflag:s4] =	ssyncset.done $0x0  }
0x13b: {  	[sflag:s4] =	ssyncadd.s32 $0xFFFFE800  }
0x13c: {  	[tilespmem:s2], [sflag:$0x1] =	stream.linear.gather [hbm4b:s0+s2], $0x1800, $0x38;
	[tilespmem:$0x1800] =	vst v63  }
0x13d: {  	_ =	swait.ge [sflag:s4], $0x1800  }
0x13e: {  	s0 =	sld [smem:$0x7F7]  }
0x13f: {  	[sflag:s4] =	ssyncset.done $0x0  }
0x140: {  	[sflag:s4] =	ssyncadd.s32 $0xFFFFE800  }
0x141: {  	[hbm4b:s0+s2] =	stream.linear.scatter [tilespmem:s2], [sflag:$0x1], $0x1800, $0x38;
	[tilespmem:$0x1800] =	vst v63  }
0x142: {  	_ =	swait.ge [sflag:s4], $0x1800  }
0x143: {  	s0 =	sld [smem:$0x7F8]  }
0x144: {  	[sflag:s4] =	ssyncset.done $0x0  }
0x145: {  	[sflag:s4] =	ssyncadd.s32 $0xFFFFE800  }
0x146: {  	[tilespmem:s2], [sflag:$0x1] =	stream.linear.gather [hbm4b:s0+s2], $0x1800, $0x38;
	[tilespmem:$0x1800] =	vst v63  }
0x147: {  	_ =	swait.ge [sflag:s4], $0x1800  }
0x148: {  	s0 =	sld [smem:$0x7F9]  }
0x149: {  	[sflag:s4] =	ssyncset.done $0x0  }
0x14a: {  	[sflag:s4] =	ssyncadd.s32 $0xFFFFE800  }
0x14b: {  	[hbm4b:s0+s2] =	stream.linear.scatter [tilespmem:s2], [sflag:$0x1], $0x1800, $0x38;
	[tilespmem:$0x1800] =	vst v63  }
0x14c: {  	_ =	swait.ge [sflag:s4], $0x1800  }
0x14d: {  	s0 =	sld [smem:$0x7FA]  }
0x14e: {  	[sflag:s4] =	ssyncset.done $0x0  }
0x14f: {  	[sflag:s4] =	ssyncadd.s32 $0xFFFFE800  }
0x150: {  	[tilespmem:s2], [sflag:$0x1] =	stream.linear.gather [hbm4b:s0+s2], $0x1800, $0x38;
	[tilespmem:$0x1800] =	vst v63  }
0x151: {  	_ =	swait.ge [sflag:s4], $0x1800  }
0x152: {  	s0 =	sld [smem:$0x7FB]  }
0x153: {  	[sflag:s4] =	ssyncset.done $0x0  }
0x154: {  	[sflag:s4] =	ssyncadd.s32 $0xFFFFE800  }
0x155: {  	[hbm4b:s0+s2] =	stream.linear.scatter [tilespmem:s2], [sflag:$0x1], $0x1800, $0x38;
	[tilespmem:$0x1800] =	vst v63  }
0x156: {  	_ =	swait.ge [sflag:s4], $0x1800  }
0x157: {  	s0 =	sld [smem:$0x7FC]  }
0x158: {  	[sflag:s4] =	ssyncset.done $0x0  }
0x159: {  	[sflag:s4] =	ssyncadd.s32 $0xFFFFE800  }
0x15a: {  	[tilespmem:s2], [sflag:$0x1] =	stream.linear.gather [hbm4b:s0+s2], $0x1800, $0x38;
	[tilespmem:$0x1800] =	vst v63  }
0x15b: {  	_ =	swait.ge [sflag:s4], $0x1800  }
0x15c: {  	[sflag:s4] =	ssyncset.done $0x0  }
0x15d: {  	[sflag:s4] =	ssyncadd.s32 $0xFFFFE800  }
0x15e: {  	[hbm4b:s31+s2] =	stream.linear.scatter [tilespmem:s2], [sflag:$0x1], $0x1800, $0x38;
	[tilespmem:$0x1800] =	vst v63  }
0x15f: {  	_ =	swait.ge [sflag:s4], $0x1800  }
0x160: {  	[sflag:s4] =	ssyncset.done $0x0  }
0x161: {  	[sflag:s4] =	ssyncadd.s32 $0xFFFFE800  }
0x162: {  	[tilespmem:s2], [sflag:$0x1] =	stream.linear.gather [hbm4b:s30+s2], $0x1800, $0x38;
	[tilespmem:$0x1800] =	vst v63  }
0x163: {  	_ =	swait.ge [sflag:s4], $0x1800  }
0x164: {  	[sflag:s4] =	ssyncset.done $0x0  }
0x165: {  	[sflag:s4] =	ssyncadd.s32 $0xFFFFE800  }
0x166: {  	[hbm4b:s29+s2] =	stream.linear.scatter [tilespmem:s2], [sflag:$0x1], $0x1800, $0x38;
	[tilespmem:$0x1800] =	vst v63  }
0x167: {  	_ =	swait.ge [sflag:s4], $0x1800  }
0x168: {  	[sflag:s4] =	ssyncset.done $0x0  }
0x169: {  	[sflag:s4] =	ssyncadd.s32 $0xFFFFE800  }
0x16a: {  	[tilespmem:s2], [sflag:$0x1] =	stream.linear.gather [hbm4b:s28+s2], $0x1800, $0x38;
	[tilespmem:$0x1800] =	vst v63  }
0x16b: {  	_ =	swait.ge [sflag:s4], $0x1800  }
0x16c: {  	[sflag:s4] =	ssyncset.done $0x0  }
0x16d: {  	[sflag:s4] =	ssyncadd.s32 $0xFFFFE800  }
0x16e: {  	[hbm4b:s26+s2] =	stream.linear.scatter [tilespmem:s2], [sflag:$0x1], $0x1800, $0x38;
	[tilespmem:$0x1800] =	vst v63  }
0x16f: {  	_ =	swait.ge [sflag:s4], $0x1800  }
0x170: {  	[sflag:s4] =	ssyncset.done $0x0  }
0x171: {  	[sflag:s4] =	ssyncadd.s32 $0xFFFFE800  }
0x172: {  	[tilespmem:s2], [sflag:$0x1] =	stream.linear.gather [hbm4b:s25+s2], $0x1800, $0x38;
	[tilespmem:$0x1800] =	vst v63  }
0x173: {  	_ =	swait.ge [sflag:s4], $0x1800  }
0x174: {  	[sflag:s4] =	ssyncset.done $0x0  }
0x175: {  	[sflag:s4] =	ssyncadd.s32 $0xFFFFE800  }
0x176: {  	[hbm4b:s24+s2] =	stream.linear.scatter [tilespmem:s2], [sflag:$0x1], $0x1800, $0x38;
	[tilespmem:$0x1800] =	vst v63  }
0x177: {  	_ =	swait.ge [sflag:s4], $0x1800  }
0x178: {  	[sflag:s4] =	ssyncset.done $0x0  }
0x179: {  	[sflag:s4] =	ssyncadd.s32 $0xFFFFE800  }
0x17a: {  	[tilespmem:s2], [sflag:$0x1] =	stream.linear.gather [hbm4b:s23+s2], $0x1800, $0x38;
	[tilespmem:$0x1800] =	vst v63  }
0x17b: {  	_ =	swait.ge [sflag:s4], $0x1800  }
0x17c: {  	[sflag:s4] =	ssyncset.done $0x0  }
0x17d: {  	[sflag:s4] =	ssyncadd.s32 $0xFFFFE800  }
0x17e: {  	[hbm4b:s22+s2] =	stream.linear.scatter [tilespmem:s2], [sflag:$0x1], $0x1800, $0x38;
	[tilespmem:$0x1800] =	vst v63  }
0x17f: {  	_ =	swait.ge [sflag:s4], $0x1800  }
0x180: {  	[sflag:s4] =	ssyncset.done $0x0  }
0x181: {  	[sflag:s4] =	ssyncadd.s32 $0xFFFFE800  }
0x182: {  	[tilespmem:s2], [sflag:$0x1] =	stream.linear.gather [hbm4b:s21+s2], $0x1800, $0x38;
	[tilespmem:$0x1800] =	vst v63  }
0x183: {  	_ =	swait.ge [sflag:s4], $0x1800  }
0x184: {  	[sflag:s4] =	ssyncset.done $0x0  }
0x185: {  	[sflag:s4] =	ssyncadd.s32 $0xFFFFE800  }
0x186: {  	[hbm4b:s20+s2] =	stream.linear.scatter [tilespmem:s2], [sflag:$0x1], $0x1800, $0x38;
	[tilespmem:$0x1800] =	vst v63  }
0x187: {  	_ =	swait.ge [sflag:s4], $0x1800  }
0x188: {  	[sflag:s4] =	ssyncset.done $0x0  }
0x189: {  	[sflag:s4] =	ssyncadd.s32 $0xFFFFE800  }
0x18a: {  	[tilespmem:s2], [sflag:$0x1] =	stream.linear.gather [hbm4b:s19+s2], $0x1800, $0x38;
	[tilespmem:$0x1800] =	vst v63  }
0x18b: {  	_ =	swait.ge [sflag:s4], $0x1800  }
0x18c: {  	[sflag:s4] =	ssyncset.done $0x0  }
0x18d: {  	[sflag:s4] =	ssyncadd.s32 $0xFFFFE800  }
0x18e: {  	[hbm4b:s18+s2] =	stream.linear.scatter [tilespmem:s2], [sflag:$0x1], $0x1800, $0x38;
	[tilespmem:$0x1800] =	vst v63  }
0x18f: {  	_ =	swait.ge [sflag:s4], $0x1800  }
0x190: {  	[sflag:s4] =	ssyncset.done $0x0  }
0x191: {  	[sflag:s4] =	ssyncadd.s32 $0xFFFFE800  }
0x192: {  	[tilespmem:s2], [sflag:$0x1] =	stream.linear.gather [hbm4b:s17+s2], $0x1800, $0x38;
	[tilespmem:$0x1800] =	vst v63  }
0x193: {  	_ =	swait.ge [sflag:s4], $0x1800  }
0x194: {  	[sflag:s4] =	ssyncset.done $0x0  }
0x195: {  	[sflag:s4] =	ssyncadd.s32 $0xFFFFE800  }
0x196: {  	[hbm4b:s16+s2] =	stream.linear.scatter [tilespmem:s2], [sflag:$0x1], $0x1800, $0x38;
	[tilespmem:$0x1800] =	vst v63  }
0x197: {  	_ =	swait.ge [sflag:s4], $0x1800  }
0x198: {  	[sflag:s4] =	ssyncset.done $0x0  }
0x199: {  	[sflag:s4] =	ssyncadd.s32 $0xFFFFE800  }
0x19a: {  	[tilespmem:s2], [sflag:$0x1] =	stream.linear.gather [hbm4b:s15+s2], $0x1800, $0x38;
	[tilespmem:$0x1800] =	vst v63  }
0x19b: {  	_ =	swait.ge [sflag:s4], $0x1800  }
0x19c: {  	[sflag:s4] =	ssyncset.done $0x0  }
0x19d: {  	[sflag:s4] =	ssyncadd.s32 $0xFFFFE800  }
0x19e: {  	[hbm4b:s14+s2] =	stream.linear.scatter [tilespmem:s2], [sflag:$0x1], $0x1800, $0x38;
	[tilespmem:$0x1800] =	vst v63  }
0x19f: {  	_ =	swait.ge [sflag:s4], $0x1800  }
0x1a0: {  	[sflag:s4] =	ssyncset.done $0x0  }
0x1a1: {  	[sflag:s4] =	ssyncadd.s32 $0xFFFFE800  }
0x1a2: {  	[tilespmem:s2], [sflag:$0x1] =	stream.linear.gather [hbm4b:s13+s2], $0x1800, $0x38;
	[tilespmem:$0x1800] =	vst v63  }
0x1a3: {  	_ =	swait.ge [sflag:s4], $0x1800  }
0x1a4: {  	[sflag:s4] =	ssyncset.done $0x0  }
0x1a5: {  	[sflag:s4] =	ssyncadd.s32 $0xFFFFE800  }
0x1a6: {  	[hbm4b:s12+s2] =	stream.linear.scatter [tilespmem:s2], [sflag:$0x1], $0x1800, $0x38;
	[tilespmem:$0x1800] =	vst v63  }
0x1a7: {  	_ =	swait.ge [sflag:s4], $0x1800  }
0x1a8: {  	[sflag:s4] =	ssyncset.done $0x0  }
0x1a9: {  	[sflag:s4] =	ssyncadd.s32 $0xFFFFE800  }
0x1aa: {  	[tilespmem:s2], [sflag:$0x1] =	stream.linear.gather [hbm4b:s11+s2], $0x1800, $0x38;
	[tilespmem:$0x1800] =	vst v63  }
0x1ab: {  	_ =	swait.ge [sflag:s4], $0x1800  }
0x1ac: {  	[sflag:s4] =	ssyncset.done $0x0  }
0x1ad: {  	[sflag:s4] =	ssyncadd.s32 $0xFFFFE800  }
0x1ae: {  	[hbm4b:s10+s2] =	stream.linear.scatter [tilespmem:s2], [sflag:$0x1], $0x1800, $0x38;
	[tilespmem:$0x1800] =	vst v63  }
0x1af: {  	_ =	swait.ge [sflag:s4], $0x1800  }
0x1b0: {  	[sflag:s4] =	ssyncset.done $0x0  }
0x1b1: {  	[sflag:s4] =	ssyncadd.s32 $0xFFFFE800  }
0x1b2: {  	[tilespmem:s2], [sflag:$0x1] =	stream.linear.gather [hbm4b:s9+s2], $0x1800, $0x38;
	[tilespmem:$0x1800] =	vst v63  }
0x1b3: {  	_ =	swait.ge [sflag:s4], $0x1800  }
0x1b4: {  	[sflag:s4] =	ssyncset.done $0x0  }
0x1b5: {  	[sflag:s4] =	ssyncadd.s32 $0xFFFFE800  }
0x1b6: {  	[hbm4b:s8+s2] =	stream.linear.scatter [tilespmem:s2], [sflag:$0x1], $0x1800, $0x38;
	[tilespmem:$0x1800] =	vst v63  }
0x1b7: {  	_ =	swait.ge [sflag:s4], $0x1800  }
0x1b8: {  	[sflag:s4] =	ssyncset.done $0x0  }
0x1b9: {  	[sflag:s4] =	ssyncadd.s32 $0xFFFFE800  }
0x1ba: {  	[tilespmem:s2], [sflag:$0x1] =	stream.linear.gather [hbm4b:s7+s2], $0x1800, $0x38;
	[tilespmem:$0x1800] =	vst v63  }
0x1bb: {  	_ =	swait.ge [sflag:s4], $0x1800  }
0x1bc: {  	[sflag:s4] =	ssyncset.done $0x0  }
0x1bd: {  	[sflag:s4] =	ssyncadd.s32 $0xFFFFE800  }
0x1be: {  	[hbm4b:s6+s2] =	stream.linear.scatter [tilespmem:s2], [sflag:$0x1], $0x1800, $0x38;
	[tilespmem:$0x1800] =	vst v63  }
0x1bf: {  	_ =	swait.ge [sflag:s4], $0x1800  }
0x1c0: {  	[sflag:s4] =	ssyncset.done $0x0  }
0x1c1: {  	[sflag:s4] =	ssyncadd.s32 $0xFFFFE800  }
0x1c2: {  	[tilespmem:s2], [sflag:$0x1] =	stream.linear.gather [hbm4b:s5+s2], $0x1800, $0x38;
	[tilespmem:$0x1800] =	vst v63  }
0x1c3: {  	p1 =	sne.s32 s1, $0x1;
	_ =	swait.ge [sflag:s4], $0x1800  }
.Ltmp1:
0x1c4: {  	[sflag:s4] =	ssyncset.done $0x0;
	(pc) =	sbr.rel @!p1 .LBB2_3-.Ltmp1, $4  }
0x1c5: {  	[sflag:s4] =	ssyncadd.s32 $0xFFFFE800  }
0x1c6: {  	[hbm4b:s3+s2] =	stream.linear.scatter [tilespmem:s2], [sflag:$0x1], $0x1800, $0x38;
	[tilespmem:$0x1800] =	vst v63  }
0x1c7: {  	s1 =	sadd.s32 $0xFFFFFFFF, s1;
	_ =	swait.ge [sflag:s4], $0x1800  }
0x1c8: {  	p0 =	por $0x1, $0x1;
	s0 =	rddreg [dreg:$0x3];
	[sflag:s4] =	ssyncset.done $0x0  }
.LBB2_2:
0x1c9: {  	[sflag:s4] =	ssyncadd.s32 $0xFFFFE800  }
0x1ca: {  	[tilespmem:s2], [sflag:$0x1] =	stream.linear.gather [hbm4b:s0+s2], $0x1800, $0x38;
	[tilespmem:$0x1800] =	vst v63  }
0x1cb: {  	_ =	swait.ge [sflag:s4], $0x1800  }
0x1cc: {  	[sflag:s4] =	ssyncset.done $0x0  }
0x1cd: {  	s0 =	rddreg [dreg:$0x4];
	[sflag:s4] =	ssyncadd.s32 $0xFFFFE800  }
0x1ce: {  	[hbm4b:s0+s2] =	stream.linear.scatter [tilespmem:s2], [sflag:$0x1], $0x1800, $0x38;
	[tilespmem:$0x1800] =	vst v63  }
0x1cf: {  	_ =	swait.ge [sflag:s4], $0x1800  }
0x1d0: {  	[sflag:s4] =	ssyncset.done $0x0  }
0x1d1: {  	s0 =	rddreg [dreg:$0x5];
	[sflag:s4] =	ssyncadd.s32 $0xFFFFE800  }
0x1d2: {  	[tilespmem:s2], [sflag:$0x1] =	stream.linear.gather [hbm4b:s0+s2], $0x1800, $0x38;
	[tilespmem:$0x1800] =	vst v63  }
0x1d3: {  	_ =	swait.ge [sflag:s4], $0x1800  }
0x1d4: {  	[sflag:s4] =	ssyncset.done $0x0  }
0x1d5: {  	s0 =	rddreg [dreg:$0x6];
	[sflag:s4] =	ssyncadd.s32 $0xFFFFE800  }
0x1d6: {  	[hbm4b:s0+s2] =	stream.linear.scatter [tilespmem:s2], [sflag:$0x1], $0x1800, $0x38;
	[tilespmem:$0x1800] =	vst v63  }
0x1d7: {  	_ =	swait.ge [sflag:s4], $0x1800  }
0x1d8: {  	[sflag:s4] =	ssyncset.done $0x0  }
0x1d9: {  	s0 =	rddreg [dreg:$0x7];
	[sflag:s4] =	ssyncadd.s32 $0xFFFFE800  }
0x1da: {  	[tilespmem:s2], [sflag:$0x1] =	stream.linear.gather [hbm4b:s0+s2], $0x1800, $0x38;
	[tilespmem:$0x1800] =	vst v63  }
0x1db: {  	_ =	swait.ge [sflag:s4], $0x1800  }
0x1dc: {  	[sflag:s4] =	ssyncset.done $0x0  }
0x1dd: {  	s0 =	rddreg [dreg:$0x8];
	[sflag:s4] =	ssyncadd.s32 $0xFFFFE800  }
0x1de: {  	[hbm4b:s0+s2] =	stream.linear.scatter [tilespmem:s2], [sflag:$0x1], $0x1800, $0x38;
	[tilespmem:$0x1800] =	vst v63  }
0x1df: {  	_ =	swait.ge [sflag:s4], $0x1800  }
0x1e0: {  	[sflag:s4] =	ssyncset.done $0x0  }
0x1e1: {  	s0 =	rddreg [dreg:$0x9];
	[sflag:s4] =	ssyncadd.s32 $0xFFFFE800  }
0x1e2: {  	[tilespmem:s2], [sflag:$0x1] =	stream.linear.gather [hbm4b:s0+s2], $0x1800, $0x38;
	[tilespmem:$0x1800] =	vst v63  }
0x1e3: {  	_ =	swait.ge [sflag:s4], $0x1800  }
0x1e4: {  	[sflag:s4] =	ssyncset.done $0x0  }
0x1e5: {  	s0 =	rddreg [dreg:$0xa];
	[sflag:s4] =	ssyncadd.s32 $0xFFFFE800  }
0x1e6: {  	[hbm4b:s0+s2] =	stream.linear.scatter [tilespmem:s2], [sflag:$0x1], $0x1800, $0x38;
	[tilespmem:$0x1800] =	vst v63  }
0x1e7: {  	_ =	swait.ge [sflag:s4], $0x1800  }
0x1e8: {  	[sflag:s4] =	ssyncset.done $0x0  }
0x1e9: {  	s0 =	rddreg [dreg:$0xb];
	[sflag:s4] =	ssyncadd.s32 $0xFFFFE800  }
0x1ea: {  	[tilespmem:s2], [sflag:$0x1] =	stream.linear.gather [hbm4b:s0+s2], $0x1800, $0x38;
	[tilespmem:$0x1800] =	vst v63  }
0x1eb: {  	_ =	swait.ge [sflag:s4], $0x1800  }
0x1ec: {  	[sflag:s4] =	ssyncset.done $0x0  }
0x1ed: {  	s0 =	rddreg [dreg:$0xc];
	[sflag:s4] =	ssyncadd.s32 $0xFFFFE800  }
0x1ee: {  	[hbm4b:s0+s2] =	stream.linear.scatter [tilespmem:s2], [sflag:$0x1], $0x1800, $0x38;
	[tilespmem:$0x1800] =	vst v63  }
0x1ef: {  	_ =	swait.ge [sflag:s4], $0x1800  }
0x1f0: {  	[sflag:s4] =	ssyncset.done $0x0  }
0x1f1: {  	s0 =	rddreg [dreg:$0xd];
	[sflag:s4] =	ssyncadd.s32 $0xFFFFE800  }
0x1f2: {  	[tilespmem:s2], [sflag:$0x1] =	stream.linear.gather [hbm4b:s0+s2], $0x1800, $0x38;
	[tilespmem:$0x1800] =	vst v63  }
0x1f3: {  	_ =	swait.ge [sflag:s4], $0x1800  }
0x1f4: {  	[sflag:s4] =	ssyncset.done $0x0  }
0x1f5: {  	s0 =	rddreg [dreg:$0xe];
	[sflag:s4] =	ssyncadd.s32 $0xFFFFE800  }
0x1f6: {  	[hbm4b:s0+s2] =	stream.linear.scatter [tilespmem:s2], [sflag:$0x1], $0x1800, $0x38;
	[tilespmem:$0x1800] =	vst v63  }
0x1f7: {  	_ =	swait.ge [sflag:s4], $0x1800  }
0x1f8: {  	[sflag:s4] =	ssyncset.done $0x0  }
0x1f9: {  	s0 =	rddreg [dreg:$0xf];
	[sflag:s4] =	ssyncadd.s32 $0xFFFFE800  }
0x1fa: {  	[tilespmem:s2], [sflag:$0x1] =	stream.linear.gather [hbm4b:s0+s2], $0x1800, $0x38;
	[tilespmem:$0x1800] =	vst v63  }
0x1fb: {  	_ =	swait.ge [sflag:s4], $0x1800  }
0x1fc: {  	[sflag:s4] =	ssyncset.done $0x0  }
0x1fd: {  	s0 =	rddreg [dreg:$0x10];
	[sflag:s4] =	ssyncadd.s32 $0xFFFFE800  }
0x1fe: {  	[hbm4b:s0+s2] =	stream.linear.scatter [tilespmem:s2], [sflag:$0x1], $0x1800, $0x38;
	[tilespmem:$0x1800] =	vst v63  }
0x1ff: {  	_ =	swait.ge [sflag:s4], $0x1800  }
0x200: {  	[sflag:s4] =	ssyncset.done $0x0  }
0x201: {  	s0 =	rddreg [dreg:$0x11];
	[sflag:s4] =	ssyncadd.s32 $0xFFFFE800  }
0x202: {  	[tilespmem:s2], [sflag:$0x1] =	stream.linear.gather [hbm4b:s0+s2], $0x1800, $0x38;
	[tilespmem:$0x1800] =	vst v63  }
0x203: {  	_ =	swait.ge [sflag:s4], $0x1800  }
0x204: {  	[sflag:s4] =	ssyncset.done $0x0  }
0x205: {  	s0 =	rddreg [dreg:$0x12];
	[sflag:s4] =	ssyncadd.s32 $0xFFFFE800  }
0x206: {  	[hbm4b:s0+s2] =	stream.linear.scatter [tilespmem:s2], [sflag:$0x1], $0x1800, $0x38;
	[tilespmem:$0x1800] =	vst v63  }
0x207: {  	_ =	swait.ge [sflag:s4], $0x1800  }
0x208: {  	[sflag:s4] =	ssyncset.done $0x0  }
0x209: {  	s0 =	rddreg [dreg:$0x13];
	[sflag:s4] =	ssyncadd.s32 $0xFFFFE800  }
0x20a: {  	[tilespmem:s2], [sflag:$0x1] =	stream.linear.gather [hbm4b:s0+s2], $0x1800, $0x38;
	[tilespmem:$0x1800] =	vst v63  }
0x20b: {  	_ =	swait.ge [sflag:s4], $0x1800  }
0x20c: {  	[sflag:s4] =	ssyncset.done $0x0  }
0x20d: {  	s0 =	rddreg [dreg:$0x14];
	[sflag:s4] =	ssyncadd.s32 $0xFFFFE800  }
0x20e: {  	[hbm4b:s0+s2] =	stream.linear.scatter [tilespmem:s2], [sflag:$0x1], $0x1800, $0x38;
	[tilespmem:$0x1800] =	vst v63  }
0x20f: {  	_ =	swait.ge [sflag:s4], $0x1800  }
0x210: {  	[sflag:s4] =	ssyncset.done $0x0  }
0x211: {  	s0 =	rddreg [dreg:$0x15];
	[sflag:s4] =	ssyncadd.s32 $0xFFFFE800  }
0x212: {  	[tilespmem:s2], [sflag:$0x1] =	stream.linear.gather [hbm4b:s0+s2], $0x1800, $0x38;
	[tilespmem:$0x1800] =	vst v63  }
0x213: {  	_ =	swait.ge [sflag:s4], $0x1800  }
0x214: {  	[sflag:s4] =	ssyncset.done $0x0  }
0x215: {  	s0 =	rddreg [dreg:$0x16];
	[sflag:s4] =	ssyncadd.s32 $0xFFFFE800  }
0x216: {  	[hbm4b:s0+s2] =	stream.linear.scatter [tilespmem:s2], [sflag:$0x1], $0x1800, $0x38;
	[tilespmem:$0x1800] =	vst v63  }
0x217: {  	_ =	swait.ge [sflag:s4], $0x1800  }
0x218: {  	[sflag:s4] =	ssyncset.done $0x0  }
0x219: {  	s0 =	rddreg [dreg:$0x17];
	[sflag:s4] =	ssyncadd.s32 $0xFFFFE800  }
0x21a: {  	[tilespmem:s2], [sflag:$0x1] =	stream.linear.gather [hbm4b:s0+s2], $0x1800, $0x38;
	[tilespmem:$0x1800] =	vst v63  }
0x21b: {  	_ =	swait.ge [sflag:s4], $0x1800  }
0x21c: {  	[sflag:s4] =	ssyncset.done $0x0  }
0x21d: {  	s0 =	rddreg [dreg:$0x18];
	[sflag:s4] =	ssyncadd.s32 $0xFFFFE800  }
0x21e: {  	[hbm4b:s0+s2] =	stream.linear.scatter [tilespmem:s2], [sflag:$0x1], $0x1800, $0x38;
	[tilespmem:$0x1800] =	vst v63  }
0x21f: {  	_ =	swait.ge [sflag:s4], $0x1800  }
0x220: {  	[sflag:s4] =	ssyncset.done $0x0  }
0x221: {  	s0 =	rddreg [dreg:$0x19];
	[sflag:s4] =	ssyncadd.s32 $0xFFFFE800  }
0x222: {  	[tilespmem:s2], [sflag:$0x1] =	stream.linear.gather [hbm4b:s0+s2], $0x1800, $0x38;
	[tilespmem:$0x1800] =	vst v63  }
0x223: {  	_ =	swait.ge [sflag:s4], $0x1800  }
0x224: {  	[sflag:s4] =	ssyncset.done $0x0  }
0x225: {  	s0 =	rddreg [dreg:$0x1a];
	[sflag:s4] =	ssyncadd.s32 $0xFFFFE800  }
0x226: {  	[hbm4b:s0+s2] =	stream.linear.scatter [tilespmem:s2], [sflag:$0x1], $0x1800, $0x38;
	[tilespmem:$0x1800] =	vst v63  }
0x227: {  	_ =	swait.ge [sflag:s4], $0x1800  }
0x228: {  	[sflag:s4] =	ssyncset.done $0x0  }
0x229: {  	s0 =	rddreg [dreg:$0x1b];
	[sflag:s4] =	ssyncadd.s32 $0xFFFFE800  }
0x22a: {  	[tilespmem:s2], [sflag:$0x1] =	stream.linear.gather [hbm4b:s0+s2], $0x1800, $0x38;
	[tilespmem:$0x1800] =	vst v63  }
0x22b: {  	_ =	swait.ge [sflag:s4], $0x1800  }
0x22c: {  	[sflag:s4] =	ssyncset.done $0x0  }
0x22d: {  	s0 =	rddreg [dreg:$0x1c];
	[sflag:s4] =	ssyncadd.s32 $0xFFFFE800  }
0x22e: {  	[hbm4b:s0+s2] =	stream.linear.scatter [tilespmem:s2], [sflag:$0x1], $0x1800, $0x38;
	[tilespmem:$0x1800] =	vst v63  }
0x22f: {  	_ =	swait.ge [sflag:s4], $0x1800  }
0x230: {  	[sflag:s4] =	ssyncset.done $0x0  }
0x231: {  	s0 =	rddreg [dreg:$0x1d];
	[sflag:s4] =	ssyncadd.s32 $0xFFFFE800  }
0x232: {  	[tilespmem:s2], [sflag:$0x1] =	stream.linear.gather [hbm4b:s0+s2], $0x1800, $0x38;
	[tilespmem:$0x1800] =	vst v63  }
0x233: {  	_ =	swait.ge [sflag:s4], $0x1800  }
0x234: {  	[sflag:s4] =	ssyncset.done $0x0  }
0x235: {  	s0 =	rddreg [dreg:$0x1e];
	[sflag:s4] =	ssyncadd.s32 $0xFFFFE800  }
0x236: {  	[hbm4b:s0+s2] =	stream.linear.scatter [tilespmem:s2], [sflag:$0x1], $0x1800, $0x38;
	[tilespmem:$0x1800] =	vst v63  }
0x237: {  	_ =	swait.ge [sflag:s4], $0x1800  }
0x238: {  	[sflag:s4] =	ssyncset.done $0x0  }
0x239: {  	s0 =	rddreg [dreg:$0x1f];
	[sflag:s4] =	ssyncadd.s32 $0xFFFFE800  }
0x23a: {  	[tilespmem:s2], [sflag:$0x1] =	stream.linear.gather [hbm4b:s0+s2], $0x1800, $0x38;
	[tilespmem:$0x1800] =	vst v63  }
0x23b: {  	_ =	swait.ge [sflag:s4], $0x1800  }
0x23c: {  	s0 =	sld [smem:$0x7DF]  }
0x23d: {  	[sflag:s4] =	ssyncset.done $0x0  }
0x23e: {  	[sflag:s4] =	ssyncadd.s32 $0xFFFFE800  }
0x23f: {  	[hbm4b:s0+s2] =	stream.linear.scatter [tilespmem:s2], [sflag:$0x1], $0x1800, $0x38;
	[tilespmem:$0x1800] =	vst v63  }
0x240: {  	_ =	swait.ge [sflag:s4], $0x1800  }
0x241: {  	s0 =	sld [smem:$0x7E0]  }
0x242: {  	[sflag:s4] =	ssyncset.done $0x0  }
0x243: {  	[sflag:s4] =	ssyncadd.s32 $0xFFFFE800  }
0x244: {  	[tilespmem:s2], [sflag:$0x1] =	stream.linear.gather [hbm4b:s0+s2], $0x1800, $0x38;
	[tilespmem:$0x1800] =	vst v63  }
0x245: {  	_ =	swait.ge [sflag:s4], $0x1800  }
0x246: {  	s0 =	sld [smem:$0x7E1]  }
0x247: {  	[sflag:s4] =	ssyncset.done $0x0  }
0x248: {  	[sflag:s4] =	ssyncadd.s32 $0xFFFFE800  }
0x249: {  	[hbm4b:s0+s2] =	stream.linear.scatter [tilespmem:s2], [sflag:$0x1], $0x1800, $0x38;
	[tilespmem:$0x1800] =	vst v63  }
0x24a: {  	_ =	swait.ge [sflag:s4], $0x1800  }
0x24b: {  	s0 =	sld [smem:$0x7E2]  }
0x24c: {  	[sflag:s4] =	ssyncset.done $0x0  }
0x24d: {  	[sflag:s4] =	ssyncadd.s32 $0xFFFFE800  }
0x24e: {  	[tilespmem:s2], [sflag:$0x1] =	stream.linear.gather [hbm4b:s0+s2], $0x1800, $0x38;
	[tilespmem:$0x1800] =	vst v63  }
0x24f: {  	_ =	swait.ge [sflag:s4], $0x1800  }
0x250: {  	s0 =	sld [smem:$0x7E3]  }
0x251: {  	[sflag:s4] =	ssyncset.done $0x0  }
0x252: {  	[sflag:s4] =	ssyncadd.s32 $0xFFFFE800  }
0x253: {  	[hbm4b:s0+s2] =	stream.linear.scatter [tilespmem:s2], [sflag:$0x1], $0x1800, $0x38;
	[tilespmem:$0x1800] =	vst v63  }
0x254: {  	_ =	swait.ge [sflag:s4], $0x1800  }
0x255: {  	s0 =	sld [smem:$0x7E4]  }
0x256: {  	[sflag:s4] =	ssyncset.done $0x0  }
0x257: {  	[sflag:s4] =	ssyncadd.s32 $0xFFFFE800  }
0x258: {  	[tilespmem:s2], [sflag:$0x1] =	stream.linear.gather [hbm4b:s0+s2], $0x1800, $0x38;
	[tilespmem:$0x1800] =	vst v63  }
0x259: {  	_ =	swait.ge [sflag:s4], $0x1800  }
0x25a: {  	s0 =	sld [smem:$0x7E5]  }
0x25b: {  	[sflag:s4] =	ssyncset.done $0x0  }
0x25c: {  	[sflag:s4] =	ssyncadd.s32 $0xFFFFE800  }
0x25d: {  	[hbm4b:s0+s2] =	stream.linear.scatter [tilespmem:s2], [sflag:$0x1], $0x1800, $0x38;
	[tilespmem:$0x1800] =	vst v63  }
0x25e: {  	_ =	swait.ge [sflag:s4], $0x1800  }
0x25f: {  	s0 =	sld [smem:$0x7E6]  }
0x260: {  	[sflag:s4] =	ssyncset.done $0x0  }
0x261: {  	[sflag:s4] =	ssyncadd.s32 $0xFFFFE800  }
0x262: {  	[tilespmem:s2], [sflag:$0x1] =	stream.linear.gather [hbm4b:s0+s2], $0x1800, $0x38;
	[tilespmem:$0x1800] =	vst v63  }
0x263: {  	_ =	swait.ge [sflag:s4], $0x1800  }
0x264: {  	s0 =	sld [smem:$0x7E7]  }
0x265: {  	[sflag:s4] =	ssyncset.done $0x0  }
0x266: {  	[sflag:s4] =	ssyncadd.s32 $0xFFFFE800  }
0x267: {  	[hbm4b:s0+s2] =	stream.linear.scatter [tilespmem:s2], [sflag:$0x1], $0x1800, $0x38;
	[tilespmem:$0x1800] =	vst v63  }
0x268: {  	_ =	swait.ge [sflag:s4], $0x1800  }
0x269: {  	s0 =	sld [smem:$0x7E8]  }
0x26a: {  	[sflag:s4] =	ssyncset.done $0x0  }
0x26b: {  	[sflag:s4] =	ssyncadd.s32 $0xFFFFE800  }
0x26c: {  	[tilespmem:s2], [sflag:$0x1] =	stream.linear.gather [hbm4b:s0+s2], $0x1800, $0x38;
	[tilespmem:$0x1800] =	vst v63  }
0x26d: {  	_ =	swait.ge [sflag:s4], $0x1800  }
0x26e: {  	s0 =	sld [smem:$0x7E9]  }
0x26f: {  	[sflag:s4] =	ssyncset.done $0x0  }
0x270: {  	[sflag:s4] =	ssyncadd.s32 $0xFFFFE800  }
0x271: {  	[hbm4b:s0+s2] =	stream.linear.scatter [tilespmem:s2], [sflag:$0x1], $0x1800, $0x38;
	[tilespmem:$0x1800] =	vst v63  }
0x272: {  	_ =	swait.ge [sflag:s4], $0x1800  }
0x273: {  	s0 =	sld [smem:$0x7EA]  }
0x274: {  	[sflag:s4] =	ssyncset.done $0x0  }
0x275: {  	[sflag:s4] =	ssyncadd.s32 $0xFFFFE800  }
0x276: {  	[tilespmem:s2], [sflag:$0x1] =	stream.linear.gather [hbm4b:s0+s2], $0x1800, $0x38;
	[tilespmem:$0x1800] =	vst v63  }
0x277: {  	_ =	swait.ge [sflag:s4], $0x1800  }
0x278: {  	s0 =	sld [smem:$0x7EB]  }
0x279: {  	[sflag:s4] =	ssyncset.done $0x0  }
0x27a: {  	[sflag:s4] =	ssyncadd.s32 $0xFFFFE800  }
0x27b: {  	[hbm4b:s0+s2] =	stream.linear.scatter [tilespmem:s2], [sflag:$0x1], $0x1800, $0x38;
	[tilespmem:$0x1800] =	vst v63  }
0x27c: {  	_ =	swait.ge [sflag:s4], $0x1800  }
0x27d: {  	s0 =	sld [smem:$0x7EC]  }
0x27e: {  	[sflag:s4] =	ssyncset.done $0x0  }
0x27f: {  	[sflag:s4] =	ssyncadd.s32 $0xFFFFE800  }
0x280: {  	[tilespmem:s2], [sflag:$0x1] =	stream.linear.gather [hbm4b:s0+s2], $0x1800, $0x38;
	[tilespmem:$0x1800] =	vst v63  }
0x281: {  	_ =	swait.ge [sflag:s4], $0x1800  }
0x282: {  	s0 =	sld [smem:$0x7ED]  }
0x283: {  	[sflag:s4] =	ssyncset.done $0x0  }
0x284: {  	[sflag:s4] =	ssyncadd.s32 $0xFFFFE800  }
0x285: {  	[hbm4b:s0+s2] =	stream.linear.scatter [tilespmem:s2], [sflag:$0x1], $0x1800, $0x38;
	[tilespmem:$0x1800] =	vst v63  }
0x286: {  	_ =	swait.ge [sflag:s4], $0x1800  }
0x287: {  	s0 =	sld [smem:$0x7EE]  }
0x288: {  	[sflag:s4] =	ssyncset.done $0x0  }
0x289: {  	[sflag:s4] =	ssyncadd.s32 $0xFFFFE800  }
0x28a: {  	[tilespmem:s2], [sflag:$0x1] =	stream.linear.gather [hbm4b:s0+s2], $0x1800, $0x38;
	[tilespmem:$0x1800] =	vst v63  }
0x28b: {  	_ =	swait.ge [sflag:s4], $0x1800  }
0x28c: {  	s0 =	sld [smem:$0x7EF]  }
0x28d: {  	[sflag:s4] =	ssyncset.done $0x0  }
0x28e: {  	[sflag:s4] =	ssyncadd.s32 $0xFFFFE800  }
0x28f: {  	[hbm4b:s0+s2] =	stream.linear.scatter [tilespmem:s2], [sflag:$0x1], $0x1800, $0x38;
	[tilespmem:$0x1800] =	vst v63  }
0x290: {  	_ =	swait.ge [sflag:s4], $0x1800  }
0x291: {  	s0 =	sld [smem:$0x7F0]  }
0x292: {  	[sflag:s4] =	ssyncset.done $0x0  }
0x293: {  	[sflag:s4] =	ssyncadd.s32 $0xFFFFE800  }
0x294: {  	[tilespmem:s2], [sflag:$0x1] =	stream.linear.gather [hbm4b:s0+s2], $0x1800, $0x38;
	[tilespmem:$0x1800] =	vst v63  }
0x295: {  	_ =	swait.ge [sflag:s4], $0x1800  }
0x296: {  	s0 =	sld [smem:$0x7F1]  }
0x297: {  	[sflag:s4] =	ssyncset.done $0x0  }
0x298: {  	[sflag:s4] =	ssyncadd.s32 $0xFFFFE800  }
0x299: {  	[hbm4b:s0+s2] =	stream.linear.scatter [tilespmem:s2], [sflag:$0x1], $0x1800, $0x38;
	[tilespmem:$0x1800] =	vst v63  }
0x29a: {  	_ =	swait.ge [sflag:s4], $0x1800  }
0x29b: {  	s0 =	sld [smem:$0x7F2]  }
0x29c: {  	[sflag:s4] =	ssyncset.done $0x0  }
0x29d: {  	[sflag:s4] =	ssyncadd.s32 $0xFFFFE800  }
0x29e: {  	[tilespmem:s2], [sflag:$0x1] =	stream.linear.gather [hbm4b:s0+s2], $0x1800, $0x38;
	[tilespmem:$0x1800] =	vst v63  }
0x29f: {  	_ =	swait.ge [sflag:s4], $0x1800  }
0x2a0: {  	s0 =	sld [smem:$0x7F3]  }
0x2a1: {  	[sflag:s4] =	ssyncset.done $0x0  }
0x2a2: {  	[sflag:s4] =	ssyncadd.s32 $0xFFFFE800  }
0x2a3: {  	[hbm4b:s0+s2] =	stream.linear.scatter [tilespmem:s2], [sflag:$0x1], $0x1800, $0x38;
	[tilespmem:$0x1800] =	vst v63  }
0x2a4: {  	_ =	swait.ge [sflag:s4], $0x1800  }
0x2a5: {  	s0 =	sld [smem:$0x7F4]  }
0x2a6: {  	[sflag:s4] =	ssyncset.done $0x0  }
0x2a7: {  	[sflag:s4] =	ssyncadd.s32 $0xFFFFE800  }
0x2a8: {  	[tilespmem:s2], [sflag:$0x1] =	stream.linear.gather [hbm4b:s0+s2], $0x1800, $0x38;
	[tilespmem:$0x1800] =	vst v63  }
0x2a9: {  	_ =	swait.ge [sflag:s4], $0x1800  }
0x2aa: {  	s0 =	sld [smem:$0x7F5]  }
0x2ab: {  	[sflag:s4] =	ssyncset.done $0x0  }
0x2ac: {  	[sflag:s4] =	ssyncadd.s32 $0xFFFFE800  }
0x2ad: {  	[hbm4b:s0+s2] =	stream.linear.scatter [tilespmem:s2], [sflag:$0x1], $0x1800, $0x38;
	[tilespmem:$0x1800] =	vst v63  }
0x2ae: {  	_ =	swait.ge [sflag:s4], $0x1800  }
0x2af: {  	s0 =	sld [smem:$0x7F6]  }
0x2b0: {  	[sflag:s4] =	ssyncset.done $0x0  }
0x2b1: {  	[sflag:s4] =	ssyncadd.s32 $0xFFFFE800  }
0x2b2: {  	[tilespmem:s2], [sflag:$0x1] =	stream.linear.gather [hbm4b:s0+s2], $0x1800, $0x38;
	[tilespmem:$0x1800] =	vst v63  }
0x2b3: {  	_ =	swait.ge [sflag:s4], $0x1800  }
0x2b4: {  	s0 =	sld [smem:$0x7F7]  }
0x2b5: {  	[sflag:s4] =	ssyncset.done $0x0  }
0x2b6: {  	[sflag:s4] =	ssyncadd.s32 $0xFFFFE800  }
0x2b7: {  	[hbm4b:s0+s2] =	stream.linear.scatter [tilespmem:s2], [sflag:$0x1], $0x1800, $0x38;
	[tilespmem:$0x1800] =	vst v63  }
0x2b8: {  	_ =	swait.ge [sflag:s4], $0x1800  }
0x2b9: {  	s0 =	sld [smem:$0x7F8]  }
0x2ba: {  	[sflag:s4] =	ssyncset.done $0x0  }
0x2bb: {  	[sflag:s4] =	ssyncadd.s32 $0xFFFFE800  }
0x2bc: {  	[tilespmem:s2], [sflag:$0x1] =	stream.linear.gather [hbm4b:s0+s2], $0x1800, $0x38;
	[tilespmem:$0x1800] =	vst v63  }
0x2bd: {  	_ =	swait.ge [sflag:s4], $0x1800  }
0x2be: {  	s0 =	sld [smem:$0x7F9]  }
0x2bf: {  	[sflag:s4] =	ssyncset.done $0x0  }
0x2c0: {  	[sflag:s4] =	ssyncadd.s32 $0xFFFFE800  }
0x2c1: {  	[hbm4b:s0+s2] =	stream.linear.scatter [tilespmem:s2], [sflag:$0x1], $0x1800, $0x38;
	[tilespmem:$0x1800] =	vst v63  }
0x2c2: {  	_ =	swait.ge [sflag:s4], $0x1800  }
0x2c3: {  	s0 =	sld [smem:$0x7FA]  }
0x2c4: {  	[sflag:s4] =	ssyncset.done $0x0  }
0x2c5: {  	[sflag:s4] =	ssyncadd.s32 $0xFFFFE800  }
0x2c6: {  	[tilespmem:s2], [sflag:$0x1] =	stream.linear.gather [hbm4b:s0+s2], $0x1800, $0x38;
	[tilespmem:$0x1800] =	vst v63  }
0x2c7: {  	_ =	swait.ge [sflag:s4], $0x1800  }
0x2c8: {  	s0 =	sld [smem:$0x7FB]  }
0x2c9: {  	[sflag:s4] =	ssyncset.done $0x0  }
0x2ca: {  	[sflag:s4] =	ssyncadd.s32 $0xFFFFE800  }
0x2cb: {  	[hbm4b:s0+s2] =	stream.linear.scatter [tilespmem:s2], [sflag:$0x1], $0x1800, $0x38;
	[tilespmem:$0x1800] =	vst v63  }
0x2cc: {  	_ =	swait.ge [sflag:s4], $0x1800  }
0x2cd: {  	s0 =	sld [smem:$0x7FC]  }
0x2ce: {  	[sflag:s4] =	ssyncset.done $0x0  }
0x2cf: {  	[sflag:s4] =	ssyncadd.s32 $0xFFFFE800  }
0x2d0: {  	[tilespmem:s2], [sflag:$0x1] =	stream.linear.gather [hbm4b:s0+s2], $0x1800, $0x38;
	[tilespmem:$0x1800] =	vst v63  }
0x2d1: {  	_ =	swait.ge [sflag:s4], $0x1800  }
0x2d2: {  	[sflag:s4] =	ssyncset.done $0x0  }
0x2d3: {  	[sflag:s4] =	ssyncadd.s32 $0xFFFFE800  }
0x2d4: {  	[hbm4b:s31+s2] =	stream.linear.scatter [tilespmem:s2], [sflag:$0x1], $0x1800, $0x38;
	[tilespmem:$0x1800] =	vst v63  }
0x2d5: {  	_ =	swait.ge [sflag:s4], $0x1800  }
0x2d6: {  	[sflag:s4] =	ssyncset.done $0x0  }
0x2d7: {  	[sflag:s4] =	ssyncadd.s32 $0xFFFFE800  }
0x2d8: {  	[tilespmem:s2], [sflag:$0x1] =	stream.linear.gather [hbm4b:s30+s2], $0x1800, $0x38;
	[tilespmem:$0x1800] =	vst v63  }
0x2d9: {  	_ =	swait.ge [sflag:s4], $0x1800  }
0x2da: {  	[sflag:s4] =	ssyncset.done $0x0  }
0x2db: {  	[sflag:s4] =	ssyncadd.s32 $0xFFFFE800  }
0x2dc: {  	[hbm4b:s29+s2] =	stream.linear.scatter [tilespmem:s2], [sflag:$0x1], $0x1800, $0x38;
	[tilespmem:$0x1800] =	vst v63  }
0x2dd: {  	_ =	swait.ge [sflag:s4], $0x1800  }
0x2de: {  	[sflag:s4] =	ssyncset.done $0x0  }
0x2df: {  	[sflag:s4] =	ssyncadd.s32 $0xFFFFE800  }
0x2e0: {  	[tilespmem:s2], [sflag:$0x1] =	stream.linear.gather [hbm4b:s28+s2], $0x1800, $0x38;
	[tilespmem:$0x1800] =	vst v63  }
0x2e1: {  	_ =	swait.ge [sflag:s4], $0x1800  }
0x2e2: {  	[sflag:s4] =	ssyncset.done $0x0  }
0x2e3: {  	[sflag:s4] =	ssyncadd.s32 $0xFFFFE800  }
0x2e4: {  	[hbm4b:s26+s2] =	stream.linear.scatter [tilespmem:s2], [sflag:$0x1], $0x1800, $0x38;
	[tilespmem:$0x1800] =	vst v63  }
0x2e5: {  	_ =	swait.ge [sflag:s4], $0x1800  }
0x2e6: {  	[sflag:s4] =	ssyncset.done $0x0  }
0x2e7: {  	[sflag:s4] =	ssyncadd.s32 $0xFFFFE800  }
0x2e8: {  	[tilespmem:s2], [sflag:$0x1] =	stream.linear.gather [hbm4b:s25+s2], $0x1800, $0x38;
	[tilespmem:$0x1800] =	vst v63  }
0x2e9: {  	_ =	swait.ge [sflag:s4], $0x1800  }
0x2ea: {  	[sflag:s4] =	ssyncset.done $0x0  }
0x2eb: {  	[sflag:s4] =	ssyncadd.s32 $0xFFFFE800  }
0x2ec: {  	[hbm4b:s24+s2] =	stream.linear.scatter [tilespmem:s2], [sflag:$0x1], $0x1800, $0x38;
	[tilespmem:$0x1800] =	vst v63  }
0x2ed: {  	_ =	swait.ge [sflag:s4], $0x1800  }
0x2ee: {  	[sflag:s4] =	ssyncset.done $0x0  }
0x2ef: {  	[sflag:s4] =	ssyncadd.s32 $0xFFFFE800  }
0x2f0: {  	[tilespmem:s2], [sflag:$0x1] =	stream.linear.gather [hbm4b:s23+s2], $0x1800, $0x38;
	[tilespmem:$0x1800] =	vst v63  }
0x2f1: {  	_ =	swait.ge [sflag:s4], $0x1800  }
0x2f2: {  	[sflag:s4] =	ssyncset.done $0x0  }
0x2f3: {  	[sflag:s4] =	ssyncadd.s32 $0xFFFFE800  }
0x2f4: {  	[hbm4b:s22+s2] =	stream.linear.scatter [tilespmem:s2], [sflag:$0x1], $0x1800, $0x38;
	[tilespmem:$0x1800] =	vst v63  }
0x2f5: {  	_ =	swait.ge [sflag:s4], $0x1800  }
0x2f6: {  	[sflag:s4] =	ssyncset.done $0x0  }
0x2f7: {  	[sflag:s4] =	ssyncadd.s32 $0xFFFFE800  }
0x2f8: {  	[tilespmem:s2], [sflag:$0x1] =	stream.linear.gather [hbm4b:s21+s2], $0x1800, $0x38;
	[tilespmem:$0x1800] =	vst v63  }
0x2f9: {  	_ =	swait.ge [sflag:s4], $0x1800  }
0x2fa: {  	[sflag:s4] =	ssyncset.done $0x0  }
0x2fb: {  	[sflag:s4] =	ssyncadd.s32 $0xFFFFE800  }
0x2fc: {  	[hbm4b:s20+s2] =	stream.linear.scatter [tilespmem:s2], [sflag:$0x1], $0x1800, $0x38;
	[tilespmem:$0x1800] =	vst v63  }
0x2fd: {  	_ =	swait.ge [sflag:s4], $0x1800  }
0x2fe: {  	[sflag:s4] =	ssyncset.done $0x0  }
0x2ff: {  	[sflag:s4] =	ssyncadd.s32 $0xFFFFE800  }
0x300: {  	[tilespmem:s2], [sflag:$0x1] =	stream.linear.gather [hbm4b:s19+s2], $0x1800, $0x38;
	[tilespmem:$0x1800] =	vst v63  }
0x301: {  	_ =	swait.ge [sflag:s4], $0x1800  }
0x302: {  	[sflag:s4] =	ssyncset.done $0x0  }
0x303: {  	[sflag:s4] =	ssyncadd.s32 $0xFFFFE800  }
0x304: {  	[hbm4b:s18+s2] =	stream.linear.scatter [tilespmem:s2], [sflag:$0x1], $0x1800, $0x38;
	[tilespmem:$0x1800] =	vst v63  }
0x305: {  	_ =	swait.ge [sflag:s4], $0x1800  }
0x306: {  	[sflag:s4] =	ssyncset.done $0x0  }
0x307: {  	[sflag:s4] =	ssyncadd.s32 $0xFFFFE800  }
0x308: {  	[tilespmem:s2], [sflag:$0x1] =	stream.linear.gather [hbm4b:s17+s2], $0x1800, $0x38;
	[tilespmem:$0x1800] =	vst v63  }
0x309: {  	_ =	swait.ge [sflag:s4], $0x1800  }
0x30a: {  	[sflag:s4] =	ssyncset.done $0x0  }
0x30b: {  	[sflag:s4] =	ssyncadd.s32 $0xFFFFE800  }
0x30c: {  	[hbm4b:s16+s2] =	stream.linear.scatter [tilespmem:s2], [sflag:$0x1], $0x1800, $0x38;
	[tilespmem:$0x1800] =	vst v63  }
0x30d: {  	_ =	swait.ge [sflag:s4], $0x1800  }
0x30e: {  	[sflag:s4] =	ssyncset.done $0x0  }
0x30f: {  	[sflag:s4] =	ssyncadd.s32 $0xFFFFE800  }
0x310: {  	[tilespmem:s2], [sflag:$0x1] =	stream.linear.gather [hbm4b:s15+s2], $0x1800, $0x38;
	[tilespmem:$0x1800] =	vst v63  }
0x311: {  	_ =	swait.ge [sflag:s4], $0x1800  }
0x312: {  	[sflag:s4] =	ssyncset.done $0x0  }
0x313: {  	[sflag:s4] =	ssyncadd.s32 $0xFFFFE800  }
0x314: {  	[hbm4b:s14+s2] =	stream.linear.scatter [tilespmem:s2], [sflag:$0x1], $0x1800, $0x38;
	[tilespmem:$0x1800] =	vst v63  }
0x315: {  	_ =	swait.ge [sflag:s4], $0x1800  }
0x316: {  	[sflag:s4] =	ssyncset.done $0x0  }
0x317: {  	[sflag:s4] =	ssyncadd.s32 $0xFFFFE800  }
0x318: {  	[tilespmem:s2], [sflag:$0x1] =	stream.linear.gather [hbm4b:s13+s2], $0x1800, $0x38;
	[tilespmem:$0x1800] =	vst v63  }
0x319: {  	_ =	swait.ge [sflag:s4], $0x1800  }
0x31a: {  	[sflag:s4] =	ssyncset.done $0x0  }
0x31b: {  	[sflag:s4] =	ssyncadd.s32 $0xFFFFE800  }
0x31c: {  	[hbm4b:s12+s2] =	stream.linear.scatter [tilespmem:s2], [sflag:$0x1], $0x1800, $0x38;
	[tilespmem:$0x1800] =	vst v63  }
0x31d: {  	_ =	swait.ge [sflag:s4], $0x1800  }
0x31e: {  	[sflag:s4] =	ssyncset.done $0x0  }
0x31f: {  	[sflag:s4] =	ssyncadd.s32 $0xFFFFE800  }
0x320: {  	[tilespmem:s2], [sflag:$0x1] =	stream.linear.gather [hbm4b:s11+s2], $0x1800, $0x38;
	[tilespmem:$0x1800] =	vst v63  }
0x321: {  	_ =	swait.ge [sflag:s4], $0x1800  }
0x322: {  	[sflag:s4] =	ssyncset.done $0x0  }
0x323: {  	[sflag:s4] =	ssyncadd.s32 $0xFFFFE800  }
0x324: {  	[hbm4b:s10+s2] =	stream.linear.scatter [tilespmem:s2], [sflag:$0x1], $0x1800, $0x38;
	[tilespmem:$0x1800] =	vst v63  }
0x325: {  	_ =	swait.ge [sflag:s4], $0x1800  }
0x326: {  	[sflag:s4] =	ssyncset.done $0x0  }
0x327: {  	[sflag:s4] =	ssyncadd.s32 $0xFFFFE800  }
0x328: {  	[tilespmem:s2], [sflag:$0x1] =	stream.linear.gather [hbm4b:s9+s2], $0x1800, $0x38;
	[tilespmem:$0x1800] =	vst v63  }
0x329: {  	_ =	swait.ge [sflag:s4], $0x1800  }
0x32a: {  	[sflag:s4] =	ssyncset.done $0x0  }
0x32b: {  	[sflag:s4] =	ssyncadd.s32 $0xFFFFE800  }
0x32c: {  	[hbm4b:s8+s2] =	stream.linear.scatter [tilespmem:s2], [sflag:$0x1], $0x1800, $0x38;
	[tilespmem:$0x1800] =	vst v63  }
0x32d: {  	_ =	swait.ge [sflag:s4], $0x1800  }
0x32e: {  	[sflag:s4] =	ssyncset.done $0x0  }
0x32f: {  	[sflag:s4] =	ssyncadd.s32 $0xFFFFE800  }
0x330: {  	[tilespmem:s2], [sflag:$0x1] =	stream.linear.gather [hbm4b:s7+s2], $0x1800, $0x38;
	[tilespmem:$0x1800] =	vst v63  }
0x331: {  	_ =	swait.ge [sflag:s4], $0x1800  }
0x332: {  	[sflag:s4] =	ssyncset.done $0x0  }
0x333: {  	[sflag:s4] =	ssyncadd.s32 $0xFFFFE800  }
0x334: {  	[hbm4b:s6+s2] =	stream.linear.scatter [tilespmem:s2], [sflag:$0x1], $0x1800, $0x38;
	[tilespmem:$0x1800] =	vst v63  }
0x335: {  	_ =	swait.ge [sflag:s4], $0x1800  }
0x336: {  	[sflag:s4] =	ssyncset.done $0x0  }
0x337: {  	[sflag:s4] =	ssyncadd.s32 $0xFFFFE800  }
0x338: {  	[tilespmem:s2], [sflag:$0x1] =	stream.linear.gather [hbm4b:s5+s2], $0x1800, $0x38;
	[tilespmem:$0x1800] =	vst v63  }
0x339: {  	p1 =	sne.s32 s1, $0x1;
	_ =	swait.ge [sflag:s4], $0x1800  }
.Ltmp2:
0x33a: {  	[sflag:s4] =	ssyncset.done $0x0;
	(pc) =	sbr.rel @p1 .LBB2_2-.Ltmp2, $4  }
0x33b: {  	[sflag:s4] =	ssyncadd.s32 $0xFFFFE800  }
0x33c: {  	[hbm4b:s3+s2] =	stream.linear.scatter [tilespmem:s2], [sflag:$0x1], $0x1800, $0x38;
	[tilespmem:$0x1800] =	vst v63  }
0x33d: {  	_ =	swait.ge [sflag:s4], $0x1800  }
0x33e: {  	s1 =	sadd.s32 $0xFFFFFFFF, s1;
	s0 =	rddreg [dreg:$0x3];
	[sflag:s4] =	ssyncset.done $0x0  }
.LBB2_3:
0x33f: {  	[sflag:s4] =	ssyncadd.s32 @p0 $0xFFFFE800  }
0x340: {  	[tilespmem:s2], [sflag:$0x1] =	stream.linear.gather [hbm4b:s0+s2], $0x1800, $0x38;
	[tilespmem:$0x1800] =	vst v63  }
0x341: {  	_ =	swait.ge [sflag:s4], $0x1800  }
0x342: {  	[sflag:s4] =	ssyncset.done $0x0  }
0x343: {  	s1 =	rddreg [dreg:$0x4];
	[sflag:s4] =	ssyncadd.s32 $0xFFFFE800  }
0x344: {  	[hbm4b:s1+s2] =	stream.linear.scatter [tilespmem:s2], [sflag:$0x1], $0x1800, $0x38;
	[tilespmem:$0x1800] =	vst v63  }
0x345: {  	_ =	swait.ge [sflag:s4], $0x1800  }
0x346: {  	[sflag:s4] =	ssyncset.done $0x0  }
0x347: {  	s1 =	rddreg [dreg:$0x5];
	[sflag:s4] =	ssyncadd.s32 $0xFFFFE800  }
0x348: {  	[tilespmem:s2], [sflag:$0x1] =	stream.linear.gather [hbm4b:s1+s2], $0x1800, $0x38;
	[tilespmem:$0x1800] =	vst v63  }
0x349: {  	_ =	swait.ge [sflag:s4], $0x1800  }
0x34a: {  	[sflag:s4] =	ssyncset.done $0x0  }
0x34b: {  	s1 =	rddreg [dreg:$0x6];
	[sflag:s4] =	ssyncadd.s32 $0xFFFFE800  }
0x34c: {  	[hbm4b:s1+s2] =	stream.linear.scatter [tilespmem:s2], [sflag:$0x1], $0x1800, $0x38;
	[tilespmem:$0x1800] =	vst v63  }
0x34d: {  	_ =	swait.ge [sflag:s4], $0x1800  }
0x34e: {  	[sflag:s4] =	ssyncset.done $0x0  }
0x34f: {  	s1 =	rddreg [dreg:$0x7];
	[sflag:s4] =	ssyncadd.s32 $0xFFFFE800  }
0x350: {  	[tilespmem:s2], [sflag:$0x1] =	stream.linear.gather [hbm4b:s1+s2], $0x1800, $0x38;
	[tilespmem:$0x1800] =	vst v63  }
0x351: {  	_ =	swait.ge [sflag:s4], $0x1800  }
0x352: {  	[sflag:s4] =	ssyncset.done $0x0  }
0x353: {  	s1 =	rddreg [dreg:$0x8];
	[sflag:s4] =	ssyncadd.s32 $0xFFFFE800  }
0x354: {  	[hbm4b:s1+s2] =	stream.linear.scatter [tilespmem:s2], [sflag:$0x1], $0x1800, $0x38;
	[tilespmem:$0x1800] =	vst v63  }
0x355: {  	_ =	swait.ge [sflag:s4], $0x1800  }
0x356: {  	[sflag:s4] =	ssyncset.done $0x0  }
0x357: {  	s1 =	rddreg [dreg:$0x9];
	[sflag:s4] =	ssyncadd.s32 $0xFFFFE800  }
0x358: {  	[tilespmem:s2], [sflag:$0x1] =	stream.linear.gather [hbm4b:s1+s2], $0x1800, $0x38;
	[tilespmem:$0x1800] =	vst v63  }
0x359: {  	_ =	swait.ge [sflag:s4], $0x1800  }
0x35a: {  	[sflag:s4] =	ssyncset.done $0x0  }
0x35b: {  	s1 =	rddreg [dreg:$0xa];
	[sflag:s4] =	ssyncadd.s32 $0xFFFFE800  }
0x35c: {  	[hbm4b:s1+s2] =	stream.linear.scatter [tilespmem:s2], [sflag:$0x1], $0x1800, $0x38;
	[tilespmem:$0x1800] =	vst v63  }
0x35d: {  	_ =	swait.ge [sflag:s4], $0x1800  }
0x35e: {  	[sflag:s4] =	ssyncset.done $0x0  }
0x35f: {  	s1 =	rddreg [dreg:$0xb];
	[sflag:s4] =	ssyncadd.s32 $0xFFFFE800  }
0x360: {  	[tilespmem:s2], [sflag:$0x1] =	stream.linear.gather [hbm4b:s1+s2], $0x1800, $0x38;
	[tilespmem:$0x1800] =	vst v63  }
0x361: {  	_ =	swait.ge [sflag:s4], $0x1800  }
0x362: {  	[sflag:s4] =	ssyncset.done $0x0  }
0x363: {  	s1 =	rddreg [dreg:$0xc];
	[sflag:s4] =	ssyncadd.s32 $0xFFFFE800  }
0x364: {  	[hbm4b:s1+s2] =	stream.linear.scatter [tilespmem:s2], [sflag:$0x1], $0x1800, $0x38;
	[tilespmem:$0x1800] =	vst v63  }
0x365: {  	_ =	swait.ge [sflag:s4], $0x1800  }
0x366: {  	[sflag:s4] =	ssyncset.done $0x0  }
0x367: {  	s1 =	rddreg [dreg:$0xd];
	[sflag:s4] =	ssyncadd.s32 $0xFFFFE800  }
0x368: {  	[tilespmem:s2], [sflag:$0x1] =	stream.linear.gather [hbm4b:s1+s2], $0x1800, $0x38;
	[tilespmem:$0x1800] =	vst v63  }
0x369: {  	_ =	swait.ge [sflag:s4], $0x1800  }
0x36a: {  	[sflag:s4] =	ssyncset.done $0x0  }
0x36b: {  	s1 =	rddreg [dreg:$0xe];
	[sflag:s4] =	ssyncadd.s32 $0xFFFFE800  }
0x36c: {  	[hbm4b:s1+s2] =	stream.linear.scatter [tilespmem:s2], [sflag:$0x1], $0x1800, $0x38;
	[tilespmem:$0x1800] =	vst v63  }
0x36d: {  	_ =	swait.ge [sflag:s4], $0x1800  }
0x36e: {  	[sflag:s4] =	ssyncset.done $0x0  }
0x36f: {  	s1 =	rddreg [dreg:$0xf];
	[sflag:s4] =	ssyncadd.s32 $0xFFFFE800  }
0x370: {  	[tilespmem:s2], [sflag:$0x1] =	stream.linear.gather [hbm4b:s1+s2], $0x1800, $0x38;
	[tilespmem:$0x1800] =	vst v63  }
0x371: {  	_ =	swait.ge [sflag:s4], $0x1800  }
0x372: {  	[sflag:s4] =	ssyncset.done $0x0  }
0x373: {  	s1 =	rddreg [dreg:$0x10];
	[sflag:s4] =	ssyncadd.s32 $0xFFFFE800  }
0x374: {  	[hbm4b:s1+s2] =	stream.linear.scatter [tilespmem:s2], [sflag:$0x1], $0x1800, $0x38;
	[tilespmem:$0x1800] =	vst v63  }
0x375: {  	_ =	swait.ge [sflag:s4], $0x1800  }
0x376: {  	[sflag:s4] =	ssyncset.done $0x0  }
0x377: {  	s1 =	rddreg [dreg:$0x11];
	[sflag:s4] =	ssyncadd.s32 $0xFFFFE800  }
0x378: {  	[tilespmem:s2], [sflag:$0x1] =	stream.linear.gather [hbm4b:s1+s2], $0x1800, $0x38;
	[tilespmem:$0x1800] =	vst v63  }
0x379: {  	_ =	swait.ge [sflag:s4], $0x1800  }
0x37a: {  	[sflag:s4] =	ssyncset.done $0x0  }
0x37b: {  	s1 =	rddreg [dreg:$0x12];
	[sflag:s4] =	ssyncadd.s32 $0xFFFFE800  }
0x37c: {  	[hbm4b:s1+s2] =	stream.linear.scatter [tilespmem:s2], [sflag:$0x1], $0x1800, $0x38;
	[tilespmem:$0x1800] =	vst v63  }
0x37d: {  	_ =	swait.ge [sflag:s4], $0x1800  }
0x37e: {  	[sflag:s4] =	ssyncset.done $0x0  }
0x37f: {  	s1 =	rddreg [dreg:$0x13];
	[sflag:s4] =	ssyncadd.s32 $0xFFFFE800  }
0x380: {  	[tilespmem:s2], [sflag:$0x1] =	stream.linear.gather [hbm4b:s1+s2], $0x1800, $0x38;
	[tilespmem:$0x1800] =	vst v63  }
0x381: {  	_ =	swait.ge [sflag:s4], $0x1800  }
0x382: {  	[sflag:s4] =	ssyncset.done $0x0  }
0x383: {  	s1 =	rddreg [dreg:$0x14];
	[sflag:s4] =	ssyncadd.s32 $0xFFFFE800  }
0x384: {  	[hbm4b:s1+s2] =	stream.linear.scatter [tilespmem:s2], [sflag:$0x1], $0x1800, $0x38;
	[tilespmem:$0x1800] =	vst v63  }
0x385: {  	_ =	swait.ge [sflag:s4], $0x1800  }
0x386: {  	[sflag:s4] =	ssyncset.done $0x0  }
0x387: {  	s1 =	rddreg [dreg:$0x15];
	[sflag:s4] =	ssyncadd.s32 $0xFFFFE800  }
0x388: {  	[tilespmem:s2], [sflag:$0x1] =	stream.linear.gather [hbm4b:s1+s2], $0x1800, $0x38;
	[tilespmem:$0x1800] =	vst v63  }
0x389: {  	_ =	swait.ge [sflag:s4], $0x1800  }
0x38a: {  	[sflag:s4] =	ssyncset.done $0x0  }
0x38b: {  	s1 =	rddreg [dreg:$0x16];
	[sflag:s4] =	ssyncadd.s32 $0xFFFFE800  }
0x38c: {  	[hbm4b:s1+s2] =	stream.linear.scatter [tilespmem:s2], [sflag:$0x1], $0x1800, $0x38;
	[tilespmem:$0x1800] =	vst v63  }
0x38d: {  	_ =	swait.ge [sflag:s4], $0x1800  }
0x38e: {  	[sflag:s4] =	ssyncset.done $0x0  }
0x38f: {  	s1 =	rddreg [dreg:$0x17];
	[sflag:s4] =	ssyncadd.s32 $0xFFFFE800  }
0x390: {  	[tilespmem:s2], [sflag:$0x1] =	stream.linear.gather [hbm4b:s1+s2], $0x1800, $0x38;
	[tilespmem:$0x1800] =	vst v63  }
0x391: {  	_ =	swait.ge [sflag:s4], $0x1800  }
0x392: {  	[sflag:s4] =	ssyncset.done $0x0  }
0x393: {  	s1 =	rddreg [dreg:$0x18];
	[sflag:s4] =	ssyncadd.s32 $0xFFFFE800  }
0x394: {  	[hbm4b:s1+s2] =	stream.linear.scatter [tilespmem:s2], [sflag:$0x1], $0x1800, $0x38;
	[tilespmem:$0x1800] =	vst v63  }
0x395: {  	_ =	swait.ge [sflag:s4], $0x1800  }
0x396: {  	[sflag:s4] =	ssyncset.done $0x0  }
0x397: {  	s1 =	rddreg [dreg:$0x19];
	[sflag:s4] =	ssyncadd.s32 $0xFFFFE800  }
0x398: {  	[tilespmem:s2], [sflag:$0x1] =	stream.linear.gather [hbm4b:s1+s2], $0x1800, $0x38;
	[tilespmem:$0x1800] =	vst v63  }
0x399: {  	_ =	swait.ge [sflag:s4], $0x1800  }
0x39a: {  	[sflag:s4] =	ssyncset.done $0x0  }
0x39b: {  	s1 =	rddreg [dreg:$0x1a];
	[sflag:s4] =	ssyncadd.s32 $0xFFFFE800  }
0x39c: {  	[hbm4b:s1+s2] =	stream.linear.scatter [tilespmem:s2], [sflag:$0x1], $0x1800, $0x38;
	[tilespmem:$0x1800] =	vst v63  }
0x39d: {  	_ =	swait.ge [sflag:s4], $0x1800  }
0x39e: {  	[sflag:s4] =	ssyncset.done $0x0  }
0x39f: {  	s1 =	rddreg [dreg:$0x1b];
	[sflag:s4] =	ssyncadd.s32 $0xFFFFE800  }
0x3a0: {  	[tilespmem:s2], [sflag:$0x1] =	stream.linear.gather [hbm4b:s1+s2], $0x1800, $0x38;
	[tilespmem:$0x1800] =	vst v63  }
0x3a1: {  	_ =	swait.ge [sflag:s4], $0x1800  }
0x3a2: {  	[sflag:s4] =	ssyncset.done $0x0  }
0x3a3: {  	s1 =	rddreg [dreg:$0x1c];
	[sflag:s4] =	ssyncadd.s32 $0xFFFFE800  }
0x3a4: {  	[hbm4b:s1+s2] =	stream.linear.scatter [tilespmem:s2], [sflag:$0x1], $0x1800, $0x38;
	[tilespmem:$0x1800] =	vst v63  }
0x3a5: {  	_ =	swait.ge [sflag:s4], $0x1800  }
0x3a6: {  	[sflag:s4] =	ssyncset.done $0x0  }
0x3a7: {  	s1 =	rddreg [dreg:$0x1d];
	[sflag:s4] =	ssyncadd.s32 $0xFFFFE800  }
0x3a8: {  	[tilespmem:s2], [sflag:$0x1] =	stream.linear.gather [hbm4b:s1+s2], $0x1800, $0x38;
	[tilespmem:$0x1800] =	vst v63  }
0x3a9: {  	_ =	swait.ge [sflag:s4], $0x1800  }
0x3aa: {  	[sflag:s4] =	ssyncset.done $0x0  }
0x3ab: {  	s1 =	rddreg [dreg:$0x1e];
	[sflag:s4] =	ssyncadd.s32 $0xFFFFE800  }
0x3ac: {  	[hbm4b:s1+s2] =	stream.linear.scatter [tilespmem:s2], [sflag:$0x1], $0x1800, $0x38;
	[tilespmem:$0x1800] =	vst v63  }
0x3ad: {  	_ =	swait.ge [sflag:s4], $0x1800  }
0x3ae: {  	[sflag:s4] =	ssyncset.done $0x0  }
0x3af: {  	s1 =	rddreg [dreg:$0x1f];
	[sflag:s4] =	ssyncadd.s32 $0xFFFFE800  }
0x3b0: {  	[tilespmem:s2], [sflag:$0x1] =	stream.linear.gather [hbm4b:s1+s2], $0x1800, $0x38;
	[tilespmem:$0x1800] =	vst v63  }
0x3b1: {  	_ =	swait.ge [sflag:s4], $0x1800  }
0x3b2: {  	s1 =	sld [smem:$0x7DF]  }
0x3b3: {  	[sflag:s4] =	ssyncset.done $0x0  }
0x3b4: {  	[sflag:s4] =	ssyncadd.s32 $0xFFFFE800  }
0x3b5: {  	[hbm4b:s1+s2] =	stream.linear.scatter [tilespmem:s2], [sflag:$0x1], $0x1800, $0x38;
	[tilespmem:$0x1800] =	vst v63  }
0x3b6: {  	_ =	swait.ge [sflag:s4], $0x1800  }
0x3b7: {  	s1 =	sld [smem:$0x7E0]  }
0x3b8: {  	[sflag:s4] =	ssyncset.done $0x0  }
0x3b9: {  	[sflag:s4] =	ssyncadd.s32 $0xFFFFE800  }
0x3ba: {  	[tilespmem:s2], [sflag:$0x1] =	stream.linear.gather [hbm4b:s1+s2], $0x1800, $0x38;
	[tilespmem:$0x1800] =	vst v63  }
0x3bb: {  	_ =	swait.ge [sflag:s4], $0x1800  }
0x3bc: {  	s1 =	sld [smem:$0x7E1]  }
0x3bd: {  	[sflag:s4] =	ssyncset.done $0x0  }
0x3be: {  	[sflag:s4] =	ssyncadd.s32 $0xFFFFE800  }
0x3bf: {  	[hbm4b:s1+s2] =	stream.linear.scatter [tilespmem:s2], [sflag:$0x1], $0x1800, $0x38;
	[tilespmem:$0x1800] =	vst v63  }
0x3c0: {  	_ =	swait.ge [sflag:s4], $0x1800  }
0x3c1: {  	s1 =	sld [smem:$0x7E2]  }
0x3c2: {  	[sflag:s4] =	ssyncset.done $0x0  }
0x3c3: {  	[sflag:s4] =	ssyncadd.s32 $0xFFFFE800  }
0x3c4: {  	[tilespmem:s2], [sflag:$0x1] =	stream.linear.gather [hbm4b:s1+s2], $0x1800, $0x38;
	[tilespmem:$0x1800] =	vst v63  }
0x3c5: {  	_ =	swait.ge [sflag:s4], $0x1800  }
0x3c6: {  	s1 =	sld [smem:$0x7E3]  }
0x3c7: {  	[sflag:s4] =	ssyncset.done $0x0  }
0x3c8: {  	[sflag:s4] =	ssyncadd.s32 $0xFFFFE800  }
0x3c9: {  	[hbm4b:s1+s2] =	stream.linear.scatter [tilespmem:s2], [sflag:$0x1], $0x1800, $0x38;
	[tilespmem:$0x1800] =	vst v63  }
0x3ca: {  	_ =	swait.ge [sflag:s4], $0x1800  }
0x3cb: {  	s1 =	sld [smem:$0x7E4]  }
0x3cc: {  	[sflag:s4] =	ssyncset.done $0x0  }
0x3cd: {  	[sflag:s4] =	ssyncadd.s32 $0xFFFFE800  }
0x3ce: {  	[tilespmem:s2], [sflag:$0x1] =	stream.linear.gather [hbm4b:s1+s2], $0x1800, $0x38;
	[tilespmem:$0x1800] =	vst v63  }
0x3cf: {  	_ =	swait.ge [sflag:s4], $0x1800  }
0x3d0: {  	s1 =	sld [smem:$0x7E5]  }
0x3d1: {  	[sflag:s4] =	ssyncset.done $0x0  }
0x3d2: {  	[sflag:s4] =	ssyncadd.s32 $0xFFFFE800  }
0x3d3: {  	[hbm4b:s1+s2] =	stream.linear.scatter [tilespmem:s2], [sflag:$0x1], $0x1800, $0x38;
	[tilespmem:$0x1800] =	vst v63  }
0x3d4: {  	_ =	swait.ge [sflag:s4], $0x1800  }
0x3d5: {  	s1 =	sld [smem:$0x7E6]  }
0x3d6: {  	[sflag:s4] =	ssyncset.done $0x0  }
0x3d7: {  	[sflag:s4] =	ssyncadd.s32 $0xFFFFE800  }
0x3d8: {  	[tilespmem:s2], [sflag:$0x1] =	stream.linear.gather [hbm4b:s1+s2], $0x1800, $0x38;
	[tilespmem:$0x1800] =	vst v63  }
0x3d9: {  	_ =	swait.ge [sflag:s4], $0x1800  }
0x3da: {  	s1 =	sld [smem:$0x7E7]  }
0x3db: {  	[sflag:s4] =	ssyncset.done $0x0  }
0x3dc: {  	[sflag:s4] =	ssyncadd.s32 $0xFFFFE800  }
0x3dd: {  	[hbm4b:s1+s2] =	stream.linear.scatter [tilespmem:s2], [sflag:$0x1], $0x1800, $0x38;
	[tilespmem:$0x1800] =	vst v63  }
0x3de: {  	_ =	swait.ge [sflag:s4], $0x1800  }
0x3df: {  	s1 =	sld [smem:$0x7E8]  }
0x3e0: {  	[sflag:s4] =	ssyncset.done $0x0  }
0x3e1: {  	[sflag:s4] =	ssyncadd.s32 $0xFFFFE800  }
0x3e2: {  	[tilespmem:s2], [sflag:$0x1] =	stream.linear.gather [hbm4b:s1+s2], $0x1800, $0x38;
	[tilespmem:$0x1800] =	vst v63  }
0x3e3: {  	_ =	swait.ge [sflag:s4], $0x1800  }
0x3e4: {  	s1 =	sld [smem:$0x7E9]  }
0x3e5: {  	[sflag:s4] =	ssyncset.done $0x0  }
0x3e6: {  	[sflag:s4] =	ssyncadd.s32 $0xFFFFE800  }
0x3e7: {  	[hbm4b:s1+s2] =	stream.linear.scatter [tilespmem:s2], [sflag:$0x1], $0x1800, $0x38;
	[tilespmem:$0x1800] =	vst v63  }
0x3e8: {  	_ =	swait.ge [sflag:s4], $0x1800  }
0x3e9: {  	s1 =	sld [smem:$0x7EA]  }
0x3ea: {  	[sflag:s4] =	ssyncset.done $0x0  }
0x3eb: {  	[sflag:s4] =	ssyncadd.s32 $0xFFFFE800  }
0x3ec: {  	[tilespmem:s2], [sflag:$0x1] =	stream.linear.gather [hbm4b:s1+s2], $0x1800, $0x38;
	[tilespmem:$0x1800] =	vst v63  }
0x3ed: {  	_ =	swait.ge [sflag:s4], $0x1800  }
0x3ee: {  	s1 =	sld [smem:$0x7EB]  }
0x3ef: {  	[sflag:s4] =	ssyncset.done $0x0  }
0x3f0: {  	[sflag:s4] =	ssyncadd.s32 $0xFFFFE800  }
0x3f1: {  	[hbm4b:s1+s2] =	stream.linear.scatter [tilespmem:s2], [sflag:$0x1], $0x1800, $0x38;
	[tilespmem:$0x1800] =	vst v63  }
0x3f2: {  	_ =	swait.ge [sflag:s4], $0x1800  }
0x3f3: {  	s1 =	sld [smem:$0x7EC]  }
0x3f4: {  	[sflag:s4] =	ssyncset.done $0x0  }
0x3f5: {  	[sflag:s4] =	ssyncadd.s32 $0xFFFFE800  }
0x3f6: {  	[tilespmem:s2], [sflag:$0x1] =	stream.linear.gather [hbm4b:s1+s2], $0x1800, $0x38;
	[tilespmem:$0x1800] =	vst v63  }
0x3f7: {  	_ =	swait.ge [sflag:s4], $0x1800  }
0x3f8: {  	s1 =	sld [smem:$0x7ED]  }
0x3f9: {  	[sflag:s4] =	ssyncset.done $0x0  }
0x3fa: {  	[sflag:s4] =	ssyncadd.s32 $0xFFFFE800  }
0x3fb: {  	[hbm4b:s1+s2] =	stream.linear.scatter [tilespmem:s2], [sflag:$0x1], $0x1800, $0x38;
	[tilespmem:$0x1800] =	vst v63  }
0x3fc: {  	_ =	swait.ge [sflag:s4], $0x1800  }
0x3fd: {  	s1 =	sld [smem:$0x7EE]  }
0x3fe: {  	[sflag:s4] =	ssyncset.done $0x0  }
0x3ff: {  	[sflag:s4] =	ssyncadd.s32 $0xFFFFE800  }
0x400: {  	[tilespmem:s2], [sflag:$0x1] =	stream.linear.gather [hbm4b:s1+s2], $0x1800, $0x38;
	[tilespmem:$0x1800] =	vst v63  }
0x401: {  	_ =	swait.ge [sflag:s4], $0x1800  }
0x402: {  	s1 =	sld [smem:$0x7EF]  }
0x403: {  	[sflag:s4] =	ssyncset.done $0x0  }
0x404: {  	[sflag:s4] =	ssyncadd.s32 $0xFFFFE800  }
0x405: {  	[hbm4b:s1+s2] =	stream.linear.scatter [tilespmem:s2], [sflag:$0x1], $0x1800, $0x38;
	[tilespmem:$0x1800] =	vst v63  }
0x406: {  	_ =	swait.ge [sflag:s4], $0x1800  }
0x407: {  	s1 =	sld [smem:$0x7F0]  }
0x408: {  	[sflag:s4] =	ssyncset.done $0x0  }
0x409: {  	[sflag:s4] =	ssyncadd.s32 $0xFFFFE800  }
0x40a: {  	[tilespmem:s2], [sflag:$0x1] =	stream.linear.gather [hbm4b:s1+s2], $0x1800, $0x38;
	[tilespmem:$0x1800] =	vst v63  }
0x40b: {  	_ =	swait.ge [sflag:s4], $0x1800  }
0x40c: {  	s1 =	sld [smem:$0x7F1]  }
0x40d: {  	[sflag:s4] =	ssyncset.done $0x0  }
0x40e: {  	[sflag:s4] =	ssyncadd.s32 $0xFFFFE800  }
0x40f: {  	[hbm4b:s1+s2] =	stream.linear.scatter [tilespmem:s2], [sflag:$0x1], $0x1800, $0x38;
	[tilespmem:$0x1800] =	vst v63  }
0x410: {  	_ =	swait.ge [sflag:s4], $0x1800  }
0x411: {  	s1 =	sld [smem:$0x7F2]  }
0x412: {  	[sflag:s4] =	ssyncset.done $0x0  }
0x413: {  	[sflag:s4] =	ssyncadd.s32 $0xFFFFE800  }
0x414: {  	[tilespmem:s2], [sflag:$0x1] =	stream.linear.gather [hbm4b:s1+s2], $0x1800, $0x38;
	[tilespmem:$0x1800] =	vst v63  }
0x415: {  	_ =	swait.ge [sflag:s4], $0x1800  }
0x416: {  	s1 =	sld [smem:$0x7F3]  }
0x417: {  	[sflag:s4] =	ssyncset.done $0x0  }
0x418: {  	[sflag:s4] =	ssyncadd.s32 $0xFFFFE800  }
0x419: {  	[hbm4b:s1+s2] =	stream.linear.scatter [tilespmem:s2], [sflag:$0x1], $0x1800, $0x38;
	[tilespmem:$0x1800] =	vst v63  }
0x41a: {  	_ =	swait.ge [sflag:s4], $0x1800  }
0x41b: {  	s1 =	sld [smem:$0x7F4]  }
0x41c: {  	[sflag:s4] =	ssyncset.done $0x0  }
0x41d: {  	[sflag:s4] =	ssyncadd.s32 $0xFFFFE800  }
0x41e: {  	[tilespmem:s2], [sflag:$0x1] =	stream.linear.gather [hbm4b:s1+s2], $0x1800, $0x38;
	[tilespmem:$0x1800] =	vst v63  }
0x41f: {  	_ =	swait.ge [sflag:s4], $0x1800  }
0x420: {  	s1 =	sld [smem:$0x7F5]  }
0x421: {  	[sflag:s4] =	ssyncset.done $0x0  }
0x422: {  	[sflag:s4] =	ssyncadd.s32 $0xFFFFE800  }
0x423: {  	[hbm4b:s1+s2] =	stream.linear.scatter [tilespmem:s2], [sflag:$0x1], $0x1800, $0x38;
	[tilespmem:$0x1800] =	vst v63  }
0x424: {  	_ =	swait.ge [sflag:s4], $0x1800  }
0x425: {  	s1 =	sld [smem:$0x7F6]  }
0x426: {  	[sflag:s4] =	ssyncset.done $0x0  }
0x427: {  	[sflag:s4] =	ssyncadd.s32 $0xFFFFE800  }
0x428: {  	[tilespmem:s2], [sflag:$0x1] =	stream.linear.gather [hbm4b:s1+s2], $0x1800, $0x38;
	[tilespmem:$0x1800] =	vst v63  }
0x429: {  	_ =	swait.ge [sflag:s4], $0x1800  }
0x42a: {  	s1 =	sld [smem:$0x7F7]  }
0x42b: {  	[sflag:s4] =	ssyncset.done $0x0  }
0x42c: {  	[sflag:s4] =	ssyncadd.s32 $0xFFFFE800  }
0x42d: {  	[hbm4b:s1+s2] =	stream.linear.scatter [tilespmem:s2], [sflag:$0x1], $0x1800, $0x38;
	[tilespmem:$0x1800] =	vst v63  }
0x42e: {  	_ =	swait.ge [sflag:s4], $0x1800  }
0x42f: {  	s1 =	sld [smem:$0x7F8]  }
0x430: {  	[sflag:s4] =	ssyncset.done $0x0  }
0x431: {  	[sflag:s4] =	ssyncadd.s32 $0xFFFFE800  }
0x432: {  	[tilespmem:s2], [sflag:$0x1] =	stream.linear.gather [hbm4b:s1+s2], $0x1800, $0x38;
	[tilespmem:$0x1800] =	vst v63  }
0x433: {  	_ =	swait.ge [sflag:s4], $0x1800  }
0x434: {  	s1 =	sld [smem:$0x7F9]  }
0x435: {  	[sflag:s4] =	ssyncset.done $0x0  }
0x436: {  	[sflag:s4] =	ssyncadd.s32 $0xFFFFE800  }
0x437: {  	[hbm4b:s1+s2] =	stream.linear.scatter [tilespmem:s2], [sflag:$0x1], $0x1800, $0x38;
	[tilespmem:$0x1800] =	vst v63  }
0x438: {  	_ =	swait.ge [sflag:s4], $0x1800  }
0x439: {  	s1 =	sld [smem:$0x7FA]  }
0x43a: {  	[sflag:s4] =	ssyncset.done $0x0  }
0x43b: {  	[sflag:s4] =	ssyncadd.s32 $0xFFFFE800  }
0x43c: {  	[tilespmem:s2], [sflag:$0x1] =	stream.linear.gather [hbm4b:s1+s2], $0x1800, $0x38;
	[tilespmem:$0x1800] =	vst v63  }
0x43d: {  	_ =	swait.ge [sflag:s4], $0x1800  }
0x43e: {  	s1 =	sld [smem:$0x7FB]  }
0x43f: {  	[sflag:s4] =	ssyncset.done $0x0  }
0x440: {  	[sflag:s4] =	ssyncadd.s32 $0xFFFFE800  }
0x441: {  	[hbm4b:s1+s2] =	stream.linear.scatter [tilespmem:s2], [sflag:$0x1], $0x1800, $0x38;
	[tilespmem:$0x1800] =	vst v63  }
0x442: {  	_ =	swait.ge [sflag:s4], $0x1800  }
0x443: {  	s1 =	sld [smem:$0x7FC]  }
0x444: {  	[sflag:s4] =	ssyncset.done $0x0  }
0x445: {  	[sflag:s4] =	ssyncadd.s32 $0xFFFFE800  }
0x446: {  	[tilespmem:s2], [sflag:$0x1] =	stream.linear.gather [hbm4b:s1+s2], $0x1800, $0x38;
	[tilespmem:$0x1800] =	vst v63  }
0x447: {  	_ =	swait.ge [sflag:s4], $0x1800  }
0x448: {  	[sflag:s4] =	ssyncset.done $0x0  }
0x449: {  	[sflag:s4] =	ssyncadd.s32 $0xFFFFE800  }
0x44a: {  	[hbm4b:s31+s2] =	stream.linear.scatter [tilespmem:s2], [sflag:$0x1], $0x1800, $0x38;
	[tilespmem:$0x1800] =	vst v63  }
0x44b: {  	_ =	swait.ge [sflag:s4], $0x1800  }
0x44c: {  	[sflag:s4] =	ssyncset.done $0x0  }
0x44d: {  	[sflag:s4] =	ssyncadd.s32 $0xFFFFE800  }
0x44e: {  	[tilespmem:s2], [sflag:$0x1] =	stream.linear.gather [hbm4b:s30+s2], $0x1800, $0x38;
	[tilespmem:$0x1800] =	vst v63  }
0x44f: {  	_ =	swait.ge [sflag:s4], $0x1800  }
0x450: {  	[sflag:s4] =	ssyncset.done $0x0  }
0x451: {  	[sflag:s4] =	ssyncadd.s32 $0xFFFFE800  }
0x452: {  	[hbm4b:s29+s2] =	stream.linear.scatter [tilespmem:s2], [sflag:$0x1], $0x1800, $0x38;
	[tilespmem:$0x1800] =	vst v63  }
0x453: {  	_ =	swait.ge [sflag:s4], $0x1800  }
0x454: {  	[sflag:s4] =	ssyncset.done $0x0  }
0x455: {  	[sflag:s4] =	ssyncadd.s32 $0xFFFFE800  }
0x456: {  	[tilespmem:s2], [sflag:$0x1] =	stream.linear.gather [hbm4b:s28+s2], $0x1800, $0x38;
	[tilespmem:$0x1800] =	vst v63  }
0x457: {  	_ =	swait.ge [sflag:s4], $0x1800  }
0x458: {  	[sflag:s4] =	ssyncset.done $0x0  }
0x459: {  	[sflag:s4] =	ssyncadd.s32 $0xFFFFE800  }
0x45a: {  	[hbm4b:s26+s2] =	stream.linear.scatter [tilespmem:s2], [sflag:$0x1], $0x1800, $0x38;
	[tilespmem:$0x1800] =	vst v63  }
0x45b: {  	_ =	swait.ge [sflag:s4], $0x1800  }
0x45c: {  	[sflag:s4] =	ssyncset.done $0x0  }
0x45d: {  	[sflag:s4] =	ssyncadd.s32 $0xFFFFE800  }
0x45e: {  	[tilespmem:s2], [sflag:$0x1] =	stream.linear.gather [hbm4b:s25+s2], $0x1800, $0x38;
	[tilespmem:$0x1800] =	vst v63  }
0x45f: {  	_ =	swait.ge [sflag:s4], $0x1800  }
0x460: {  	[sflag:s4] =	ssyncset.done $0x0  }
0x461: {  	[sflag:s4] =	ssyncadd.s32 $0xFFFFE800  }
0x462: {  	[hbm4b:s24+s2] =	stream.linear.scatter [tilespmem:s2], [sflag:$0x1], $0x1800, $0x38;
	[tilespmem:$0x1800] =	vst v63  }
0x463: {  	_ =	swait.ge [sflag:s4], $0x1800  }
0x464: {  	[sflag:s4] =	ssyncset.done $0x0  }
0x465: {  	[sflag:s4] =	ssyncadd.s32 $0xFFFFE800  }
0x466: {  	[tilespmem:s2], [sflag:$0x1] =	stream.linear.gather [hbm4b:s23+s2], $0x1800, $0x38;
	[tilespmem:$0x1800] =	vst v63  }
0x467: {  	_ =	swait.ge [sflag:s4], $0x1800  }
0x468: {  	[sflag:s4] =	ssyncset.done $0x0  }
0x469: {  	[sflag:s4] =	ssyncadd.s32 $0xFFFFE800  }
0x46a: {  	[hbm4b:s22+s2] =	stream.linear.scatter [tilespmem:s2], [sflag:$0x1], $0x1800, $0x38;
	[tilespmem:$0x1800] =	vst v63  }
0x46b: {  	_ =	swait.ge [sflag:s4], $0x1800  }
0x46c: {  	[sflag:s4] =	ssyncset.done $0x0  }
0x46d: {  	[sflag:s4] =	ssyncadd.s32 $0xFFFFE800  }
0x46e: {  	[tilespmem:s2], [sflag:$0x1] =	stream.linear.gather [hbm4b:s21+s2], $0x1800, $0x38;
	[tilespmem:$0x1800] =	vst v63  }
0x46f: {  	_ =	swait.ge [sflag:s4], $0x1800  }
0x470: {  	[sflag:s4] =	ssyncset.done $0x0  }
0x471: {  	[sflag:s4] =	ssyncadd.s32 $0xFFFFE800  }
0x472: {  	[hbm4b:s20+s2] =	stream.linear.scatter [tilespmem:s2], [sflag:$0x1], $0x1800, $0x38;
	[tilespmem:$0x1800] =	vst v63  }
0x473: {  	_ =	swait.ge [sflag:s4], $0x1800  }
0x474: {  	[sflag:s4] =	ssyncset.done $0x0  }
0x475: {  	[sflag:s4] =	ssyncadd.s32 $0xFFFFE800  }
0x476: {  	[tilespmem:s2], [sflag:$0x1] =	stream.linear.gather [hbm4b:s19+s2], $0x1800, $0x38;
	[tilespmem:$0x1800] =	vst v63  }
0x477: {  	_ =	swait.ge [sflag:s4], $0x1800  }
0x478: {  	[sflag:s4] =	ssyncset.done $0x0  }
0x479: {  	[sflag:s4] =	ssyncadd.s32 $0xFFFFE800  }
0x47a: {  	[hbm4b:s18+s2] =	stream.linear.scatter [tilespmem:s2], [sflag:$0x1], $0x1800, $0x38;
	[tilespmem:$0x1800] =	vst v63  }
0x47b: {  	_ =	swait.ge [sflag:s4], $0x1800  }
0x47c: {  	[sflag:s4] =	ssyncset.done $0x0  }
0x47d: {  	[sflag:s4] =	ssyncadd.s32 $0xFFFFE800  }
0x47e: {  	[tilespmem:s2], [sflag:$0x1] =	stream.linear.gather [hbm4b:s17+s2], $0x1800, $0x38;
	[tilespmem:$0x1800] =	vst v63  }
0x47f: {  	_ =	swait.ge [sflag:s4], $0x1800  }
0x480: {  	[sflag:s4] =	ssyncset.done $0x0  }
0x481: {  	[sflag:s4] =	ssyncadd.s32 $0xFFFFE800  }
0x482: {  	[hbm4b:s16+s2] =	stream.linear.scatter [tilespmem:s2], [sflag:$0x1], $0x1800, $0x38;
	[tilespmem:$0x1800] =	vst v63  }
0x483: {  	_ =	swait.ge [sflag:s4], $0x1800  }
0x484: {  	[sflag:s4] =	ssyncset.done $0x0  }
0x485: {  	[sflag:s4] =	ssyncadd.s32 $0xFFFFE800  }
0x486: {  	[tilespmem:s2], [sflag:$0x1] =	stream.linear.gather [hbm4b:s15+s2], $0x1800, $0x38;
	[tilespmem:$0x1800] =	vst v63  }
0x487: {  	_ =	swait.ge [sflag:s4], $0x1800  }
0x488: {  	[sflag:s4] =	ssyncset.done $0x0  }
0x489: {  	[sflag:s4] =	ssyncadd.s32 $0xFFFFE800  }
0x48a: {  	[hbm4b:s14+s2] =	stream.linear.scatter [tilespmem:s2], [sflag:$0x1], $0x1800, $0x38;
	[tilespmem:$0x1800] =	vst v63  }
0x48b: {  	_ =	swait.ge [sflag:s4], $0x1800  }
0x48c: {  	[sflag:s4] =	ssyncset.done $0x0  }
0x48d: {  	[sflag:s4] =	ssyncadd.s32 $0xFFFFE800  }
0x48e: {  	[tilespmem:s2], [sflag:$0x1] =	stream.linear.gather [hbm4b:s13+s2], $0x1800, $0x38;
	[tilespmem:$0x1800] =	vst v63  }
0x48f: {  	_ =	swait.ge [sflag:s4], $0x1800  }
0x490: {  	[sflag:s4] =	ssyncset.done $0x0  }
0x491: {  	[sflag:s4] =	ssyncadd.s32 $0xFFFFE800  }
0x492: {  	[hbm4b:s12+s2] =	stream.linear.scatter [tilespmem:s2], [sflag:$0x1], $0x1800, $0x38;
	[tilespmem:$0x1800] =	vst v63  }
0x493: {  	_ =	swait.ge [sflag:s4], $0x1800  }
0x494: {  	[sflag:s4] =	ssyncset.done $0x0  }
0x495: {  	[sflag:s4] =	ssyncadd.s32 $0xFFFFE800  }
0x496: {  	[tilespmem:s2], [sflag:$0x1] =	stream.linear.gather [hbm4b:s11+s2], $0x1800, $0x38;
	[tilespmem:$0x1800] =	vst v63  }
0x497: {  	_ =	swait.ge [sflag:s4], $0x1800  }
0x498: {  	[sflag:s4] =	ssyncset.done $0x0  }
0x499: {  	[sflag:s4] =	ssyncadd.s32 $0xFFFFE800  }
0x49a: {  	[hbm4b:s10+s2] =	stream.linear.scatter [tilespmem:s2], [sflag:$0x1], $0x1800, $0x38;
	[tilespmem:$0x1800] =	vst v63  }
0x49b: {  	_ =	swait.ge [sflag:s4], $0x1800  }
0x49c: {  	[sflag:s4] =	ssyncset.done $0x0  }
0x49d: {  	[sflag:s4] =	ssyncadd.s32 $0xFFFFE800  }
0x49e: {  	[tilespmem:s2], [sflag:$0x1] =	stream.linear.gather [hbm4b:s9+s2], $0x1800, $0x38;
	[tilespmem:$0x1800] =	vst v63  }
0x49f: {  	_ =	swait.ge [sflag:s4], $0x1800  }
0x4a0: {  	[sflag:s4] =	ssyncset.done $0x0  }
0x4a1: {  	[sflag:s4] =	ssyncadd.s32 $0xFFFFE800  }
0x4a2: {  	[hbm4b:s8+s2] =	stream.linear.scatter [tilespmem:s2], [sflag:$0x1], $0x1800, $0x38;
	[tilespmem:$0x1800] =	vst v63  }
0x4a3: {  	_ =	swait.ge [sflag:s4], $0x1800  }
0x4a4: {  	[sflag:s4] =	ssyncset.done $0x0  }
0x4a5: {  	[sflag:s4] =	ssyncadd.s32 $0xFFFFE800  }
0x4a6: {  	[tilespmem:s2], [sflag:$0x1] =	stream.linear.gather [hbm4b:s7+s2], $0x1800, $0x38;
	[tilespmem:$0x1800] =	vst v63  }
0x4a7: {  	_ =	swait.ge [sflag:s4], $0x1800  }
0x4a8: {  	[sflag:s4] =	ssyncset.done $0x0  }
0x4a9: {  	[sflag:s4] =	ssyncadd.s32 $0xFFFFE800  }
0x4aa: {  	[hbm4b:s6+s2] =	stream.linear.scatter [tilespmem:s2], [sflag:$0x1], $0x1800, $0x38;
	[tilespmem:$0x1800] =	vst v63  }
0x4ab: {  	_ =	swait.ge [sflag:s4], $0x1800  }
0x4ac: {  	[sflag:s4] =	ssyncset.done $0x0  }
0x4ad: {  	[sflag:s4] =	ssyncadd.s32 $0xFFFFE800  }
0x4ae: {  	[tilespmem:s2], [sflag:$0x1] =	stream.linear.gather [hbm4b:s5+s2], $0x1800, $0x38;
	[tilespmem:$0x1800] =	vst v63  }
0x4af: {  	_ =	swait.ge [sflag:s4], $0x1800  }
0x4b0: {  	[sflag:s4] =	ssyncset.done $0x0  }
0x4b1: {  	[sflag:s4] =	ssyncadd.s32 $0xFFFFE800  }
0x4b2: {  	[hbm4b:s3+s2] =	stream.linear.scatter [tilespmem:s2], [sflag:$0x1], $0x1800, $0x38;
	[tilespmem:$0x1800] =	vst v63  }
0x4b3: {  	_ =	swait.ge [sflag:s4], $0x1800  }
0x4b4: {  	[sflag:s4] =	ssyncset.done $0x0  }
0x4b5: {  	[sflag:s4] =	ssyncadd.s32 $0xFFFFE800  }
0x4b6: {  	_ =	sfence.sel $0x180000  }
0x4b7: {  	[bflag:$0x0] =	sbarrier.arrive $0xFFFF  }
0x4b8: {  	_ =	strace $0x90000047  }
0x4b9: {  	s31 =	stileid.u32;
	[bflag:$0x2] =	sbarrier.arrive $0xFFFF  }
0x4ba: {  	p0 =	sne.s32 s31, $0x0;
	s0 =	rddreg [dreg:$0x2]  }
0x4bb: {  	s0 =	sadd.s32 @!p0 $0x100000, s0  }
0x4bc: {  	[sflag:s0] =	ssyncadd.tile.s32 @!p0 $0x1;
	_ =	shalt  }
.Lfunc_end2:
_tile_overlayer_lowered:
.L_overlay_start_2:
0x4bd: {  	(tag) =	ssettag $0x2  }
0x4be: {  	s0 =	rddreg [dreg:$0x0];
	s2 =	stileid.u32  }
0x4bf: {  	s1 =	rddreg [dreg:$0x1];
	p0 =	sne.s32 s2, $0x0  }
0x4c0: {  	s3 =	rddreg [dreg:$0x2];
	[bflag:$0x3] =	sbarrier.arrive $0xFFFF;
	s2 =	simm.s32 @!p0 $0x1C01  }
0x4c1: {  	[timem:s3], [sflag:s2] =	dma.local @!p0 [hbm:s0], s1  }
0x4c2: {  	s0 =	simm.s32 @!p0 $0x1  }
0x4c3: {  	_ =	swait.ge @!p0 [sflag:s0], s1  }
0x4c4: {  	s1 =	ssub.s32 @!p0 $0x0, s1;
	[sflag:s0] =	ssyncset.done @!p0 $0x0  }
0x4c5: {  	[sflag:s0] =	ssyncadd.s32 @!p0 s1  }
0x4c6: {  	[bflag:$0x3] =	sbarrier.arrive $0xFFFF  }
0x4c7: {  	_ =	shalt  }

</sc_bundles>
